<compile_context>
chip_gen: v7x
topology: tpu7x:2x2x1
jax: 0.10.2.dev20260603
libtpu: 0.0.44.dev20260713+nightly
codegen_flags: <defaults>
</compile_context>

<pallas_src>
import functools

import jax
import jax.numpy as jnp
from jax import lax
from jax.experimental import pallas as pl
from jax.experimental.pallas import tpu as pltpu
from jax.experimental.pallas import tpu_sc as plsc

C_LANES = 128
CH = C_LANES // 2
NC = 2
NS = 16
B = 128
DW = 8
RB = 1024
NBUF = 4


def _gscale_body(x_ref, w_ref, d_ref, g2_ref, dis_ref):
    h = jnp.dot(x_ref[...], w_ref[...], preferred_element_type=jnp.float32)
    deg = d_ref[0, :, :1] + d_ref[1, :, :1] + 1.0
    dis = lax.rsqrt(deg)
    g2_ref[0] = h[:, :CH] * dis
    g2_ref[1] = h[:, CH:] * dis
    dis_ref[...] = jnp.broadcast_to(dis, dis_ref.shape)


def _tc_gscale(x, w, deg, np_rows):
    return pl.pallas_call(
        _gscale_body,
        grid=(np_rows // RB,),
        in_specs=[pl.BlockSpec((RB, C_LANES), lambda i: (i, 0)),
                  pl.BlockSpec((C_LANES, C_LANES), lambda i: (0, 0)),
                  pl.BlockSpec((NC, RB, DW), lambda i: (0, i, 0))],
        out_specs=[pl.BlockSpec((NC, RB, CH), lambda i: (0, i, 0)),
                   pl.BlockSpec((RB, 8), lambda i: (i, 0))],
        out_shape=[jax.ShapeDtypeStruct((NC, np_rows, CH), jnp.float32),
                   jax.ShapeDtypeStruct((np_rows, 8), jnp.float32)],
    )(x, w, deg)


def _sc_degree(ei3, np_rows):
    tb = ei3.shape[1]
    tbc = tb // NC
    q, r = divmod(tbc, NS)
    kb_max = q + (1 if r else 0)
    stripe = np_rows // NS
    mesh = plsc.VectorSubcoreMesh(core_axis_name="c", subcore_axis_name="s")

    @functools.partial(
        pl.kernel,
        out_type=jax.ShapeDtypeStruct((NC, np_rows, DW), jnp.float32),
        mesh=mesh,
        scratch_types=[
            pltpu.VMEM((kb_max, B), jnp.int32),
            pltpu.VMEM((B, DW), jnp.float32),
            pltpu.VMEM_SHARED((np_rows, DW), jnp.float32),
            pltpu.SemaphoreType.DMA,
        ],
        compiler_params=pltpu.CompilerParams(use_tc_tiling_on_sc=False),
    )
    def k(ei_hbm, ones_hbm, zeros_hbm, out_hbm, idx_v, ones_v, acc_sh, ssem):
        cid = lax.axis_index("c")
        sid = lax.axis_index("s")

        pltpu.sync_copy(ones_hbm, ones_v)
        pltpu.sync_copy(zeros_hbm, acc_sh.at[pl.ds(sid * stripe, stripe)])
        plsc.subcore_barrier()

        start = cid * tbc + q * sid + jnp.minimum(sid, r)
        kb_dyn = q + jnp.where(sid < r, 1, 0)
        pltpu.sync_copy(ei_hbm.at[1, pl.ds(start, q)], idx_v.at[pl.ds(0, q)])
        if r:
            @pl.when(sid < r)
            def _():
                pltpu.sync_copy(ei_hbm.at[1, pl.ds(start + q, 1)],
                                idx_v.at[pl.ds(q, 1)])

        fire = 8
        nfull = kb_dyn // fire
        def body(bi, carry):
            base = fire * bi
            for p in range(fire):
                pltpu.async_copy(ones_v, acc_sh.at[idx_v.at[base + p]],
                                 ssem, add=True)
            for p in range(fire):
                pltpu.make_async_copy(ones_v, acc_sh.at[idx_v.at[base]],
                                      ssem).wait()
            return carry
        lax.fori_loop(0, nfull, body, 0)

        def tail(bi, carry):
            pltpu.sync_copy(ones_v, acc_sh.at[idx_v.at[bi]], add=True)
            return carry
        lax.fori_loop(nfull * fire, kb_dyn, tail, 0)

        plsc.subcore_barrier()
        pltpu.sync_copy(acc_sh.at[pl.ds(sid * stripe, stripe)],
                        out_hbm.at[cid, pl.ds(sid * stripe, stripe)])

    return k(ei3, jnp.ones((B, DW), jnp.float32),
             jnp.zeros((stripe, DW), jnp.float32))


def _sc_messages(g2, ei3, np_rows):
    tb = ei3.shape[1]
    q, r = divmod(tb, NS)
    kb_max = q + (1 if r else 0)
    stripe = np_rows // NS
    n_init = stripe // B
    mesh = plsc.VectorSubcoreMesh(core_axis_name="c", subcore_axis_name="s")

    @functools.partial(
        pl.kernel,
        out_type=jax.ShapeDtypeStruct((np_rows, C_LANES), jnp.float32),
        mesh=mesh,
        scratch_types=(
            [pltpu.VMEM((kb_max, B), jnp.int32),
             pltpu.VMEM((kb_max, B), jnp.int32)]
            + [pltpu.VMEM((B, CH), jnp.float32) for _ in range(NBUF)]
            + [pltpu.VMEM_SHARED((np_rows, CH), jnp.float32)]
            + [pltpu.SemaphoreType.DMA for _ in range(2 * NBUF)]
        ),
        compiler_params=pltpu.CompilerParams(use_tc_tiling_on_sc=False),
    )
    def k(g_hbm, ei_hbm, out_hbm, src_v, dst_v, *rest):
        bufs = rest[:NBUF]
        acc_sh = rest[NBUF]
        gsems = rest[NBUF + 1:NBUF + 1 + NBUF]
        ssems = rest[NBUF + 1 + NBUF:]
        cid = lax.axis_index("c")
        sid = lax.axis_index("s")

        r0 = bufs[0]
        def zrow(i, carry):
            for j in range(CH // 16):
                r0[i, pl.ds(j * 16, 16)] = jnp.zeros((16,), jnp.float32)
            return carry
        lax.fori_loop(0, B, zrow, 0)
        for t in range(n_init):
            pltpu.sync_copy(r0, acc_sh.at[pl.ds(sid * stripe + t * B, B)])
        plsc.subcore_barrier()

        start = q * sid + jnp.minimum(sid, r)
        kb_dyn = q + jnp.where(sid < r, 1, 0)
        pltpu.sync_copy(ei_hbm.at[0, pl.ds(start, q)], src_v.at[pl.ds(0, q)])
        pltpu.sync_copy(ei_hbm.at[1, pl.ds(start, q)], dst_v.at[pl.ds(0, q)])
        if r:
            @pl.when(sid < r)
            def _():
                pltpu.sync_copy(ei_hbm.at[0, pl.ds(start + q, 1)],
                                src_v.at[pl.ds(q, 1)])
                pltpu.sync_copy(ei_hbm.at[1, pl.ds(start + q, 1)],
                                dst_v.at[pl.ds(q, 1)])

        g_core = g_hbm.at[cid]

        nfull = kb_dyn // NBUF
        for p in range(NBUF):
            pltpu.async_copy(g_core.at[src_v.at[p]], bufs[p], gsems[p])

        def body(gi, carry):
            base = NBUF * gi
            for p in range(NBUF):
                pltpu.make_async_copy(
                    g_core.at[src_v.at[base + p]], bufs[p], gsems[p]).wait()
                pltpu.async_copy(
                    bufs[p], acc_sh.at[dst_v.at[base + p]], ssems[p],
                    add=True)

            @pl.when(gi < nfull - 1)
            def _():
                for p in range(NBUF):
                    pltpu.make_async_copy(
                        bufs[p], acc_sh.at[dst_v.at[base + p]],
                        ssems[p]).wait()
                    pltpu.async_copy(
                        g_core.at[src_v.at[base + NBUF + p]], bufs[p],
                        gsems[p])
            return carry
        lax.fori_loop(0, nfull, body, 0)

        for p in range(NBUF):
            pltpu.make_async_copy(
                bufs[p], acc_sh.at[dst_v.at[0]], ssems[p]).wait()

        def tail(bi, carry):
            pltpu.async_copy(g_core.at[src_v.at[bi]], bufs[0], gsems[0])
            pltpu.make_async_copy(
                g_core.at[src_v.at[bi]], bufs[0], gsems[0]).wait()
            pltpu.sync_copy(bufs[0], acc_sh.at[dst_v.at[bi]], add=True)
            return carry
        lax.fori_loop(nfull * NBUF, kb_dyn, tail, 0)

        plsc.subcore_barrier()
        pltpu.sync_copy(
            acc_sh.at[pl.ds(sid * stripe, stripe)],
            out_hbm.at[pl.ds(sid * stripe, stripe), pl.ds(cid * CH, CH)])

    return k(g2, ei3)


def _final_body(q_ref, g_ref, dis_ref, b_ref, o_ref):
    s = dis_ref[:, :1]
    full = jnp.concatenate(
        [q_ref[:, :CH] + g_ref[0], q_ref[:, CH:] + g_ref[1]], axis=1)
    o_ref[...] = jnp.maximum(full * s + b_ref[:1], 0.0)


def _tc_final(q, g2, dis, bias, n):
    rb_f = max(r for r in (2048, 2000, 1024, 512, 400, 256, 128, 16, 8)
               if n % r == 0)
    return pl.pallas_call(
        _final_body,
        grid=(n // rb_f,),
        in_specs=[pl.BlockSpec((rb_f, C_LANES), lambda i: (i, 0)),
                  pl.BlockSpec((NC, rb_f, CH), lambda i: (0, i, 0)),
                  pl.BlockSpec((rb_f, 8), lambda i: (i, 0)),
                  pl.BlockSpec((8, C_LANES), lambda i: (0, 0))],
        out_specs=pl.BlockSpec((rb_f, C_LANES), lambda i: (i, 0)),
        out_shape=jax.ShapeDtypeStruct((n, C_LANES), jnp.float32),
    )(q, g2, dis, bias)


def kernel(x, edge_index, W, b):
    n, c = x.shape
    e = edge_index.shape[1]
    assert c == C_LANES

    align = 2048
    np_rows = -(-(n + 1) // align) * align
    assert e % (NC * B) == 0, "edge count must be a multiple of 256"
    ei3 = edge_index.astype(jnp.int32).reshape(2, e // B, B)

    deg = _sc_degree(ei3, np_rows)
    g2, dis = _tc_gscale(x, W, deg, np_rows)
    q = _sc_messages(g2, ei3, np_rows)
    bias = jnp.broadcast_to(b.reshape(1, C_LANES), (8, C_LANES))
    return _tc_final(q, g2, dis, bias, n)

# --- scband reference (transcript-rebuilt; emitter-appended) ---
"""Pipeline reference for scband-gcn-50208167690349 (READ-ONLY COPY).

The authoritative reference and input builder live on the scoring server;
editing this copy changes nothing except your own understanding.
"""

import jax, jax.numpy as jnp
import numpy as np

N_NODES = 10000
N_EDGES = 320000
IN_CH = 128
OUT_CH = 128

def setup_inputs(seed: int = 0) -> dict:
    key = jax.random.key(seed)
    k1, k2, k3, k4 = jax.random.split(key, 4)
    x = jax.random.normal(k1, (N_NODES, IN_CH), dtype=jnp.float32)
    edge_index = jax.random.randint(k2, (2, N_EDGES), 0, N_NODES, dtype=jnp.int64)
    # GCNConv learned parameters (glorot-style scale for numerical sanity)
    W = jax.random.normal(k3, (IN_CH, OUT_CH), dtype=jnp.float32) * (1.0 / np.sqrt(IN_CH))
    b = jax.random.normal(k4, (OUT_CH,), dtype=jnp.float32) * 0.01
    return {"x": x, "edge_index": edge_index, "W": W, "b": b}

def reference(x, edge_index, W, b):
    # GCNConv with self-loops and symmetric normalization, followed by ReLU
    N = x.shape[0]
    loop = jnp.arange(N, dtype=edge_index.dtype)
    src = jnp.concatenate([edge_index[0], loop])
    dst = jnp.concatenate([edge_index[1], loop])
    # linear transform first (PyG GCNConv applies weight before propagation)
    h = x @ W
    # degree of destination nodes (with self loops)
    deg = jnp.zeros((N,), dtype=jnp.float32).at[dst].add(1.0)
    deg_inv_sqrt = jnp.where(deg > 0, jax.lax.rsqrt(jnp.maximum(deg, 1e-12)), 0.0)
    norm = deg_inv_sqrt[src] * deg_inv_sqrt[dst]
    msg = h[src] * norm[:, None]
    out = jax.ops.segment_sum(msg, dst, num_segments=N)
    out = out + b
    out = jax.nn.relu(out)
    return out

if __name__ == "__main__":
    import jax
    _d = setup_inputs()
    print(jax.jit(kernel)(*tuple(_d.values())))

</pallas_src>

<mosaic_0001>
#map = affine_map<(d0, d1) -> (0, 0, 0)>
#map1 = affine_map<(d0, d1) -> (0, 0)>
module attributes {stable_mosaic.version = 14 : i64} {
  func.func @k(%arg0: i32, %arg1: i32, %arg2: memref<2x2500x128xi32, #tpu.memory_space<hbm>>, %arg3: memref<128x8xf32, #tpu.memory_space<hbm>>, %arg4: memref<640x8xf32, #tpu.memory_space<hbm>>, %arg5: memref<2x10240x8xf32, #tpu.memory_space<hbm>>, %arg6: memref<79x128xi32, #tpu.memory_space<vmem>>, %arg7: memref<128x8xf32, #tpu.memory_space<vmem>>, %arg8: memref<10240x8xf32, #tpu.memory_space<vmem_shared>>, %arg9: memref<!tpu.dma_semaphore, #tpu.memory_space<semaphore_mem>>) attributes {dimension_semantics = [#tpu.dimension_semantics<core_parallel>, #tpu.dimension_semantics<subcore_parallel>], iteration_bounds = array<i64: 2, 16>, scalar_prefetch = 0 : i64, scratch_operands = 4 : i64, tpu.core_type = #tpu.core_type<sc_vector_subcore>, window_params = [{transform_indices = #map}, {transform_indices = #map1}, {transform_indices = #map1}, {transform_indices = #map}]} {
    "tpu.region"() ({
      %run_scoped3A_57 = tpu.sem_alloc : memref<!tpu.dma_semaphore, #tpu.memory_space<semaphore_mem>>
      tpu.enqueue_dma source(%arg3 : memref<128x8xf32, #tpu.memory_space<hbm>>) target(%arg7 : memref<128x8xf32, #tpu.memory_space<vmem>>) target_semaphore(%run_scoped3A_57 : memref<!tpu.dma_semaphore, #tpu.memory_space<semaphore_mem>>)
      tpu.wait_dma2 semaphore(%run_scoped3A_57 : memref<!tpu.dma_semaphore, #tpu.memory_space<semaphore_mem>>) src(%arg3 : memref<128x8xf32, #tpu.memory_space<hbm>>) dst(%arg7 : memref<128x8xf32, #tpu.memory_space<vmem>>)
      tpu.yield
    }) : () -> ()
    %mul3A = arith.constant 640 : i32
    %mul3A_0 = arith.muli %arg1, %mul3A : i32
    "tpu.region"() ({
      %run_scoped3A_57 = tpu.sem_alloc : memref<!tpu.dma_semaphore, #tpu.memory_space<semaphore_mem>>
      %dma_start3A = arith.constant 0 : i32
      %dma_start3A_58 = tpu.memref_slice %arg8[%mul3A_0, %dma_start3A] : memref<10240x8xf32, #tpu.memory_space<vmem_shared>> -> memref<640x8xf32, #tpu.memory_space<vmem_shared>>
      tpu.enqueue_dma source(%arg4 : memref<640x8xf32, #tpu.memory_space<hbm>>) target(%dma_start3A_58 : memref<640x8xf32, #tpu.memory_space<vmem_shared>>) target_semaphore(%run_scoped3A_57 : memref<!tpu.dma_semaphore, #tpu.memory_space<semaphore_mem>>)
      %dma_wait3A = arith.constant 0 : i32
      %dma_wait3A_59 = tpu.memref_slice %arg8[%mul3A_0, %dma_wait3A] : memref<10240x8xf32, #tpu.memory_space<vmem_shared>> -> memref<640x8xf32, #tpu.memory_space<vmem_shared>>
      tpu.wait_dma2 semaphore(%run_scoped3A_57 : memref<!tpu.dma_semaphore, #tpu.memory_space<semaphore_mem>>) src(%arg4 : memref<640x8xf32, #tpu.memory_space<hbm>>) dst(%dma_wait3A_59 : memref<640x8xf32, #tpu.memory_space<vmem_shared>>)
      tpu.yield
    }) : () -> ()
    %barrier3A = arith.constant 0 : index
    tpu.barrier barrier_id(%barrier3A)
    %mul3A_1 = arith.constant 1250 : i32
    %mul3A_2 = arith.muli %arg0, %mul3A_1 : i32
    %mul3A_3 = arith.constant 78 : i32
    %mul3A_4 = arith.muli %mul3A_3, %arg1 : i32
    %add3A = arith.addi %mul3A_2, %mul3A_4 : i32
    %min3A = arith.constant 2 : i32
    %min3A_5 = arith.minsi %arg1, %min3A : i32
    %add3A_6 = arith.addi %add3A, %min3A_5 : i32
    %lt3A = arith.constant 2 : i32
    %lt3A_7 = arith.cmpi slt, %arg1, %lt3A : i32
    %jit3A = arith.constant 1 : i32
    %jit3A_8 = arith.constant 0 : i32
    %select_n3A = arith.select %lt3A_7, %jit3A, %jit3A_8 : i32
    %add3A_9 = arith.constant 78 : i32
    %add3A_10 = arith.addi %add3A_9, %select_n3A : i32
    %run_scoped3A = arith.constant 1 : i32
    "tpu.region"() ({
      %run_scoped3A_57 = tpu.sem_alloc : memref<!tpu.dma_semaphore, #tpu.memory_space<semaphore_mem>>
      %dma_start3A = arith.constant 0 : i32
      %dma_start3A_58 = arith.constant 0 : i32
      %dma_start3A_59 = tpu.memref_slice %arg6[%dma_start3A, %dma_start3A_58] : memref<79x128xi32, #tpu.memory_space<vmem>> -> memref<78x128xi32, #tpu.memory_space<vmem>>
      %dma_start3A_60 = arith.constant 0 : i32
      %dma_start3A_61 = tpu.memref_slice %arg2[%run_scoped3A, %add3A_6, %dma_start3A_60] : memref<2x2500x128xi32, #tpu.memory_space<hbm>> -> memref<1x78x128xi32, #tpu.memory_space<hbm>>
      %dma_start3A_62 = tpu.memref_squeeze %dma_start3A_61 : memref<1x78x128xi32, #tpu.memory_space<hbm>> -> memref<78x128xi32, #tpu.memory_space<hbm>>
      %dma_start3A_63 = arith.constant 0 : i32
      %dma_start3A_64 = arith.constant 0 : i32
      %dma_start3A_65 = tpu.memref_slice %arg6[%dma_start3A_63, %dma_start3A_64] : memref<79x128xi32, #tpu.memory_space<vmem>> -> memref<78x128xi32, #tpu.memory_space<vmem>>
      %dma_start3A_66 = arith.constant 0 : i32
      %dma_start3A_67 = tpu.memref_slice %arg2[%run_scoped3A, %add3A_6, %dma_start3A_66] : memref<2x2500x128xi32, #tpu.memory_space<hbm>> -> memref<1x78x128xi32, #tpu.memory_space<hbm>>
      %dma_start3A_68 = tpu.memref_squeeze %dma_start3A_67 : memref<1x78x128xi32, #tpu.memory_space<hbm>> -> memref<78x128xi32, #tpu.memory_space<hbm>>
      tpu.enqueue_dma source(%dma_start3A_68 : memref<78x128xi32, #tpu.memory_space<hbm>>) target(%dma_start3A_65 : memref<78x128xi32, #tpu.memory_space<vmem>>) target_semaphore(%run_scoped3A_57 : memref<!tpu.dma_semaphore, #tpu.memory_space<semaphore_mem>>)
      %dma_wait3A = arith.constant 0 : i32
      %dma_wait3A_69 = arith.constant 0 : i32
      %dma_wait3A_70 = tpu.memref_slice %arg6[%dma_wait3A, %dma_wait3A_69] : memref<79x128xi32, #tpu.memory_space<vmem>> -> memref<78x128xi32, #tpu.memory_space<vmem>>
      %dma_wait3A_71 = arith.constant 0 : i32
      %dma_wait3A_72 = tpu.memref_slice %arg2[%run_scoped3A, %add3A_6, %dma_wait3A_71] : memref<2x2500x128xi32, #tpu.memory_space<hbm>> -> memref<1x78x128xi32, #tpu.memory_space<hbm>>
      %dma_wait3A_73 = tpu.memref_squeeze %dma_wait3A_72 : memref<1x78x128xi32, #tpu.memory_space<hbm>> -> memref<78x128xi32, #tpu.memory_space<hbm>>
      %dma_wait3A_74 = arith.constant 0 : i32
      %dma_wait3A_75 = arith.constant 0 : i32
      %dma_wait3A_76 = tpu.memref_slice %arg6[%dma_wait3A_74, %dma_wait3A_75] : memref<79x128xi32, #tpu.memory_space<vmem>> -> memref<78x128xi32, #tpu.memory_space<vmem>>
      %dma_wait3A_77 = arith.constant 0 : i32
      %dma_wait3A_78 = tpu.memref_slice %arg2[%run_scoped3A, %add3A_6, %dma_wait3A_77] : memref<2x2500x128xi32, #tpu.memory_space<hbm>> -> memref<1x78x128xi32, #tpu.memory_space<hbm>>
      %dma_wait3A_79 = tpu.memref_squeeze %dma_wait3A_78 : memref<1x78x128xi32, #tpu.memory_space<hbm>> -> memref<78x128xi32, #tpu.memory_space<hbm>>
      tpu.wait_dma2 semaphore(%run_scoped3A_57 : memref<!tpu.dma_semaphore, #tpu.memory_space<semaphore_mem>>) src(%dma_wait3A_79 : memref<78x128xi32, #tpu.memory_space<hbm>>) dst(%dma_wait3A_76 : memref<78x128xi32, #tpu.memory_space<vmem>>)
      tpu.yield
    }) : () -> ()
    %lt3A_11 = arith.constant 2 : i32
    %lt3A_12 = arith.cmpi slt, %arg1, %lt3A_11 : i32
    %convert_element_type3A = arith.extui %lt3A_12 : i1 to i32
    %cond3A = arith.constant 0 : i32
    %cond3A_13 = arith.cmpi ne, %convert_element_type3A, %cond3A : i32
    scf.if %cond3A_13 {
      %add3A_57 = arith.constant 78 : i32
      %add3A_58 = arith.addi %add3A_6, %add3A_57 : i32
      %run_scoped3A_59 = arith.constant 1 : i32
      "tpu.region"() ({
        %run_scoped3A_60 = tpu.sem_alloc : memref<!tpu.dma_semaphore, #tpu.memory_space<semaphore_mem>>
        %dma_start3A = arith.constant 78 : i32
        %dma_start3A_61 = arith.constant 0 : i32
        %dma_start3A_62 = tpu.memref_slice %arg6[%dma_start3A, %dma_start3A_61] : memref<79x128xi32, #tpu.memory_space<vmem>> -> memref<1x128xi32, #tpu.memory_space<vmem>>
        %dma_start3A_63 = arith.constant 0 : i32
        %dma_start3A_64 = tpu.memref_slice %arg2[%run_scoped3A_59, %add3A_58, %dma_start3A_63] : memref<2x2500x128xi32, #tpu.memory_space<hbm>> -> memref<1x1x128xi32, #tpu.memory_space<hbm>>
        %dma_start3A_65 = tpu.memref_squeeze %dma_start3A_64 : memref<1x1x128xi32, #tpu.memory_space<hbm>> -> memref<1x128xi32, #tpu.memory_space<hbm>>
        %dma_start3A_66 = arith.constant 78 : i32
        %dma_start3A_67 = arith.constant 0 : i32
        %dma_start3A_68 = tpu.memref_slice %arg6[%dma_start3A_66, %dma_start3A_67] : memref<79x128xi32, #tpu.memory_space<vmem>> -> memref<1x128xi32, #tpu.memory_space<vmem>>
        %dma_start3A_69 = arith.constant 0 : i32
        %dma_start3A_70 = tpu.memref_slice %arg2[%run_scoped3A_59, %add3A_58, %dma_start3A_69] : memref<2x2500x128xi32, #tpu.memory_space<hbm>> -> memref<1x1x128xi32, #tpu.memory_space<hbm>>
        %dma_start3A_71 = tpu.memref_squeeze %dma_start3A_70 : memref<1x1x128xi32, #tpu.memory_space<hbm>> -> memref<1x128xi32, #tpu.memory_space<hbm>>
        tpu.enqueue_dma source(%dma_start3A_71 : memref<1x128xi32, #tpu.memory_space<hbm>>) target(%dma_start3A_68 : memref<1x128xi32, #tpu.memory_space<vmem>>) target_semaphore(%run_scoped3A_60 : memref<!tpu.dma_semaphore, #tpu.memory_space<semaphore_mem>>)
        %dma_wait3A = arith.constant 78 : i32
        %dma_wait3A_72 = arith.constant 0 : i32
        %dma_wait3A_73 = tpu.memref_slice %arg6[%dma_wait3A, %dma_wait3A_72] : memref<79x128xi32, #tpu.memory_space<vmem>> -> memref<1x128xi32, #tpu.memory_space<vmem>>
        %dma_wait3A_74 = arith.constant 0 : i32
        %dma_wait3A_75 = tpu.memref_slice %arg2[%run_scoped3A_59, %add3A_58, %dma_wait3A_74] : memref<2x2500x128xi32, #tpu.memory_space<hbm>> -> memref<1x1x128xi32, #tpu.memory_space<hbm>>
        %dma_wait3A_76 = tpu.memref_squeeze %dma_wait3A_75 : memref<1x1x128xi32, #tpu.memory_space<hbm>> -> memref<1x128xi32, #tpu.memory_space<hbm>>
        %dma_wait3A_77 = arith.constant 78 : i32
        %dma_wait3A_78 = arith.constant 0 : i32
        %dma_wait3A_79 = tpu.memref_slice %arg6[%dma_wait3A_77, %dma_wait3A_78] : memref<79x128xi32, #tpu.memory_space<vmem>> -> memref<1x128xi32, #tpu.memory_space<vmem>>
        %dma_wait3A_80 = arith.constant 0 : i32
        %dma_wait3A_81 = tpu.memref_slice %arg2[%run_scoped3A_59, %add3A_58, %dma_wait3A_80] : memref<2x2500x128xi32, #tpu.memory_space<hbm>> -> memref<1x1x128xi32, #tpu.memory_space<hbm>>
        %dma_wait3A_82 = tpu.memref_squeeze %dma_wait3A_81 : memref<1x1x128xi32, #tpu.memory_space<hbm>> -> memref<1x128xi32, #tpu.memory_space<hbm>>
        tpu.wait_dma2 semaphore(%run_scoped3A_60 : memref<!tpu.dma_semaphore, #tpu.memory_space<semaphore_mem>>) src(%dma_wait3A_82 : memref<1x128xi32, #tpu.memory_space<hbm>>) dst(%dma_wait3A_79 : memref<1x128xi32, #tpu.memory_space<vmem>>)
        tpu.yield
      }) : () -> ()
    } else {
    }
    %jit3A_14 = arith.constant 8 : i32
    %div3A = arith.divsi %add3A_10, %jit3A_14 : i32
    %sign3A = arith.constant 0 : i32
    %sign3A_15 = arith.cmpi sgt, %add3A_10, %sign3A : i32
    %sign3A_16 = arith.extui %sign3A_15 : i1 to i32
    %sign3A_17 = arith.constant 0 : i32
    %sign3A_18 = arith.cmpi slt, %add3A_10, %sign3A_17 : i32
    %sign3A_19 = arith.extui %sign3A_18 : i1 to i32
    %sign3A_20 = arith.subi %sign3A_16, %sign3A_19 : i32
    %sign3A_21 = arith.constant 0 : i32
    %sign3A_22 = arith.cmpi sgt, %jit3A_14, %sign3A_21 : i32
    %sign3A_23 = arith.extui %sign3A_22 : i1 to i32
    %sign3A_24 = arith.constant 0 : i32
    %sign3A_25 = arith.cmpi slt, %jit3A_14, %sign3A_24 : i32
    %sign3A_26 = arith.extui %sign3A_25 : i1 to i32
    %sign3A_27 = arith.subi %sign3A_23, %sign3A_26 : i32
    %ne3A = arith.cmpi ne, %sign3A_20, %sign3A_27 : i32
    %rem3A = arith.remsi %add3A_10, %jit3A_14 : i32
    %ne3A_28 = arith.constant 0 : i32
    %ne3A_29 = arith.cmpi ne, %rem3A, %ne3A_28 : i32
    %and3A = arith.andi %ne3A, %ne3A_29 : i1
    %sub3A = arith.constant 1 : i32
    %sub3A_30 = arith.subi %div3A, %sub3A : i32
    %select_n3A_31 = arith.select %and3A, %sub3A_30, %div3A : i32
    %while3A = arith.constant 0 : i32
    %while3A_32 = arith.constant 0 : i32
    %while3A_33 = arith.subi %select_n3A_31, %while3A_32 : i32
    %while3A_34 = arith.addi %while3A_32, %while3A_33 : i32
    %while3A_35 = arith.constant 1 : i32
    %while3A_36 = arith.divsi %while3A_33, %while3A_35 : i32
    %while3A_37 = arith.muli %while3A_36, %while3A_35 : i32
    %while3A_38 = arith.addi %while3A_32, %while3A_37 : i32
    %while3A_39 = arith.constant 1 : i32
    scf.for %while3A_57 = %while3A_32 to %while3A_38 step %while3A_39  : i32 {
      %mul3A_58 = arith.constant 8 : i32
      %mul3A_59 = arith.muli %mul3A_58, %while3A_57 : i32
      %add3A_60 = arith.constant 0 : i32
      %add3A_61 = arith.addi %mul3A_59, %add3A_60 : i32
      %dma_start3A = arith.constant 0 : i32
      %dma_start3A_62 = tpu.memref_slice %arg6[%add3A_61, %dma_start3A] : memref<79x128xi32, #tpu.memory_space<vmem>> -> memref<1x128xi32, #tpu.memory_space<vmem>>
      %dma_start3A_63 = tpu.memref_squeeze %dma_start3A_62 : memref<1x128xi32, #tpu.memory_space<vmem>> -> memref<128xi32, #tpu.memory_space<vmem>>
      %dma_start3A_64 = arith.constant 0 : i32
      %dma_start3A_65 = arith.constant 0 : i32
      %dma_start3A_66 = tpu.memref_slice %arg8[%dma_start3A_64, %dma_start3A_65] : memref<10240x8xf32, #tpu.memory_space<vmem_shared>> -> memref<10240x8xf32, #tpu.memory_space<vmem_shared>>
      tpu.enqueue_indirect_dma source(%arg7 : memref<128x8xf32, #tpu.memory_space<vmem>>) target(%dma_start3A_66 : memref<10240x8xf32, #tpu.memory_space<vmem_shared>>) offsets(%dma_start3A_63 : memref<128xi32, #tpu.memory_space<vmem>>) semaphore(%arg9 : memref<!tpu.dma_semaphore, #tpu.memory_space<semaphore_mem>>) {add = true}
      %add3A_67 = arith.constant 1 : i32
      %add3A_68 = arith.addi %mul3A_59, %add3A_67 : i32
      %dma_start3A_69 = arith.constant 0 : i32
      %dma_start3A_70 = tpu.memref_slice %arg6[%add3A_68, %dma_start3A_69] : memref<79x128xi32, #tpu.memory_space<vmem>> -> memref<1x128xi32, #tpu.memory_space<vmem>>
      %dma_start3A_71 = tpu.memref_squeeze %dma_start3A_70 : memref<1x128xi32, #tpu.memory_space<vmem>> -> memref<128xi32, #tpu.memory_space<vmem>>
      %dma_start3A_72 = arith.constant 0 : i32
      %dma_start3A_73 = arith.constant 0 : i32
      %dma_start3A_74 = tpu.memref_slice %arg8[%dma_start3A_72, %dma_start3A_73] : memref<10240x8xf32, #tpu.memory_space<vmem_shared>> -> memref<10240x8xf32, #tpu.memory_space<vmem_shared>>
      tpu.enqueue_indirect_dma source(%arg7 : memref<128x8xf32, #tpu.memory_space<vmem>>) target(%dma_start3A_74 : memref<10240x8xf32, #tpu.memory_space<vmem_shared>>) offsets(%dma_start3A_71 : memref<128xi32, #tpu.memory_space<vmem>>) semaphore(%arg9 : memref<!tpu.dma_semaphore, #tpu.memory_space<semaphore_mem>>) {add = true}
      %add3A_75 = arith.constant 2 : i32
      %add3A_76 = arith.addi %mul3A_59, %add3A_75 : i32
      %dma_start3A_77 = arith.constant 0 : i32
      %dma_start3A_78 = tpu.memref_slice %arg6[%add3A_76, %dma_start3A_77] : memref<79x128xi32, #tpu.memory_space<vmem>> -> memref<1x128xi32, #tpu.memory_space<vmem>>
      %dma_start3A_79 = tpu.memref_squeeze %dma_start3A_78 : memref<1x128xi32, #tpu.memory_space<vmem>> -> memref<128xi32, #tpu.memory_space<vmem>>
      %dma_start3A_80 = arith.constant 0 : i32
      %dma_start3A_81 = arith.constant 0 : i32
      %dma_start3A_82 = tpu.memref_slice %arg8[%dma_start3A_80, %dma_start3A_81] : memref<10240x8xf32, #tpu.memory_space<vmem_shared>> -> memref<10240x8xf32, #tpu.memory_space<vmem_shared>>
      tpu.enqueue_indirect_dma source(%arg7 : memref<128x8xf32, #tpu.memory_space<vmem>>) target(%dma_start3A_82 : memref<10240x8xf32, #tpu.memory_space<vmem_shared>>) offsets(%dma_start3A_79 : memref<128xi32, #tpu.memory_space<vmem>>) semaphore(%arg9 : memref<!tpu.dma_semaphore, #tpu.memory_space<semaphore_mem>>) {add = true}
      %add3A_83 = arith.constant 3 : i32
      %add3A_84 = arith.addi %mul3A_59, %add3A_83 : i32
      %dma_start3A_85 = arith.constant 0 : i32
      %dma_start3A_86 = tpu.memref_slice %arg6[%add3A_84, %dma_start3A_85] : memref<79x128xi32, #tpu.memory_space<vmem>> -> memref<1x128xi32, #tpu.memory_space<vmem>>
      %dma_start3A_87 = tpu.memref_squeeze %dma_start3A_86 : memref<1x128xi32, #tpu.memory_space<vmem>> -> memref<128xi32, #tpu.memory_space<vmem>>
      %dma_start3A_88 = arith.constant 0 : i32
      %dma_start3A_89 = arith.constant 0 : i32
      %dma_start3A_90 = tpu.memref_slice %arg8[%dma_start3A_88, %dma_start3A_89] : memref<10240x8xf32, #tpu.memory_space<vmem_shared>> -> memref<10240x8xf32, #tpu.memory_space<vmem_shared>>
      tpu.enqueue_indirect_dma source(%arg7 : memref<128x8xf32, #tpu.memory_space<vmem>>) target(%dma_start3A_90 : memref<10240x8xf32, #tpu.memory_space<vmem_shared>>) offsets(%dma_start3A_87 : memref<128xi32, #tpu.memory_space<vmem>>) semaphore(%arg9 : memref<!tpu.dma_semaphore, #tpu.memory_space<semaphore_mem>>) {add = true}
      %add3A_91 = arith.constant 4 : i32
      %add3A_92 = arith.addi %mul3A_59, %add3A_91 : i32
      %dma_start3A_93 = arith.constant 0 : i32
      %dma_start3A_94 = tpu.memref_slice %arg6[%add3A_92, %dma_start3A_93] : memref<79x128xi32, #tpu.memory_space<vmem>> -> memref<1x128xi32, #tpu.memory_space<vmem>>
      %dma_start3A_95 = tpu.memref_squeeze %dma_start3A_94 : memref<1x128xi32, #tpu.memory_space<vmem>> -> memref<128xi32, #tpu.memory_space<vmem>>
      %dma_start3A_96 = arith.constant 0 : i32
      %dma_start3A_97 = arith.constant 0 : i32
      %dma_start3A_98 = tpu.memref_slice %arg8[%dma_start3A_96, %dma_start3A_97] : memref<10240x8xf32, #tpu.memory_space<vmem_shared>> -> memref<10240x8xf32, #tpu.memory_space<vmem_shared>>
      tpu.enqueue_indirect_dma source(%arg7 : memref<128x8xf32, #tpu.memory_space<vmem>>) target(%dma_start3A_98 : memref<10240x8xf32, #tpu.memory_space<vmem_shared>>) offsets(%dma_start3A_95 : memref<128xi32, #tpu.memory_space<vmem>>) semaphore(%arg9 : memref<!tpu.dma_semaphore, #tpu.memory_space<semaphore_mem>>) {add = true}
      %add3A_99 = arith.constant 5 : i32
      %add3A_100 = arith.addi %mul3A_59, %add3A_99 : i32
      %dma_start3A_101 = arith.constant 0 : i32
      %dma_start3A_102 = tpu.memref_slice %arg6[%add3A_100, %dma_start3A_101] : memref<79x128xi32, #tpu.memory_space<vmem>> -> memref<1x128xi32, #tpu.memory_space<vmem>>
      %dma_start3A_103 = tpu.memref_squeeze %dma_start3A_102 : memref<1x128xi32, #tpu.memory_space<vmem>> -> memref<128xi32, #tpu.memory_space<vmem>>
      %dma_start3A_104 = arith.constant 0 : i32
      %dma_start3A_105 = arith.constant 0 : i32
      %dma_start3A_106 = tpu.memref_slice %arg8[%dma_start3A_104, %dma_start3A_105] : memref<10240x8xf32, #tpu.memory_space<vmem_shared>> -> memref<10240x8xf32, #tpu.memory_space<vmem_shared>>
      tpu.enqueue_indirect_dma source(%arg7 : memref<128x8xf32, #tpu.memory_space<vmem>>) target(%dma_start3A_106 : memref<10240x8xf32, #tpu.memory_space<vmem_shared>>) offsets(%dma_start3A_103 : memref<128xi32, #tpu.memory_space<vmem>>) semaphore(%arg9 : memref<!tpu.dma_semaphore, #tpu.memory_space<semaphore_mem>>) {add = true}
      %add3A_107 = arith.constant 6 : i32
      %add3A_108 = arith.addi %mul3A_59, %add3A_107 : i32
      %dma_start3A_109 = arith.constant 0 : i32
      %dma_start3A_110 = tpu.memref_slice %arg6[%add3A_108, %dma_start3A_109] : memref<79x128xi32, #tpu.memory_space<vmem>> -> memref<1x128xi32, #tpu.memory_space<vmem>>
      %dma_start3A_111 = tpu.memref_squeeze %dma_start3A_110 : memref<1x128xi32, #tpu.memory_space<vmem>> -> memref<128xi32, #tpu.memory_space<vmem>>
      %dma_start3A_112 = arith.constant 0 : i32
      %dma_start3A_113 = arith.constant 0 : i32
      %dma_start3A_114 = tpu.memref_slice %arg8[%dma_start3A_112, %dma_start3A_113] : memref<10240x8xf32, #tpu.memory_space<vmem_shared>> -> memref<10240x8xf32, #tpu.memory_space<vmem_shared>>
      tpu.enqueue_indirect_dma source(%arg7 : memref<128x8xf32, #tpu.memory_space<vmem>>) target(%dma_start3A_114 : memref<10240x8xf32, #tpu.memory_space<vmem_shared>>) offsets(%dma_start3A_111 : memref<128xi32, #tpu.memory_space<vmem>>) semaphore(%arg9 : memref<!tpu.dma_semaphore, #tpu.memory_space<semaphore_mem>>) {add = true}
      %add3A_115 = arith.constant 7 : i32
      %add3A_116 = arith.addi %mul3A_59, %add3A_115 : i32
      %dma_start3A_117 = arith.constant 0 : i32
      %dma_start3A_118 = tpu.memref_slice %arg6[%add3A_116, %dma_start3A_117] : memref<79x128xi32, #tpu.memory_space<vmem>> -> memref<1x128xi32, #tpu.memory_space<vmem>>
      %dma_start3A_119 = tpu.memref_squeeze %dma_start3A_118 : memref<1x128xi32, #tpu.memory_space<vmem>> -> memref<128xi32, #tpu.memory_space<vmem>>
      %dma_start3A_120 = arith.constant 0 : i32
      %dma_start3A_121 = arith.constant 0 : i32
      %dma_start3A_122 = tpu.memref_slice %arg8[%dma_start3A_120, %dma_start3A_121] : memref<10240x8xf32, #tpu.memory_space<vmem_shared>> -> memref<10240x8xf32, #tpu.memory_space<vmem_shared>>
      tpu.enqueue_indirect_dma source(%arg7 : memref<128x8xf32, #tpu.memory_space<vmem>>) target(%dma_start3A_122 : memref<10240x8xf32, #tpu.memory_space<vmem_shared>>) offsets(%dma_start3A_119 : memref<128xi32, #tpu.memory_space<vmem>>) semaphore(%arg9 : memref<!tpu.dma_semaphore, #tpu.memory_space<semaphore_mem>>) {add = true}
      %dma_wait3A = arith.constant 0 : i32
      %dma_wait3A_123 = tpu.memref_slice %arg6[%mul3A_59, %dma_wait3A] : memref<79x128xi32, #tpu.memory_space<vmem>> -> memref<1x128xi32, #tpu.memory_space<vmem>>
      %dma_wait3A_124 = tpu.memref_squeeze %dma_wait3A_123 : memref<1x128xi32, #tpu.memory_space<vmem>> -> memref<128xi32, #tpu.memory_space<vmem>>
      %dma_wait3A_125 = arith.constant 0 : i32
      %dma_wait3A_126 = arith.constant 0 : i32
      %dma_wait3A_127 = tpu.memref_slice %arg8[%dma_wait3A_125, %dma_wait3A_126] : memref<10240x8xf32, #tpu.memory_space<vmem_shared>> -> memref<10240x8xf32, #tpu.memory_space<vmem_shared>>
      tpu.wait_indirect_dma semaphore(%arg9 : memref<!tpu.dma_semaphore, #tpu.memory_space<semaphore_mem>>) src(%arg7 : memref<128x8xf32, #tpu.memory_space<vmem>>) dst(%dma_wait3A_127 : memref<10240x8xf32, #tpu.memory_space<vmem_shared>>)
      %dma_wait3A_128 = arith.constant 0 : i32
      %dma_wait3A_129 = tpu.memref_slice %arg6[%mul3A_59, %dma_wait3A_128] : memref<79x128xi32, #tpu.memory_space<vmem>> -> memref<1x128xi32, #tpu.memory_space<vmem>>
      %dma_wait3A_130 = tpu.memref_squeeze %dma_wait3A_129 : memref<1x128xi32, #tpu.memory_space<vmem>> -> memref<128xi32, #tpu.memory_space<vmem>>
      %dma_wait3A_131 = arith.constant 0 : i32
      %dma_wait3A_132 = arith.constant 0 : i32
      %dma_wait3A_133 = tpu.memref_slice %arg8[%dma_wait3A_131, %dma_wait3A_132] : memref<10240x8xf32, #tpu.memory_space<vmem_shared>> -> memref<10240x8xf32, #tpu.memory_space<vmem_shared>>
      tpu.wait_indirect_dma semaphore(%arg9 : memref<!tpu.dma_semaphore, #tpu.memory_space<semaphore_mem>>) src(%arg7 : memref<128x8xf32, #tpu.memory_space<vmem>>) dst(%dma_wait3A_133 : memref<10240x8xf32, #tpu.memory_space<vmem_shared>>)
      %dma_wait3A_134 = arith.constant 0 : i32
      %dma_wait3A_135 = tpu.memref_slice %arg6[%mul3A_59, %dma_wait3A_134] : memref<79x128xi32, #tpu.memory_space<vmem>> -> memref<1x128xi32, #tpu.memory_space<vmem>>
      %dma_wait3A_136 = tpu.memref_squeeze %dma_wait3A_135 : memref<1x128xi32, #tpu.memory_space<vmem>> -> memref<128xi32, #tpu.memory_space<vmem>>
      %dma_wait3A_137 = arith.constant 0 : i32
      %dma_wait3A_138 = arith.constant 0 : i32
      %dma_wait3A_139 = tpu.memref_slice %arg8[%dma_wait3A_137, %dma_wait3A_138] : memref<10240x8xf32, #tpu.memory_space<vmem_shared>> -> memref<10240x8xf32, #tpu.memory_space<vmem_shared>>
      tpu.wait_indirect_dma semaphore(%arg9 : memref<!tpu.dma_semaphore, #tpu.memory_space<semaphore_mem>>) src(%arg7 : memref<128x8xf32, #tpu.memory_space<vmem>>) dst(%dma_wait3A_139 : memref<10240x8xf32, #tpu.memory_space<vmem_shared>>)
      %dma_wait3A_140 = arith.constant 0 : i32
      %dma_wait3A_141 = tpu.memref_slice %arg6[%mul3A_59, %dma_wait3A_140] : memref<79x128xi32, #tpu.memory_space<vmem>> -> memref<1x128xi32, #tpu.memory_space<vmem>>
      %dma_wait3A_142 = tpu.memref_squeeze %dma_wait3A_141 : memref<1x128xi32, #tpu.memory_space<vmem>> -> memref<128xi32, #tpu.memory_space<vmem>>
      %dma_wait3A_143 = arith.constant 0 : i32
      %dma_wait3A_144 = arith.constant 0 : i32
      %dma_wait3A_145 = tpu.memref_slice %arg8[%dma_wait3A_143, %dma_wait3A_144] : memref<10240x8xf32, #tpu.memory_space<vmem_shared>> -> memref<10240x8xf32, #tpu.memory_space<vmem_shared>>
      tpu.wait_indirect_dma semaphore(%arg9 : memref<!tpu.dma_semaphore, #tpu.memory_space<semaphore_mem>>) src(%arg7 : memref<128x8xf32, #tpu.memory_space<vmem>>) dst(%dma_wait3A_145 : memref<10240x8xf32, #tpu.memory_space<vmem_shared>>)
      %dma_wait3A_146 = arith.constant 0 : i32
      %dma_wait3A_147 = tpu.memref_slice %arg6[%mul3A_59, %dma_wait3A_146] : memref<79x128xi32, #tpu.memory_space<vmem>> -> memref<1x128xi32, #tpu.memory_space<vmem>>
      %dma_wait3A_148 = tpu.memref_squeeze %dma_wait3A_147 : memref<1x128xi32, #tpu.memory_space<vmem>> -> memref<128xi32, #tpu.memory_space<vmem>>
      %dma_wait3A_149 = arith.constant 0 : i32
      %dma_wait3A_150 = arith.constant 0 : i32
      %dma_wait3A_151 = tpu.memref_slice %arg8[%dma_wait3A_149, %dma_wait3A_150] : memref<10240x8xf32, #tpu.memory_space<vmem_shared>> -> memref<10240x8xf32, #tpu.memory_space<vmem_shared>>
      tpu.wait_indirect_dma semaphore(%arg9 : memref<!tpu.dma_semaphore, #tpu.memory_space<semaphore_mem>>) src(%arg7 : memref<128x8xf32, #tpu.memory_space<vmem>>) dst(%dma_wait3A_151 : memref<10240x8xf32, #tpu.memory_space<vmem_shared>>)
      %dma_wait3A_152 = arith.constant 0 : i32
      %dma_wait3A_153 = tpu.memref_slice %arg6[%mul3A_59, %dma_wait3A_152] : memref<79x128xi32, #tpu.memory_space<vmem>> -> memref<1x128xi32, #tpu.memory_space<vmem>>
      %dma_wait3A_154 = tpu.memref_squeeze %dma_wait3A_153 : memref<1x128xi32, #tpu.memory_space<vmem>> -> memref<128xi32, #tpu.memory_space<vmem>>
      %dma_wait3A_155 = arith.constant 0 : i32
      %dma_wait3A_156 = arith.constant 0 : i32
      %dma_wait3A_157 = tpu.memref_slice %arg8[%dma_wait3A_155, %dma_wait3A_156] : memref<10240x8xf32, #tpu.memory_space<vmem_shared>> -> memref<10240x8xf32, #tpu.memory_space<vmem_shared>>
      tpu.wait_indirect_dma semaphore(%arg9 : memref<!tpu.dma_semaphore, #tpu.memory_space<semaphore_mem>>) src(%arg7 : memref<128x8xf32, #tpu.memory_space<vmem>>) dst(%dma_wait3A_157 : memref<10240x8xf32, #tpu.memory_space<vmem_shared>>)
      %dma_wait3A_158 = arith.constant 0 : i32
      %dma_wait3A_159 = tpu.memref_slice %arg6[%mul3A_59, %dma_wait3A_158] : memref<79x128xi32, #tpu.memory_space<vmem>> -> memref<1x128xi32, #tpu.memory_space<vmem>>
      %dma_wait3A_160 = tpu.memref_squeeze %dma_wait3A_159 : memref<1x128xi32, #tpu.memory_space<vmem>> -> memref<128xi32, #tpu.memory_space<vmem>>
      %dma_wait3A_161 = arith.constant 0 : i32
      %dma_wait3A_162 = arith.constant 0 : i32
      %dma_wait3A_163 = tpu.memref_slice %arg8[%dma_wait3A_161, %dma_wait3A_162] : memref<10240x8xf32, #tpu.memory_space<vmem_shared>> -> memref<10240x8xf32, #tpu.memory_space<vmem_shared>>
      tpu.wait_indirect_dma semaphore(%arg9 : memref<!tpu.dma_semaphore, #tpu.memory_space<semaphore_mem>>) src(%arg7 : memref<128x8xf32, #tpu.memory_space<vmem>>) dst(%dma_wait3A_163 : memref<10240x8xf32, #tpu.memory_space<vmem_shared>>)
      %dma_wait3A_164 = arith.constant 0 : i32
      %dma_wait3A_165 = tpu.memref_slice %arg6[%mul3A_59, %dma_wait3A_164] : memref<79x128xi32, #tpu.memory_space<vmem>> -> memref<1x128xi32, #tpu.memory_space<vmem>>
      %dma_wait3A_166 = tpu.memref_squeeze %dma_wait3A_165 : memref<1x128xi32, #tpu.memory_space<vmem>> -> memref<128xi32, #tpu.memory_space<vmem>>
      %dma_wait3A_167 = arith.constant 0 : i32
      %dma_wait3A_168 = arith.constant 0 : i32
      %dma_wait3A_169 = tpu.memref_slice %arg8[%dma_wait3A_167, %dma_wait3A_168] : memref<10240x8xf32, #tpu.memory_space<vmem_shared>> -> memref<10240x8xf32, #tpu.memory_space<vmem_shared>>
      tpu.wait_indirect_dma semaphore(%arg9 : memref<!tpu.dma_semaphore, #tpu.memory_space<semaphore_mem>>) src(%arg7 : memref<128x8xf32, #tpu.memory_space<vmem>>) dst(%dma_wait3A_169 : memref<10240x8xf32, #tpu.memory_space<vmem_shared>>)
    }
    %while3A_40 = arith.constant 1 : i32
    scf.for %while3A_57 = %while3A_38 to %while3A_34 step %while3A_40  : i32 {
      %mul3A_58 = arith.constant 8 : i32
      %mul3A_59 = arith.muli %mul3A_58, %while3A_57 : i32
      %add3A_60 = arith.constant 0 : i32
      %add3A_61 = arith.addi %mul3A_59, %add3A_60 : i32
      %dma_start3A = arith.constant 0 : i32
      %dma_start3A_62 = tpu.memref_slice %arg6[%add3A_61, %dma_start3A] : memref<79x128xi32, #tpu.memory_space<vmem>> -> memref<1x128xi32, #tpu.memory_space<vmem>>
      %dma_start3A_63 = tpu.memref_squeeze %dma_start3A_62 : memref<1x128xi32, #tpu.memory_space<vmem>> -> memref<128xi32, #tpu.memory_space<vmem>>
      %dma_start3A_64 = arith.constant 0 : i32
      %dma_start3A_65 = arith.constant 0 : i32
      %dma_start3A_66 = tpu.memref_slice %arg8[%dma_start3A_64, %dma_start3A_65] : memref<10240x8xf32, #tpu.memory_space<vmem_shared>> -> memref<10240x8xf32, #tpu.memory_space<vmem_shared>>
      tpu.enqueue_indirect_dma source(%arg7 : memref<128x8xf32, #tpu.memory_space<vmem>>) target(%dma_start3A_66 : memref<10240x8xf32, #tpu.memory_space<vmem_shared>>) offsets(%dma_start3A_63 : memref<128xi32, #tpu.memory_space<vmem>>) semaphore(%arg9 : memref<!tpu.dma_semaphore, #tpu.memory_space<semaphore_mem>>) {add = true}
      %add3A_67 = arith.constant 1 : i32
      %add3A_68 = arith.addi %mul3A_59, %add3A_67 : i32
      %dma_start3A_69 = arith.constant 0 : i32
      %dma_start3A_70 = tpu.memref_slice %arg6[%add3A_68, %dma_start3A_69] : memref<79x128xi32, #tpu.memory_space<vmem>> -> memref<1x128xi32, #tpu.memory_space<vmem>>
      %dma_start3A_71 = tpu.memref_squeeze %dma_start3A_70 : memref<1x128xi32, #tpu.memory_space<vmem>> -> memref<128xi32, #tpu.memory_space<vmem>>
      %dma_start3A_72 = arith.constant 0 : i32
      %dma_start3A_73 = arith.constant 0 : i32
      %dma_start3A_74 = tpu.memref_slice %arg8[%dma_start3A_72, %dma_start3A_73] : memref<10240x8xf32, #tpu.memory_space<vmem_shared>> -> memref<10240x8xf32, #tpu.memory_space<vmem_shared>>
      tpu.enqueue_indirect_dma source(%arg7 : memref<128x8xf32, #tpu.memory_space<vmem>>) target(%dma_start3A_74 : memref<10240x8xf32, #tpu.memory_space<vmem_shared>>) offsets(%dma_start3A_71 : memref<128xi32, #tpu.memory_space<vmem>>) semaphore(%arg9 : memref<!tpu.dma_semaphore, #tpu.memory_space<semaphore_mem>>) {add = true}
      %add3A_75 = arith.constant 2 : i32
      %add3A_76 = arith.addi %mul3A_59, %add3A_75 : i32
      %dma_start3A_77 = arith.constant 0 : i32
      %dma_start3A_78 = tpu.memref_slice %arg6[%add3A_76, %dma_start3A_77] : memref<79x128xi32, #tpu.memory_space<vmem>> -> memref<1x128xi32, #tpu.memory_space<vmem>>
      %dma_start3A_79 = tpu.memref_squeeze %dma_start3A_78 : memref<1x128xi32, #tpu.memory_space<vmem>> -> memref<128xi32, #tpu.memory_space<vmem>>
      %dma_start3A_80 = arith.constant 0 : i32
      %dma_start3A_81 = arith.constant 0 : i32
      %dma_start3A_82 = tpu.memref_slice %arg8[%dma_start3A_80, %dma_start3A_81] : memref<10240x8xf32, #tpu.memory_space<vmem_shared>> -> memref<10240x8xf32, #tpu.memory_space<vmem_shared>>
      tpu.enqueue_indirect_dma source(%arg7 : memref<128x8xf32, #tpu.memory_space<vmem>>) target(%dma_start3A_82 : memref<10240x8xf32, #tpu.memory_space<vmem_shared>>) offsets(%dma_start3A_79 : memref<128xi32, #tpu.memory_space<vmem>>) semaphore(%arg9 : memref<!tpu.dma_semaphore, #tpu.memory_space<semaphore_mem>>) {add = true}
      %add3A_83 = arith.constant 3 : i32
      %add3A_84 = arith.addi %mul3A_59, %add3A_83 : i32
      %dma_start3A_85 = arith.constant 0 : i32
      %dma_start3A_86 = tpu.memref_slice %arg6[%add3A_84, %dma_start3A_85] : memref<79x128xi32, #tpu.memory_space<vmem>> -> memref<1x128xi32, #tpu.memory_space<vmem>>
      %dma_start3A_87 = tpu.memref_squeeze %dma_start3A_86 : memref<1x128xi32, #tpu.memory_space<vmem>> -> memref<128xi32, #tpu.memory_space<vmem>>
      %dma_start3A_88 = arith.constant 0 : i32
      %dma_start3A_89 = arith.constant 0 : i32
      %dma_start3A_90 = tpu.memref_slice %arg8[%dma_start3A_88, %dma_start3A_89] : memref<10240x8xf32, #tpu.memory_space<vmem_shared>> -> memref<10240x8xf32, #tpu.memory_space<vmem_shared>>
      tpu.enqueue_indirect_dma source(%arg7 : memref<128x8xf32, #tpu.memory_space<vmem>>) target(%dma_start3A_90 : memref<10240x8xf32, #tpu.memory_space<vmem_shared>>) offsets(%dma_start3A_87 : memref<128xi32, #tpu.memory_space<vmem>>) semaphore(%arg9 : memref<!tpu.dma_semaphore, #tpu.memory_space<semaphore_mem>>) {add = true}
      %add3A_91 = arith.constant 4 : i32
      %add3A_92 = arith.addi %mul3A_59, %add3A_91 : i32
      %dma_start3A_93 = arith.constant 0 : i32
      %dma_start3A_94 = tpu.memref_slice %arg6[%add3A_92, %dma_start3A_93] : memref<79x128xi32, #tpu.memory_space<vmem>> -> memref<1x128xi32, #tpu.memory_space<vmem>>
      %dma_start3A_95 = tpu.memref_squeeze %dma_start3A_94 : memref<1x128xi32, #tpu.memory_space<vmem>> -> memref<128xi32, #tpu.memory_space<vmem>>
      %dma_start3A_96 = arith.constant 0 : i32
      %dma_start3A_97 = arith.constant 0 : i32
      %dma_start3A_98 = tpu.memref_slice %arg8[%dma_start3A_96, %dma_start3A_97] : memref<10240x8xf32, #tpu.memory_space<vmem_shared>> -> memref<10240x8xf32, #tpu.memory_space<vmem_shared>>
      tpu.enqueue_indirect_dma source(%arg7 : memref<128x8xf32, #tpu.memory_space<vmem>>) target(%dma_start3A_98 : memref<10240x8xf32, #tpu.memory_space<vmem_shared>>) offsets(%dma_start3A_95 : memref<128xi32, #tpu.memory_space<vmem>>) semaphore(%arg9 : memref<!tpu.dma_semaphore, #tpu.memory_space<semaphore_mem>>) {add = true}
      %add3A_99 = arith.constant 5 : i32
      %add3A_100 = arith.addi %mul3A_59, %add3A_99 : i32
      %dma_start3A_101 = arith.constant 0 : i32
      %dma_start3A_102 = tpu.memref_slice %arg6[%add3A_100, %dma_start3A_101] : memref<79x128xi32, #tpu.memory_space<vmem>> -> memref<1x128xi32, #tpu.memory_space<vmem>>
      %dma_start3A_103 = tpu.memref_squeeze %dma_start3A_102 : memref<1x128xi32, #tpu.memory_space<vmem>> -> memref<128xi32, #tpu.memory_space<vmem>>
      %dma_start3A_104 = arith.constant 0 : i32
      %dma_start3A_105 = arith.constant 0 : i32
      %dma_start3A_106 = tpu.memref_slice %arg8[%dma_start3A_104, %dma_start3A_105] : memref<10240x8xf32, #tpu.memory_space<vmem_shared>> -> memref<10240x8xf32, #tpu.memory_space<vmem_shared>>
      tpu.enqueue_indirect_dma source(%arg7 : memref<128x8xf32, #tpu.memory_space<vmem>>) target(%dma_start3A_106 : memref<10240x8xf32, #tpu.memory_space<vmem_shared>>) offsets(%dma_start3A_103 : memref<128xi32, #tpu.memory_space<vmem>>) semaphore(%arg9 : memref<!tpu.dma_semaphore, #tpu.memory_space<semaphore_mem>>) {add = true}
      %add3A_107 = arith.constant 6 : i32
      %add3A_108 = arith.addi %mul3A_59, %add3A_107 : i32
      %dma_start3A_109 = arith.constant 0 : i32
      %dma_start3A_110 = tpu.memref_slice %arg6[%add3A_108, %dma_start3A_109] : memref<79x128xi32, #tpu.memory_space<vmem>> -> memref<1x128xi32, #tpu.memory_space<vmem>>
      %dma_start3A_111 = tpu.memref_squeeze %dma_start3A_110 : memref<1x128xi32, #tpu.memory_space<vmem>> -> memref<128xi32, #tpu.memory_space<vmem>>
      %dma_start3A_112 = arith.constant 0 : i32
      %dma_start3A_113 = arith.constant 0 : i32
      %dma_start3A_114 = tpu.memref_slice %arg8[%dma_start3A_112, %dma_start3A_113] : memref<10240x8xf32, #tpu.memory_space<vmem_shared>> -> memref<10240x8xf32, #tpu.memory_space<vmem_shared>>
      tpu.enqueue_indirect_dma source(%arg7 : memref<128x8xf32, #tpu.memory_space<vmem>>) target(%dma_start3A_114 : memref<10240x8xf32, #tpu.memory_space<vmem_shared>>) offsets(%dma_start3A_111 : memref<128xi32, #tpu.memory_space<vmem>>) semaphore(%arg9 : memref<!tpu.dma_semaphore, #tpu.memory_space<semaphore_mem>>) {add = true}
      %add3A_115 = arith.constant 7 : i32
      %add3A_116 = arith.addi %mul3A_59, %add3A_115 : i32
      %dma_start3A_117 = arith.constant 0 : i32
      %dma_start3A_118 = tpu.memref_slice %arg6[%add3A_116, %dma_start3A_117] : memref<79x128xi32, #tpu.memory_space<vmem>> -> memref<1x128xi32, #tpu.memory_space<vmem>>
      %dma_start3A_119 = tpu.memref_squeeze %dma_start3A_118 : memref<1x128xi32, #tpu.memory_space<vmem>> -> memref<128xi32, #tpu.memory_space<vmem>>
      %dma_start3A_120 = arith.constant 0 : i32
      %dma_start3A_121 = arith.constant 0 : i32
      %dma_start3A_122 = tpu.memref_slice %arg8[%dma_start3A_120, %dma_start3A_121] : memref<10240x8xf32, #tpu.memory_space<vmem_shared>> -> memref<10240x8xf32, #tpu.memory_space<vmem_shared>>
      tpu.enqueue_indirect_dma source(%arg7 : memref<128x8xf32, #tpu.memory_space<vmem>>) target(%dma_start3A_122 : memref<10240x8xf32, #tpu.memory_space<vmem_shared>>) offsets(%dma_start3A_119 : memref<128xi32, #tpu.memory_space<vmem>>) semaphore(%arg9 : memref<!tpu.dma_semaphore, #tpu.memory_space<semaphore_mem>>) {add = true}
      %dma_wait3A = arith.constant 0 : i32
      %dma_wait3A_123 = tpu.memref_slice %arg6[%mul3A_59, %dma_wait3A] : memref<79x128xi32, #tpu.memory_space<vmem>> -> memref<1x128xi32, #tpu.memory_space<vmem>>
      %dma_wait3A_124 = tpu.memref_squeeze %dma_wait3A_123 : memref<1x128xi32, #tpu.memory_space<vmem>> -> memref<128xi32, #tpu.memory_space<vmem>>
      %dma_wait3A_125 = arith.constant 0 : i32
      %dma_wait3A_126 = arith.constant 0 : i32
      %dma_wait3A_127 = tpu.memref_slice %arg8[%dma_wait3A_125, %dma_wait3A_126] : memref<10240x8xf32, #tpu.memory_space<vmem_shared>> -> memref<10240x8xf32, #tpu.memory_space<vmem_shared>>
      tpu.wait_indirect_dma semaphore(%arg9 : memref<!tpu.dma_semaphore, #tpu.memory_space<semaphore_mem>>) src(%arg7 : memref<128x8xf32, #tpu.memory_space<vmem>>) dst(%dma_wait3A_127 : memref<10240x8xf32, #tpu.memory_space<vmem_shared>>)
      %dma_wait3A_128 = arith.constant 0 : i32
      %dma_wait3A_129 = tpu.memref_slice %arg6[%mul3A_59, %dma_wait3A_128] : memref<79x128xi32, #tpu.memory_space<vmem>> -> memref<1x128xi32, #tpu.memory_space<vmem>>
      %dma_wait3A_130 = tpu.memref_squeeze %dma_wait3A_129 : memref<1x128xi32, #tpu.memory_space<vmem>> -> memref<128xi32, #tpu.memory_space<vmem>>
      %dma_wait3A_131 = arith.constant 0 : i32
      %dma_wait3A_132 = arith.constant 0 : i32
      %dma_wait3A_133 = tpu.memref_slice %arg8[%dma_wait3A_131, %dma_wait3A_132] : memref<10240x8xf32, #tpu.memory_space<vmem_shared>> -> memref<10240x8xf32, #tpu.memory_space<vmem_shared>>
      tpu.wait_indirect_dma semaphore(%arg9 : memref<!tpu.dma_semaphore, #tpu.memory_space<semaphore_mem>>) src(%arg7 : memref<128x8xf32, #tpu.memory_space<vmem>>) dst(%dma_wait3A_133 : memref<10240x8xf32, #tpu.memory_space<vmem_shared>>)
      %dma_wait3A_134 = arith.constant 0 : i32
      %dma_wait3A_135 = tpu.memref_slice %arg6[%mul3A_59, %dma_wait3A_134] : memref<79x128xi32, #tpu.memory_space<vmem>> -> memref<1x128xi32, #tpu.memory_space<vmem>>
      %dma_wait3A_136 = tpu.memref_squeeze %dma_wait3A_135 : memref<1x128xi32, #tpu.memory_space<vmem>> -> memref<128xi32, #tpu.memory_space<vmem>>
      %dma_wait3A_137 = arith.constant 0 : i32
      %dma_wait3A_138 = arith.constant 0 : i32
      %dma_wait3A_139 = tpu.memref_slice %arg8[%dma_wait3A_137, %dma_wait3A_138] : memref<10240x8xf32, #tpu.memory_space<vmem_shared>> -> memref<10240x8xf32, #tpu.memory_space<vmem_shared>>
      tpu.wait_indirect_dma semaphore(%arg9 : memref<!tpu.dma_semaphore, #tpu.memory_space<semaphore_mem>>) src(%arg7 : memref<128x8xf32, #tpu.memory_space<vmem>>) dst(%dma_wait3A_139 : memref<10240x8xf32, #tpu.memory_space<vmem_shared>>)
      %dma_wait3A_140 = arith.constant 0 : i32
      %dma_wait3A_141 = tpu.memref_slice %arg6[%mul3A_59, %dma_wait3A_140] : memref<79x128xi32, #tpu.memory_space<vmem>> -> memref<1x128xi32, #tpu.memory_space<vmem>>
      %dma_wait3A_142 = tpu.memref_squeeze %dma_wait3A_141 : memref<1x128xi32, #tpu.memory_space<vmem>> -> memref<128xi32, #tpu.memory_space<vmem>>
      %dma_wait3A_143 = arith.constant 0 : i32
      %dma_wait3A_144 = arith.constant 0 : i32
      %dma_wait3A_145 = tpu.memref_slice %arg8[%dma_wait3A_143, %dma_wait3A_144] : memref<10240x8xf32, #tpu.memory_space<vmem_shared>> -> memref<10240x8xf32, #tpu.memory_space<vmem_shared>>
      tpu.wait_indirect_dma semaphore(%arg9 : memref<!tpu.dma_semaphore, #tpu.memory_space<semaphore_mem>>) src(%arg7 : memref<128x8xf32, #tpu.memory_space<vmem>>) dst(%dma_wait3A_145 : memref<10240x8xf32, #tpu.memory_space<vmem_shared>>)
      %dma_wait3A_146 = arith.constant 0 : i32
      %dma_wait3A_147 = tpu.memref_slice %arg6[%mul3A_59, %dma_wait3A_146] : memref<79x128xi32, #tpu.memory_space<vmem>> -> memref<1x128xi32, #tpu.memory_space<vmem>>
      %dma_wait3A_148 = tpu.memref_squeeze %dma_wait3A_147 : memref<1x128xi32, #tpu.memory_space<vmem>> -> memref<128xi32, #tpu.memory_space<vmem>>
      %dma_wait3A_149 = arith.constant 0 : i32
      %dma_wait3A_150 = arith.constant 0 : i32
      %dma_wait3A_151 = tpu.memref_slice %arg8[%dma_wait3A_149, %dma_wait3A_150] : memref<10240x8xf32, #tpu.memory_space<vmem_shared>> -> memref<10240x8xf32, #tpu.memory_space<vmem_shared>>
      tpu.wait_indirect_dma semaphore(%arg9 : memref<!tpu.dma_semaphore, #tpu.memory_space<semaphore_mem>>) src(%arg7 : memref<128x8xf32, #tpu.memory_space<vmem>>) dst(%dma_wait3A_151 : memref<10240x8xf32, #tpu.memory_space<vmem_shared>>)
      %dma_wait3A_152 = arith.constant 0 : i32
      %dma_wait3A_153 = tpu.memref_slice %arg6[%mul3A_59, %dma_wait3A_152] : memref<79x128xi32, #tpu.memory_space<vmem>> -> memref<1x128xi32, #tpu.memory_space<vmem>>
      %dma_wait3A_154 = tpu.memref_squeeze %dma_wait3A_153 : memref<1x128xi32, #tpu.memory_space<vmem>> -> memref<128xi32, #tpu.memory_space<vmem>>
      %dma_wait3A_155 = arith.constant 0 : i32
      %dma_wait3A_156 = arith.constant 0 : i32
      %dma_wait3A_157 = tpu.memref_slice %arg8[%dma_wait3A_155, %dma_wait3A_156] : memref<10240x8xf32, #tpu.memory_space<vmem_shared>> -> memref<10240x8xf32, #tpu.memory_space<vmem_shared>>
      tpu.wait_indirect_dma semaphore(%arg9 : memref<!tpu.dma_semaphore, #tpu.memory_space<semaphore_mem>>) src(%arg7 : memref<128x8xf32, #tpu.memory_space<vmem>>) dst(%dma_wait3A_157 : memref<10240x8xf32, #tpu.memory_space<vmem_shared>>)
      %dma_wait3A_158 = arith.constant 0 : i32
      %dma_wait3A_159 = tpu.memref_slice %arg6[%mul3A_59, %dma_wait3A_158] : memref<79x128xi32, #tpu.memory_space<vmem>> -> memref<1x128xi32, #tpu.memory_space<vmem>>
      %dma_wait3A_160 = tpu.memref_squeeze %dma_wait3A_159 : memref<1x128xi32, #tpu.memory_space<vmem>> -> memref<128xi32, #tpu.memory_space<vmem>>
      %dma_wait3A_161 = arith.constant 0 : i32
      %dma_wait3A_162 = arith.constant 0 : i32
      %dma_wait3A_163 = tpu.memref_slice %arg8[%dma_wait3A_161, %dma_wait3A_162] : memref<10240x8xf32, #tpu.memory_space<vmem_shared>> -> memref<10240x8xf32, #tpu.memory_space<vmem_shared>>
      tpu.wait_indirect_dma semaphore(%arg9 : memref<!tpu.dma_semaphore, #tpu.memory_space<semaphore_mem>>) src(%arg7 : memref<128x8xf32, #tpu.memory_space<vmem>>) dst(%dma_wait3A_163 : memref<10240x8xf32, #tpu.memory_space<vmem_shared>>)
      %dma_wait3A_164 = arith.constant 0 : i32
      %dma_wait3A_165 = tpu.memref_slice %arg6[%mul3A_59, %dma_wait3A_164] : memref<79x128xi32, #tpu.memory_space<vmem>> -> memref<1x128xi32, #tpu.memory_space<vmem>>
      %dma_wait3A_166 = tpu.memref_squeeze %dma_wait3A_165 : memref<1x128xi32, #tpu.memory_space<vmem>> -> memref<128xi32, #tpu.memory_space<vmem>>
      %dma_wait3A_167 = arith.constant 0 : i32
      %dma_wait3A_168 = arith.constant 0 : i32
      %dma_wait3A_169 = tpu.memref_slice %arg8[%dma_wait3A_167, %dma_wait3A_168] : memref<10240x8xf32, #tpu.memory_space<vmem_shared>> -> memref<10240x8xf32, #tpu.memory_space<vmem_shared>>
      tpu.wait_indirect_dma semaphore(%arg9 : memref<!tpu.dma_semaphore, #tpu.memory_space<semaphore_mem>>) src(%arg7 : memref<128x8xf32, #tpu.memory_space<vmem>>) dst(%dma_wait3A_169 : memref<10240x8xf32, #tpu.memory_space<vmem_shared>>)
    }
    %mul3A_41 = arith.constant 8 : i32
    %mul3A_42 = arith.muli %select_n3A_31, %mul3A_41 : i32
    %while3A_43 = arith.constant 0 : i32
    %while3A_44 = arith.subi %add3A_10, %mul3A_42 : i32
    %while3A_45 = arith.addi %mul3A_42, %while3A_44 : i32
    %while3A_46 = arith.constant 1 : i32
    %while3A_47 = arith.divsi %while3A_44, %while3A_46 : i32
    %while3A_48 = arith.muli %while3A_47, %while3A_46 : i32
    %while3A_49 = arith.addi %mul3A_42, %while3A_48 : i32
    %while3A_50 = arith.constant 1 : i32
    scf.for %while3A_57 = %mul3A_42 to %while3A_49 step %while3A_50  : i32 {
      "tpu.region"() ({
        %run_scoped3A_58 = tpu.sem_alloc : memref<!tpu.dma_semaphore, #tpu.memory_space<semaphore_mem>>
        %dma_start3A = arith.constant 0 : i32
        %dma_start3A_59 = tpu.memref_slice %arg6[%while3A_57, %dma_start3A] : memref<79x128xi32, #tpu.memory_space<vmem>> -> memref<1x128xi32, #tpu.memory_space<vmem>>
        %dma_start3A_60 = tpu.memref_squeeze %dma_start3A_59 : memref<1x128xi32, #tpu.memory_space<vmem>> -> memref<128xi32, #tpu.memory_space<vmem>>
        %dma_start3A_61 = arith.constant 0 : i32
        %dma_start3A_62 = arith.constant 0 : i32
        %dma_start3A_63 = tpu.memref_slice %arg8[%dma_start3A_61, %dma_start3A_62] : memref<10240x8xf32, #tpu.memory_space<vmem_shared>> -> memref<10240x8xf32, #tpu.memory_space<vmem_shared>>
        tpu.enqueue_indirect_dma source(%arg7 : memref<128x8xf32, #tpu.memory_space<vmem>>) target(%dma_start3A_63 : memref<10240x8xf32, #tpu.memory_space<vmem_shared>>) offsets(%dma_start3A_60 : memref<128xi32, #tpu.memory_space<vmem>>) semaphore(%run_scoped3A_58 : memref<!tpu.dma_semaphore, #tpu.memory_space<semaphore_mem>>) {add = true}
        %dma_wait3A = arith.constant 0 : i32
        %dma_wait3A_64 = tpu.memref_slice %arg6[%while3A_57, %dma_wait3A] : memref<79x128xi32, #tpu.memory_space<vmem>> -> memref<1x128xi32, #tpu.memory_space<vmem>>
        %dma_wait3A_65 = tpu.memref_squeeze %dma_wait3A_64 : memref<1x128xi32, #tpu.memory_space<vmem>> -> memref<128xi32, #tpu.memory_space<vmem>>
        %dma_wait3A_66 = arith.constant 0 : i32
        %dma_wait3A_67 = arith.constant 0 : i32
        %dma_wait3A_68 = tpu.memref_slice %arg8[%dma_wait3A_66, %dma_wait3A_67] : memref<10240x8xf32, #tpu.memory_space<vmem_shared>> -> memref<10240x8xf32, #tpu.memory_space<vmem_shared>>
        tpu.wait_indirect_dma semaphore(%run_scoped3A_58 : memref<!tpu.dma_semaphore, #tpu.memory_space<semaphore_mem>>) src(%arg7 : memref<128x8xf32, #tpu.memory_space<vmem>>) dst(%dma_wait3A_68 : memref<10240x8xf32, #tpu.memory_space<vmem_shared>>)
        tpu.yield
      }) : () -> ()
    }
    %while3A_51 = arith.constant 1 : i32
    scf.for %while3A_57 = %while3A_49 to %while3A_45 step %while3A_51  : i32 {
      "tpu.region"() ({
        %run_scoped3A_58 = tpu.sem_alloc : memref<!tpu.dma_semaphore, #tpu.memory_space<semaphore_mem>>
        %dma_start3A = arith.constant 0 : i32
        %dma_start3A_59 = tpu.memref_slice %arg6[%while3A_57, %dma_start3A] : memref<79x128xi32, #tpu.memory_space<vmem>> -> memref<1x128xi32, #tpu.memory_space<vmem>>
        %dma_start3A_60 = tpu.memref_squeeze %dma_start3A_59 : memref<1x128xi32, #tpu.memory_space<vmem>> -> memref<128xi32, #tpu.memory_space<vmem>>
        %dma_start3A_61 = arith.constant 0 : i32
        %dma_start3A_62 = arith.constant 0 : i32
        %dma_start3A_63 = tpu.memref_slice %arg8[%dma_start3A_61, %dma_start3A_62] : memref<10240x8xf32, #tpu.memory_space<vmem_shared>> -> memref<10240x8xf32, #tpu.memory_space<vmem_shared>>
        tpu.enqueue_indirect_dma source(%arg7 : memref<128x8xf32, #tpu.memory_space<vmem>>) target(%dma_start3A_63 : memref<10240x8xf32, #tpu.memory_space<vmem_shared>>) offsets(%dma_start3A_60 : memref<128xi32, #tpu.memory_space<vmem>>) semaphore(%run_scoped3A_58 : memref<!tpu.dma_semaphore, #tpu.memory_space<semaphore_mem>>) {add = true}
        %dma_wait3A = arith.constant 0 : i32
        %dma_wait3A_64 = tpu.memref_slice %arg6[%while3A_57, %dma_wait3A] : memref<79x128xi32, #tpu.memory_space<vmem>> -> memref<1x128xi32, #tpu.memory_space<vmem>>
        %dma_wait3A_65 = tpu.memref_squeeze %dma_wait3A_64 : memref<1x128xi32, #tpu.memory_space<vmem>> -> memref<128xi32, #tpu.memory_space<vmem>>
        %dma_wait3A_66 = arith.constant 0 : i32
        %dma_wait3A_67 = arith.constant 0 : i32
        %dma_wait3A_68 = tpu.memref_slice %arg8[%dma_wait3A_66, %dma_wait3A_67] : memref<10240x8xf32, #tpu.memory_space<vmem_shared>> -> memref<10240x8xf32, #tpu.memory_space<vmem_shared>>
        tpu.wait_indirect_dma semaphore(%run_scoped3A_58 : memref<!tpu.dma_semaphore, #tpu.memory_space<semaphore_mem>>) src(%arg7 : memref<128x8xf32, #tpu.memory_space<vmem>>) dst(%dma_wait3A_68 : memref<10240x8xf32, #tpu.memory_space<vmem_shared>>)
        tpu.yield
      }) : () -> ()
    }
    %barrier3A_52 = arith.constant 0 : index
    tpu.barrier barrier_id(%barrier3A_52)
    %mul3A_53 = arith.constant 640 : i32
    %mul3A_54 = arith.muli %arg1, %mul3A_53 : i32
    %mul3A_55 = arith.constant 640 : i32
    %mul3A_56 = arith.muli %arg1, %mul3A_55 : i32
    "tpu.region"() ({
      %run_scoped3A_57 = tpu.sem_alloc : memref<!tpu.dma_semaphore, #tpu.memory_space<semaphore_mem>>
      %dma_start3A = arith.constant 0 : i32
      %dma_start3A_58 = tpu.memref_slice %arg5[%arg0, %mul3A_56, %dma_start3A] : memref<2x10240x8xf32, #tpu.memory_space<hbm>> -> memref<1x640x8xf32, #tpu.memory_space<hbm>>
      %dma_start3A_59 = tpu.memref_squeeze %dma_start3A_58 : memref<1x640x8xf32, #tpu.memory_space<hbm>> -> memref<640x8xf32, #tpu.memory_space<hbm>>
      %dma_start3A_60 = arith.constant 0 : i32
      %dma_start3A_61 = tpu.memref_slice %arg8[%mul3A_54, %dma_start3A_60] : memref<10240x8xf32, #tpu.memory_space<vmem_shared>> -> memref<640x8xf32, #tpu.memory_space<vmem_shared>>
      tpu.enqueue_dma source(%dma_start3A_61 : memref<640x8xf32, #tpu.memory_space<vmem_shared>>) target(%dma_start3A_59 : memref<640x8xf32, #tpu.memory_space<hbm>>) target_semaphore(%run_scoped3A_57 : memref<!tpu.dma_semaphore, #tpu.memory_space<semaphore_mem>>)
      %dma_wait3A = arith.constant 0 : i32
      %dma_wait3A_62 = tpu.memref_slice %arg5[%arg0, %mul3A_56, %dma_wait3A] : memref<2x10240x8xf32, #tpu.memory_space<hbm>> -> memref<1x640x8xf32, #tpu.memory_space<hbm>>
      %dma_wait3A_63 = tpu.memref_squeeze %dma_wait3A_62 : memref<1x640x8xf32, #tpu.memory_space<hbm>> -> memref<640x8xf32, #tpu.memory_space<hbm>>
      %dma_wait3A_64 = arith.constant 0 : i32
      %dma_wait3A_65 = tpu.memref_slice %arg8[%mul3A_54, %dma_wait3A_64] : memref<10240x8xf32, #tpu.memory_space<vmem_shared>> -> memref<640x8xf32, #tpu.memory_space<vmem_shared>>
      tpu.wait_dma2 semaphore(%run_scoped3A_57 : memref<!tpu.dma_semaphore, #tpu.memory_space<semaphore_mem>>) src(%dma_wait3A_65 : memref<640x8xf32, #tpu.memory_space<vmem_shared>>) dst(%dma_wait3A_63 : memref<640x8xf32, #tpu.memory_space<hbm>>)
      tpu.yield
    }) : () -> ()
    return
  }
}

#map = affine_map<(d0, d1) -> (0, 0, 0)>
#map1 = affine_map<(d0, d1) -> (0, 0)>
module attributes {stable_mosaic.version = 14 : i64} {
  func.func @k(%arg0: i32, %arg1: i32, %arg2: memref<2x10240x64xf32, #tpu.memory_space<hbm>>, %arg3: memref<2x2500x128xi32, #tpu.memory_space<hbm>>, %arg4: memref<10240x128xf32, #tpu.memory_space<hbm>>, %arg5: memref<157x128xi32, #tpu.memory_space<vmem>>, %arg6: memref<157x128xi32, #tpu.memory_space<vmem>>, %arg7: memref<128x64xf32, #tpu.memory_space<vmem>>, %arg8: memref<128x64xf32, #tpu.memory_space<vmem>>, %arg9: memref<128x64xf32, #tpu.memory_space<vmem>>, %arg10: memref<128x64xf32, #tpu.memory_space<vmem>>, %arg11: memref<10240x64xf32, #tpu.memory_space<vmem_shared>>, %arg12: memref<!tpu.dma_semaphore, #tpu.memory_space<semaphore_mem>>, %arg13: memref<!tpu.dma_semaphore, #tpu.memory_space<semaphore_mem>>, %arg14: memref<!tpu.dma_semaphore, #tpu.memory_space<semaphore_mem>>, %arg15: memref<!tpu.dma_semaphore, #tpu.memory_space<semaphore_mem>>, %arg16: memref<!tpu.dma_semaphore, #tpu.memory_space<semaphore_mem>>, %arg17: memref<!tpu.dma_semaphore, #tpu.memory_space<semaphore_mem>>, %arg18: memref<!tpu.dma_semaphore, #tpu.memory_space<semaphore_mem>>, %arg19: memref<!tpu.dma_semaphore, #tpu.memory_space<semaphore_mem>>) attributes {dimension_semantics = [#tpu.dimension_semantics<core_parallel>, #tpu.dimension_semantics<subcore_parallel>], iteration_bounds = array<i64: 2, 16>, scalar_prefetch = 0 : i64, scratch_operands = 15 : i64, tpu.core_type = #tpu.core_type<sc_vector_subcore>, window_params = [{transform_indices = #map}, {transform_indices = #map}, {transform_indices = #map1}]} {
    %scan3A = arith.constant 0 : i32
    %scan3A_0 = arith.constant 0 : i32
    %scan3A_1 = arith.constant 128 : i32
    %scan3A_2 = arith.addi %scan3A_0, %scan3A_1 : i32
    %scan3A_3 = arith.constant 1 : i32
    scf.for %scan3A_150 = %scan3A_0 to %scan3A_2 step %scan3A_3  : i32 {
      %broadcast_in_dim3A = arith.constant 0.000000e+00 : f32
      %broadcast_in_dim3A_151 = vector.broadcast %broadcast_in_dim3A : f32 to vector<16xf32>
      %swap3A = arith.index_cast %scan3A_150 : i32 to index
      %swap3A_152 = arith.constant 0 : index
      %swap3A_153 = tpu.vector_load %arg7[%swap3A, %swap3A_152] {strides = array<i32>} : memref<128x64xf32, #tpu.memory_space<vmem>>, vector<1x16xf32>,
      %swap3A_154 = vector.shape_cast %swap3A_153 : vector<1x16xf32> to vector<16xf32>
      %swap3A_155 = vector.shape_cast %broadcast_in_dim3A_151 : vector<16xf32> to vector<1x16xf32>
      tpu.vector_store %arg7[%swap3A, %swap3A_152], %swap3A_155 {strides = array<i32>} : memref<128x64xf32, #tpu.memory_space<vmem>>, vector<1x16xf32>,
      %broadcast_in_dim3A_156 = arith.constant 0.000000e+00 : f32
      %broadcast_in_dim3A_157 = vector.broadcast %broadcast_in_dim3A_156 : f32 to vector<16xf32>
      %swap3A_158 = arith.index_cast %scan3A_150 : i32 to index
      %swap3A_159 = arith.constant 16 : index
      %swap3A_160 = tpu.vector_load %arg7[%swap3A_158, %swap3A_159] {strides = array<i32>} : memref<128x64xf32, #tpu.memory_space<vmem>>, vector<1x16xf32>,
      %swap3A_161 = vector.shape_cast %swap3A_160 : vector<1x16xf32> to vector<16xf32>
      %swap3A_162 = vector.shape_cast %broadcast_in_dim3A_157 : vector<16xf32> to vector<1x16xf32>
      tpu.vector_store %arg7[%swap3A_158, %swap3A_159], %swap3A_162 {strides = array<i32>} : memref<128x64xf32, #tpu.memory_space<vmem>>, vector<1x16xf32>,
      %broadcast_in_dim3A_163 = arith.constant 0.000000e+00 : f32
      %broadcast_in_dim3A_164 = vector.broadcast %broadcast_in_dim3A_163 : f32 to vector<16xf32>
      %swap3A_165 = arith.index_cast %scan3A_150 : i32 to index
      %swap3A_166 = arith.constant 32 : index
      %swap3A_167 = tpu.vector_load %arg7[%swap3A_165, %swap3A_166] {strides = array<i32>} : memref<128x64xf32, #tpu.memory_space<vmem>>, vector<1x16xf32>,
      %swap3A_168 = vector.shape_cast %swap3A_167 : vector<1x16xf32> to vector<16xf32>
      %swap3A_169 = vector.shape_cast %broadcast_in_dim3A_164 : vector<16xf32> to vector<1x16xf32>
      tpu.vector_store %arg7[%swap3A_165, %swap3A_166], %swap3A_169 {strides = array<i32>} : memref<128x64xf32, #tpu.memory_space<vmem>>, vector<1x16xf32>,
      %broadcast_in_dim3A_170 = arith.constant 0.000000e+00 : f32
      %broadcast_in_dim3A_171 = vector.broadcast %broadcast_in_dim3A_170 : f32 to vector<16xf32>
      %swap3A_172 = arith.index_cast %scan3A_150 : i32 to index
      %swap3A_173 = arith.constant 48 : index
      %swap3A_174 = tpu.vector_load %arg7[%swap3A_172, %swap3A_173] {strides = array<i32>} : memref<128x64xf32, #tpu.memory_space<vmem>>, vector<1x16xf32>,
      %swap3A_175 = vector.shape_cast %swap3A_174 : vector<1x16xf32> to vector<16xf32>
      %swap3A_176 = vector.shape_cast %broadcast_in_dim3A_171 : vector<16xf32> to vector<1x16xf32>
      tpu.vector_store %arg7[%swap3A_172, %swap3A_173], %swap3A_176 {strides = array<i32>} : memref<128x64xf32, #tpu.memory_space<vmem>>, vector<1x16xf32>,
    }
    %scan3A_4 = arith.constant 128 : i32
    %mul3A = arith.constant 640 : i32
    %mul3A_5 = arith.muli %arg1, %mul3A : i32
    %add3A = arith.constant 0 : i32
    %add3A_6 = arith.addi %mul3A_5, %add3A : i32
    "tpu.region"() ({
      %run_scoped3A_150 = tpu.sem_alloc : memref<!tpu.dma_semaphore, #tpu.memory_space<semaphore_mem>>
      %dma_start3A_151 = arith.constant 0 : i32
      %dma_start3A_152 = tpu.memref_slice %arg11[%add3A_6, %dma_start3A_151] : memref<10240x64xf32, #tpu.memory_space<vmem_shared>> -> memref<128x64xf32, #tpu.memory_space<vmem_shared>>
      %dma_start3A_153 = arith.constant 0 : i32
      %dma_start3A_154 = tpu.memref_slice %arg11[%add3A_6, %dma_start3A_153] : memref<10240x64xf32, #tpu.memory_space<vmem_shared>> -> memref<128x64xf32, #tpu.memory_space<vmem_shared>>
      tpu.enqueue_dma source(%arg7 : memref<128x64xf32, #tpu.memory_space<vmem>>) target(%dma_start3A_154 : memref<128x64xf32, #tpu.memory_space<vmem_shared>>) target_semaphore(%run_scoped3A_150 : memref<!tpu.dma_semaphore, #tpu.memory_space<semaphore_mem>>)
      %dma_wait3A_155 = arith.constant 0 : i32
      %dma_wait3A_156 = tpu.memref_slice %arg11[%add3A_6, %dma_wait3A_155] : memref<10240x64xf32, #tpu.memory_space<vmem_shared>> -> memref<128x64xf32, #tpu.memory_space<vmem_shared>>
      %dma_wait3A_157 = arith.constant 0 : i32
      %dma_wait3A_158 = tpu.memref_slice %arg11[%add3A_6, %dma_wait3A_157] : memref<10240x64xf32, #tpu.memory_space<vmem_shared>> -> memref<128x64xf32, #tpu.memory_space<vmem_shared>>
      tpu.wait_dma2 semaphore(%run_scoped3A_150 : memref<!tpu.dma_semaphore, #tpu.memory_space<semaphore_mem>>) src(%arg7 : memref<128x64xf32, #tpu.memory_space<vmem>>) dst(%dma_wait3A_158 : memref<128x64xf32, #tpu.memory_space<vmem_shared>>)
      tpu.yield
    }) : () -> ()
    %mul3A_7 = arith.constant 640 : i32
    %mul3A_8 = arith.muli %arg1, %mul3A_7 : i32
    %add3A_9 = arith.constant 128 : i32
    %add3A_10 = arith.addi %mul3A_8, %add3A_9 : i32
    "tpu.region"() ({
      %run_scoped3A_150 = tpu.sem_alloc : memref<!tpu.dma_semaphore, #tpu.memory_space<semaphore_mem>>
      %dma_start3A_151 = arith.constant 0 : i32
      %dma_start3A_152 = tpu.memref_slice %arg11[%add3A_10, %dma_start3A_151] : memref<10240x64xf32, #tpu.memory_space<vmem_shared>> -> memref<128x64xf32, #tpu.memory_space<vmem_shared>>
      %dma_start3A_153 = arith.constant 0 : i32
      %dma_start3A_154 = tpu.memref_slice %arg11[%add3A_10, %dma_start3A_153] : memref<10240x64xf32, #tpu.memory_space<vmem_shared>> -> memref<128x64xf32, #tpu.memory_space<vmem_shared>>
      tpu.enqueue_dma source(%arg7 : memref<128x64xf32, #tpu.memory_space<vmem>>) target(%dma_start3A_154 : memref<128x64xf32, #tpu.memory_space<vmem_shared>>) target_semaphore(%run_scoped3A_150 : memref<!tpu.dma_semaphore, #tpu.memory_space<semaphore_mem>>)
      %dma_wait3A_155 = arith.constant 0 : i32
      %dma_wait3A_156 = tpu.memref_slice %arg11[%add3A_10, %dma_wait3A_155] : memref<10240x64xf32, #tpu.memory_space<vmem_shared>> -> memref<128x64xf32, #tpu.memory_space<vmem_shared>>
      %dma_wait3A_157 = arith.constant 0 : i32
      %dma_wait3A_158 = tpu.memref_slice %arg11[%add3A_10, %dma_wait3A_157] : memref<10240x64xf32, #tpu.memory_space<vmem_shared>> -> memref<128x64xf32, #tpu.memory_space<vmem_shared>>
      tpu.wait_dma2 semaphore(%run_scoped3A_150 : memref<!tpu.dma_semaphore, #tpu.memory_space<semaphore_mem>>) src(%arg7 : memref<128x64xf32, #tpu.memory_space<vmem>>) dst(%dma_wait3A_158 : memref<128x64xf32, #tpu.memory_space<vmem_shared>>)
      tpu.yield
    }) : () -> ()
    %mul3A_11 = arith.constant 640 : i32
    %mul3A_12 = arith.muli %arg1, %mul3A_11 : i32
    %add3A_13 = arith.constant 256 : i32
    %add3A_14 = arith.addi %mul3A_12, %add3A_13 : i32
    "tpu.region"() ({
      %run_scoped3A_150 = tpu.sem_alloc : memref<!tpu.dma_semaphore, #tpu.memory_space<semaphore_mem>>
      %dma_start3A_151 = arith.constant 0 : i32
      %dma_start3A_152 = tpu.memref_slice %arg11[%add3A_14, %dma_start3A_151] : memref<10240x64xf32, #tpu.memory_space<vmem_shared>> -> memref<128x64xf32, #tpu.memory_space<vmem_shared>>
      %dma_start3A_153 = arith.constant 0 : i32
      %dma_start3A_154 = tpu.memref_slice %arg11[%add3A_14, %dma_start3A_153] : memref<10240x64xf32, #tpu.memory_space<vmem_shared>> -> memref<128x64xf32, #tpu.memory_space<vmem_shared>>
      tpu.enqueue_dma source(%arg7 : memref<128x64xf32, #tpu.memory_space<vmem>>) target(%dma_start3A_154 : memref<128x64xf32, #tpu.memory_space<vmem_shared>>) target_semaphore(%run_scoped3A_150 : memref<!tpu.dma_semaphore, #tpu.memory_space<semaphore_mem>>)
      %dma_wait3A_155 = arith.constant 0 : i32
      %dma_wait3A_156 = tpu.memref_slice %arg11[%add3A_14, %dma_wait3A_155] : memref<10240x64xf32, #tpu.memory_space<vmem_shared>> -> memref<128x64xf32, #tpu.memory_space<vmem_shared>>
      %dma_wait3A_157 = arith.constant 0 : i32
      %dma_wait3A_158 = tpu.memref_slice %arg11[%add3A_14, %dma_wait3A_157] : memref<10240x64xf32, #tpu.memory_space<vmem_shared>> -> memref<128x64xf32, #tpu.memory_space<vmem_shared>>
      tpu.wait_dma2 semaphore(%run_scoped3A_150 : memref<!tpu.dma_semaphore, #tpu.memory_space<semaphore_mem>>) src(%arg7 : memref<128x64xf32, #tpu.memory_space<vmem>>) dst(%dma_wait3A_158 : memref<128x64xf32, #tpu.memory_space<vmem_shared>>)
      tpu.yield
    }) : () -> ()
    %mul3A_15 = arith.constant 640 : i32
    %mul3A_16 = arith.muli %arg1, %mul3A_15 : i32
    %add3A_17 = arith.constant 384 : i32
    %add3A_18 = arith.addi %mul3A_16, %add3A_17 : i32
    "tpu.region"() ({
      %run_scoped3A_150 = tpu.sem_alloc : memref<!tpu.dma_semaphore, #tpu.memory_space<semaphore_mem>>
      %dma_start3A_151 = arith.constant 0 : i32
      %dma_start3A_152 = tpu.memref_slice %arg11[%add3A_18, %dma_start3A_151] : memref<10240x64xf32, #tpu.memory_space<vmem_shared>> -> memref<128x64xf32, #tpu.memory_space<vmem_shared>>
      %dma_start3A_153 = arith.constant 0 : i32
      %dma_start3A_154 = tpu.memref_slice %arg11[%add3A_18, %dma_start3A_153] : memref<10240x64xf32, #tpu.memory_space<vmem_shared>> -> memref<128x64xf32, #tpu.memory_space<vmem_shared>>
      tpu.enqueue_dma source(%arg7 : memref<128x64xf32, #tpu.memory_space<vmem>>) target(%dma_start3A_154 : memref<128x64xf32, #tpu.memory_space<vmem_shared>>) target_semaphore(%run_scoped3A_150 : memref<!tpu.dma_semaphore, #tpu.memory_space<semaphore_mem>>)
      %dma_wait3A_155 = arith.constant 0 : i32
      %dma_wait3A_156 = tpu.memref_slice %arg11[%add3A_18, %dma_wait3A_155] : memref<10240x64xf32, #tpu.memory_space<vmem_shared>> -> memref<128x64xf32, #tpu.memory_space<vmem_shared>>
      %dma_wait3A_157 = arith.constant 0 : i32
      %dma_wait3A_158 = tpu.memref_slice %arg11[%add3A_18, %dma_wait3A_157] : memref<10240x64xf32, #tpu.memory_space<vmem_shared>> -> memref<128x64xf32, #tpu.memory_space<vmem_shared>>
      tpu.wait_dma2 semaphore(%run_scoped3A_150 : memref<!tpu.dma_semaphore, #tpu.memory_space<semaphore_mem>>) src(%arg7 : memref<128x64xf32, #tpu.memory_space<vmem>>) dst(%dma_wait3A_158 : memref<128x64xf32, #tpu.memory_space<vmem_shared>>)
      tpu.yield
    }) : () -> ()
    %mul3A_19 = arith.constant 640 : i32
    %mul3A_20 = arith.muli %arg1, %mul3A_19 : i32
    %add3A_21 = arith.constant 512 : i32
    %add3A_22 = arith.addi %mul3A_20, %add3A_21 : i32
    "tpu.region"() ({
      %run_scoped3A_150 = tpu.sem_alloc : memref<!tpu.dma_semaphore, #tpu.memory_space<semaphore_mem>>
      %dma_start3A_151 = arith.constant 0 : i32
      %dma_start3A_152 = tpu.memref_slice %arg11[%add3A_22, %dma_start3A_151] : memref<10240x64xf32, #tpu.memory_space<vmem_shared>> -> memref<128x64xf32, #tpu.memory_space<vmem_shared>>
      %dma_start3A_153 = arith.constant 0 : i32
      %dma_start3A_154 = tpu.memref_slice %arg11[%add3A_22, %dma_start3A_153] : memref<10240x64xf32, #tpu.memory_space<vmem_shared>> -> memref<128x64xf32, #tpu.memory_space<vmem_shared>>
      tpu.enqueue_dma source(%arg7 : memref<128x64xf32, #tpu.memory_space<vmem>>) target(%dma_start3A_154 : memref<128x64xf32, #tpu.memory_space<vmem_shared>>) target_semaphore(%run_scoped3A_150 : memref<!tpu.dma_semaphore, #tpu.memory_space<semaphore_mem>>)
      %dma_wait3A_155 = arith.constant 0 : i32
      %dma_wait3A_156 = tpu.memref_slice %arg11[%add3A_22, %dma_wait3A_155] : memref<10240x64xf32, #tpu.memory_space<vmem_shared>> -> memref<128x64xf32, #tpu.memory_space<vmem_shared>>
      %dma_wait3A_157 = arith.constant 0 : i32
      %dma_wait3A_158 = tpu.memref_slice %arg11[%add3A_22, %dma_wait3A_157] : memref<10240x64xf32, #tpu.memory_space<vmem_shared>> -> memref<128x64xf32, #tpu.memory_space<vmem_shared>>
      tpu.wait_dma2 semaphore(%run_scoped3A_150 : memref<!tpu.dma_semaphore, #tpu.memory_space<semaphore_mem>>) src(%arg7 : memref<128x64xf32, #tpu.memory_space<vmem>>) dst(%dma_wait3A_158 : memref<128x64xf32, #tpu.memory_space<vmem_shared>>)
      tpu.yield
    }) : () -> ()
    %barrier3A = arith.constant 0 : index
    tpu.barrier barrier_id(%barrier3A)
    %mul3A_23 = arith.constant 156 : i32
    %mul3A_24 = arith.muli %mul3A_23, %arg1 : i32
    %min3A = arith.constant 4 : i32
    %min3A_25 = arith.minsi %arg1, %min3A : i32
    %add3A_26 = arith.addi %mul3A_24, %min3A_25 : i32
    %lt3A = arith.constant 4 : i32
    %lt3A_27 = arith.cmpi slt, %arg1, %lt3A : i32
    %jit3A = arith.constant 1 : i32
    %jit3A_28 = arith.constant 0 : i32
    %select_n3A = arith.select %lt3A_27, %jit3A, %jit3A_28 : i32
    %add3A_29 = arith.constant 156 : i32
    %add3A_30 = arith.addi %add3A_29, %select_n3A : i32
    %run_scoped3A = arith.constant 0 : i32
    "tpu.region"() ({
      %run_scoped3A_150 = tpu.sem_alloc : memref<!tpu.dma_semaphore, #tpu.memory_space<semaphore_mem>>
      %dma_start3A_151 = arith.constant 0 : i32
      %dma_start3A_152 = arith.constant 0 : i32
      %dma_start3A_153 = tpu.memref_slice %arg5[%dma_start3A_151, %dma_start3A_152] : memref<157x128xi32, #tpu.memory_space<vmem>> -> memref<156x128xi32, #tpu.memory_space<vmem>>
      %dma_start3A_154 = arith.constant 0 : i32
      %dma_start3A_155 = tpu.memref_slice %arg3[%run_scoped3A, %add3A_26, %dma_start3A_154] : memref<2x2500x128xi32, #tpu.memory_space<hbm>> -> memref<1x156x128xi32, #tpu.memory_space<hbm>>
      %dma_start3A_156 = tpu.memref_squeeze %dma_start3A_155 : memref<1x156x128xi32, #tpu.memory_space<hbm>> -> memref<156x128xi32, #tpu.memory_space<hbm>>
      %dma_start3A_157 = arith.constant 0 : i32
      %dma_start3A_158 = arith.constant 0 : i32
      %dma_start3A_159 = tpu.memref_slice %arg5[%dma_start3A_157, %dma_start3A_158] : memref<157x128xi32, #tpu.memory_space<vmem>> -> memref<156x128xi32, #tpu.memory_space<vmem>>
      %dma_start3A_160 = arith.constant 0 : i32
      %dma_start3A_161 = tpu.memref_slice %arg3[%run_scoped3A, %add3A_26, %dma_start3A_160] : memref<2x2500x128xi32, #tpu.memory_space<hbm>> -> memref<1x156x128xi32, #tpu.memory_space<hbm>>
      %dma_start3A_162 = tpu.memref_squeeze %dma_start3A_161 : memref<1x156x128xi32, #tpu.memory_space<hbm>> -> memref<156x128xi32, #tpu.memory_space<hbm>>
      tpu.enqueue_dma source(%dma_start3A_162 : memref<156x128xi32, #tpu.memory_space<hbm>>) target(%dma_start3A_159 : memref<156x128xi32, #tpu.memory_space<vmem>>) target_semaphore(%run_scoped3A_150 : memref<!tpu.dma_semaphore, #tpu.memory_space<semaphore_mem>>)
      %dma_wait3A_163 = arith.constant 0 : i32
      %dma_wait3A_164 = arith.constant 0 : i32
      %dma_wait3A_165 = tpu.memref_slice %arg5[%dma_wait3A_163, %dma_wait3A_164] : memref<157x128xi32, #tpu.memory_space<vmem>> -> memref<156x128xi32, #tpu.memory_space<vmem>>
      %dma_wait3A_166 = arith.constant 0 : i32
      %dma_wait3A_167 = tpu.memref_slice %arg3[%run_scoped3A, %add3A_26, %dma_wait3A_166] : memref<2x2500x128xi32, #tpu.memory_space<hbm>> -> memref<1x156x128xi32, #tpu.memory_space<hbm>>
      %dma_wait3A_168 = tpu.memref_squeeze %dma_wait3A_167 : memref<1x156x128xi32, #tpu.memory_space<hbm>> -> memref<156x128xi32, #tpu.memory_space<hbm>>
      %dma_wait3A_169 = arith.constant 0 : i32
      %dma_wait3A_170 = arith.constant 0 : i32
      %dma_wait3A_171 = tpu.memref_slice %arg5[%dma_wait3A_169, %dma_wait3A_170] : memref<157x128xi32, #tpu.memory_space<vmem>> -> memref<156x128xi32, #tpu.memory_space<vmem>>
      %dma_wait3A_172 = arith.constant 0 : i32
      %dma_wait3A_173 = tpu.memref_slice %arg3[%run_scoped3A, %add3A_26, %dma_wait3A_172] : memref<2x2500x128xi32, #tpu.memory_space<hbm>> -> memref<1x156x128xi32, #tpu.memory_space<hbm>>
      %dma_wait3A_174 = tpu.memref_squeeze %dma_wait3A_173 : memref<1x156x128xi32, #tpu.memory_space<hbm>> -> memref<156x128xi32, #tpu.memory_space<hbm>>
      tpu.wait_dma2 semaphore(%run_scoped3A_150 : memref<!tpu.dma_semaphore, #tpu.memory_space<semaphore_mem>>) src(%dma_wait3A_174 : memref<156x128xi32, #tpu.memory_space<hbm>>) dst(%dma_wait3A_171 : memref<156x128xi32, #tpu.memory_space<vmem>>)
      tpu.yield
    }) : () -> ()
    %run_scoped3A_31 = arith.constant 1 : i32
    "tpu.region"() ({
      %run_scoped3A_150 = tpu.sem_alloc : memref<!tpu.dma_semaphore, #tpu.memory_space<semaphore_mem>>
      %dma_start3A_151 = arith.constant 0 : i32
      %dma_start3A_152 = arith.constant 0 : i32
      %dma_start3A_153 = tpu.memref_slice %arg6[%dma_start3A_151, %dma_start3A_152] : memref<157x128xi32, #tpu.memory_space<vmem>> -> memref<156x128xi32, #tpu.memory_space<vmem>>
      %dma_start3A_154 = arith.constant 0 : i32
      %dma_start3A_155 = tpu.memref_slice %arg3[%run_scoped3A_31, %add3A_26, %dma_start3A_154] : memref<2x2500x128xi32, #tpu.memory_space<hbm>> -> memref<1x156x128xi32, #tpu.memory_space<hbm>>
      %dma_start3A_156 = tpu.memref_squeeze %dma_start3A_155 : memref<1x156x128xi32, #tpu.memory_space<hbm>> -> memref<156x128xi32, #tpu.memory_space<hbm>>
      %dma_start3A_157 = arith.constant 0 : i32
      %dma_start3A_158 = arith.constant 0 : i32
      %dma_start3A_159 = tpu.memref_slice %arg6[%dma_start3A_157, %dma_start3A_158] : memref<157x128xi32, #tpu.memory_space<vmem>> -> memref<156x128xi32, #tpu.memory_space<vmem>>
      %dma_start3A_160 = arith.constant 0 : i32
      %dma_start3A_161 = tpu.memref_slice %arg3[%run_scoped3A_31, %add3A_26, %dma_start3A_160] : memref<2x2500x128xi32, #tpu.memory_space<hbm>> -> memref<1x156x128xi32, #tpu.memory_space<hbm>>
      %dma_start3A_162 = tpu.memref_squeeze %dma_start3A_161 : memref<1x156x128xi32, #tpu.memory_space<hbm>> -> memref<156x128xi32, #tpu.memory_space<hbm>>
      tpu.enqueue_dma source(%dma_start3A_162 : memref<156x128xi32, #tpu.memory_space<hbm>>) target(%dma_start3A_159 : memref<156x128xi32, #tpu.memory_space<vmem>>) target_semaphore(%run_scoped3A_150 : memref<!tpu.dma_semaphore, #tpu.memory_space<semaphore_mem>>)
      %dma_wait3A_163 = arith.constant 0 : i32
      %dma_wait3A_164 = arith.constant 0 : i32
      %dma_wait3A_165 = tpu.memref_slice %arg6[%dma_wait3A_163, %dma_wait3A_164] : memref<157x128xi32, #tpu.memory_space<vmem>> -> memref<156x128xi32, #tpu.memory_space<vmem>>
      %dma_wait3A_166 = arith.constant 0 : i32
      %dma_wait3A_167 = tpu.memref_slice %arg3[%run_scoped3A_31, %add3A_26, %dma_wait3A_166] : memref<2x2500x128xi32, #tpu.memory_space<hbm>> -> memref<1x156x128xi32, #tpu.memory_space<hbm>>
      %dma_wait3A_168 = tpu.memref_squeeze %dma_wait3A_167 : memref<1x156x128xi32, #tpu.memory_space<hbm>> -> memref<156x128xi32, #tpu.memory_space<hbm>>
      %dma_wait3A_169 = arith.constant 0 : i32
      %dma_wait3A_170 = arith.constant 0 : i32
      %dma_wait3A_171 = tpu.memref_slice %arg6[%dma_wait3A_169, %dma_wait3A_170] : memref<157x128xi32, #tpu.memory_space<vmem>> -> memref<156x128xi32, #tpu.memory_space<vmem>>
      %dma_wait3A_172 = arith.constant 0 : i32
      %dma_wait3A_173 = tpu.memref_slice %arg3[%run_scoped3A_31, %add3A_26, %dma_wait3A_172] : memref<2x2500x128xi32, #tpu.memory_space<hbm>> -> memref<1x156x128xi32, #tpu.memory_space<hbm>>
      %dma_wait3A_174 = tpu.memref_squeeze %dma_wait3A_173 : memref<1x156x128xi32, #tpu.memory_space<hbm>> -> memref<156x128xi32, #tpu.memory_space<hbm>>
      tpu.wait_dma2 semaphore(%run_scoped3A_150 : memref<!tpu.dma_semaphore, #tpu.memory_space<semaphore_mem>>) src(%dma_wait3A_174 : memref<156x128xi32, #tpu.memory_space<hbm>>) dst(%dma_wait3A_171 : memref<156x128xi32, #tpu.memory_space<vmem>>)
      tpu.yield
    }) : () -> ()
    %lt3A_32 = arith.constant 4 : i32
    %lt3A_33 = arith.cmpi slt, %arg1, %lt3A_32 : i32
    %convert_element_type3A = arith.extui %lt3A_33 : i1 to i32
    %cond3A = arith.constant 0 : i32
    %cond3A_34 = arith.cmpi ne, %convert_element_type3A, %cond3A : i32
    scf.if %cond3A_34 {
      %add3A_150 = arith.constant 156 : i32
      %add3A_151 = arith.addi %add3A_26, %add3A_150 : i32
      %run_scoped3A_152 = arith.constant 0 : i32
      "tpu.region"() ({
        %run_scoped3A_156 = tpu.sem_alloc : memref<!tpu.dma_semaphore, #tpu.memory_space<semaphore_mem>>
        %dma_start3A_157 = arith.constant 156 : i32
        %dma_start3A_158 = arith.constant 0 : i32
        %dma_start3A_159 = tpu.memref_slice %arg5[%dma_start3A_157, %dma_start3A_158] : memref<157x128xi32, #tpu.memory_space<vmem>> -> memref<1x128xi32, #tpu.memory_space<vmem>>
        %dma_start3A_160 = arith.constant 0 : i32
        %dma_start3A_161 = tpu.memref_slice %arg3[%run_scoped3A_152, %add3A_151, %dma_start3A_160] : memref<2x2500x128xi32, #tpu.memory_space<hbm>> -> memref<1x1x128xi32, #tpu.memory_space<hbm>>
        %dma_start3A_162 = tpu.memref_squeeze %dma_start3A_161 : memref<1x1x128xi32, #tpu.memory_space<hbm>> -> memref<1x128xi32, #tpu.memory_space<hbm>>
        %dma_start3A_163 = arith.constant 156 : i32
        %dma_start3A_164 = arith.constant 0 : i32
        %dma_start3A_165 = tpu.memref_slice %arg5[%dma_start3A_163, %dma_start3A_164] : memref<157x128xi32, #tpu.memory_space<vmem>> -> memref<1x128xi32, #tpu.memory_space<vmem>>
        %dma_start3A_166 = arith.constant 0 : i32
        %dma_start3A_167 = tpu.memref_slice %arg3[%run_scoped3A_152, %add3A_151, %dma_start3A_166] : memref<2x2500x128xi32, #tpu.memory_space<hbm>> -> memref<1x1x128xi32, #tpu.memory_space<hbm>>
        %dma_start3A_168 = tpu.memref_squeeze %dma_start3A_167 : memref<1x1x128xi32, #tpu.memory_space<hbm>> -> memref<1x128xi32, #tpu.memory_space<hbm>>
        tpu.enqueue_dma source(%dma_start3A_168 : memref<1x128xi32, #tpu.memory_space<hbm>>) target(%dma_start3A_165 : memref<1x128xi32, #tpu.memory_space<vmem>>) target_semaphore(%run_scoped3A_156 : memref<!tpu.dma_semaphore, #tpu.memory_space<semaphore_mem>>)
        %dma_wait3A_169 = arith.constant 156 : i32
        %dma_wait3A_170 = arith.constant 0 : i32
        %dma_wait3A_171 = tpu.memref_slice %arg5[%dma_wait3A_169, %dma_wait3A_170] : memref<157x128xi32, #tpu.memory_space<vmem>> -> memref<1x128xi32, #tpu.memory_space<vmem>>
        %dma_wait3A_172 = arith.constant 0 : i32
        %dma_wait3A_173 = tpu.memref_slice %arg3[%run_scoped3A_152, %add3A_151, %dma_wait3A_172] : memref<2x2500x128xi32, #tpu.memory_space<hbm>> -> memref<1x1x128xi32, #tpu.memory_space<hbm>>
        %dma_wait3A_174 = tpu.memref_squeeze %dma_wait3A_173 : memref<1x1x128xi32, #tpu.memory_space<hbm>> -> memref<1x128xi32, #tpu.memory_space<hbm>>
        %dma_wait3A_175 = arith.constant 156 : i32
        %dma_wait3A_176 = arith.constant 0 : i32
        %dma_wait3A_177 = tpu.memref_slice %arg5[%dma_wait3A_175, %dma_wait3A_176] : memref<157x128xi32, #tpu.memory_space<vmem>> -> memref<1x128xi32, #tpu.memory_space<vmem>>
        %dma_wait3A_178 = arith.constant 0 : i32
        %dma_wait3A_179 = tpu.memref_slice %arg3[%run_scoped3A_152, %add3A_151, %dma_wait3A_178] : memref<2x2500x128xi32, #tpu.memory_space<hbm>> -> memref<1x1x128xi32, #tpu.memory_space<hbm>>
        %dma_wait3A_180 = tpu.memref_squeeze %dma_wait3A_179 : memref<1x1x128xi32, #tpu.memory_space<hbm>> -> memref<1x128xi32, #tpu.memory_space<hbm>>
        tpu.wait_dma2 semaphore(%run_scoped3A_156 : memref<!tpu.dma_semaphore, #tpu.memory_space<semaphore_mem>>) src(%dma_wait3A_180 : memref<1x128xi32, #tpu.memory_space<hbm>>) dst(%dma_wait3A_177 : memref<1x128xi32, #tpu.memory_space<vmem>>)
        tpu.yield
      }) : () -> ()
      %add3A_153 = arith.constant 156 : i32
      %add3A_154 = arith.addi %add3A_26, %add3A_153 : i32
      %run_scoped3A_155 = arith.constant 1 : i32
      "tpu.region"() ({
        %run_scoped3A_156 = tpu.sem_alloc : memref<!tpu.dma_semaphore, #tpu.memory_space<semaphore_mem>>
        %dma_start3A_157 = arith.constant 156 : i32
        %dma_start3A_158 = arith.constant 0 : i32
        %dma_start3A_159 = tpu.memref_slice %arg6[%dma_start3A_157, %dma_start3A_158] : memref<157x128xi32, #tpu.memory_space<vmem>> -> memref<1x128xi32, #tpu.memory_space<vmem>>
        %dma_start3A_160 = arith.constant 0 : i32
        %dma_start3A_161 = tpu.memref_slice %arg3[%run_scoped3A_155, %add3A_154, %dma_start3A_160] : memref<2x2500x128xi32, #tpu.memory_space<hbm>> -> memref<1x1x128xi32, #tpu.memory_space<hbm>>
        %dma_start3A_162 = tpu.memref_squeeze %dma_start3A_161 : memref<1x1x128xi32, #tpu.memory_space<hbm>> -> memref<1x128xi32, #tpu.memory_space<hbm>>
        %dma_start3A_163 = arith.constant 156 : i32
        %dma_start3A_164 = arith.constant 0 : i32
        %dma_start3A_165 = tpu.memref_slice %arg6[%dma_start3A_163, %dma_start3A_164] : memref<157x128xi32, #tpu.memory_space<vmem>> -> memref<1x128xi32, #tpu.memory_space<vmem>>
        %dma_start3A_166 = arith.constant 0 : i32
        %dma_start3A_167 = tpu.memref_slice %arg3[%run_scoped3A_155, %add3A_154, %dma_start3A_166] : memref<2x2500x128xi32, #tpu.memory_space<hbm>> -> memref<1x1x128xi32, #tpu.memory_space<hbm>>
        %dma_start3A_168 = tpu.memref_squeeze %dma_start3A_167 : memref<1x1x128xi32, #tpu.memory_space<hbm>> -> memref<1x128xi32, #tpu.memory_space<hbm>>
        tpu.enqueue_dma source(%dma_start3A_168 : memref<1x128xi32, #tpu.memory_space<hbm>>) target(%dma_start3A_165 : memref<1x128xi32, #tpu.memory_space<vmem>>) target_semaphore(%run_scoped3A_156 : memref<!tpu.dma_semaphore, #tpu.memory_space<semaphore_mem>>)
        %dma_wait3A_169 = arith.constant 156 : i32
        %dma_wait3A_170 = arith.constant 0 : i32
        %dma_wait3A_171 = tpu.memref_slice %arg6[%dma_wait3A_169, %dma_wait3A_170] : memref<157x128xi32, #tpu.memory_space<vmem>> -> memref<1x128xi32, #tpu.memory_space<vmem>>
        %dma_wait3A_172 = arith.constant 0 : i32
        %dma_wait3A_173 = tpu.memref_slice %arg3[%run_scoped3A_155, %add3A_154, %dma_wait3A_172] : memref<2x2500x128xi32, #tpu.memory_space<hbm>> -> memref<1x1x128xi32, #tpu.memory_space<hbm>>
        %dma_wait3A_174 = tpu.memref_squeeze %dma_wait3A_173 : memref<1x1x128xi32, #tpu.memory_space<hbm>> -> memref<1x128xi32, #tpu.memory_space<hbm>>
        %dma_wait3A_175 = arith.constant 156 : i32
        %dma_wait3A_176 = arith.constant 0 : i32
        %dma_wait3A_177 = tpu.memref_slice %arg6[%dma_wait3A_175, %dma_wait3A_176] : memref<157x128xi32, #tpu.memory_space<vmem>> -> memref<1x128xi32, #tpu.memory_space<vmem>>
        %dma_wait3A_178 = arith.constant 0 : i32
        %dma_wait3A_179 = tpu.memref_slice %arg3[%run_scoped3A_155, %add3A_154, %dma_wait3A_178] : memref<2x2500x128xi32, #tpu.memory_space<hbm>> -> memref<1x1x128xi32, #tpu.memory_space<hbm>>
        %dma_wait3A_180 = tpu.memref_squeeze %dma_wait3A_179 : memref<1x1x128xi32, #tpu.memory_space<hbm>> -> memref<1x128xi32, #tpu.memory_space<hbm>>
        tpu.wait_dma2 semaphore(%run_scoped3A_156 : memref<!tpu.dma_semaphore, #tpu.memory_space<semaphore_mem>>) src(%dma_wait3A_180 : memref<1x128xi32, #tpu.memory_space<hbm>>) dst(%dma_wait3A_177 : memref<1x128xi32, #tpu.memory_space<vmem>>)
        tpu.yield
      }) : () -> ()
    } else {
    }
    %jit3A_35 = arith.constant 4 : i32
    %div3A = arith.divsi %add3A_30, %jit3A_35 : i32
    %sign3A = arith.constant 0 : i32
    %sign3A_36 = arith.cmpi sgt, %add3A_30, %sign3A : i32
    %sign3A_37 = arith.extui %sign3A_36 : i1 to i32
    %sign3A_38 = arith.constant 0 : i32
    %sign3A_39 = arith.cmpi slt, %add3A_30, %sign3A_38 : i32
    %sign3A_40 = arith.extui %sign3A_39 : i1 to i32
    %sign3A_41 = arith.subi %sign3A_37, %sign3A_40 : i32
    %sign3A_42 = arith.constant 0 : i32
    %sign3A_43 = arith.cmpi sgt, %jit3A_35, %sign3A_42 : i32
    %sign3A_44 = arith.extui %sign3A_43 : i1 to i32
    %sign3A_45 = arith.constant 0 : i32
    %sign3A_46 = arith.cmpi slt, %jit3A_35, %sign3A_45 : i32
    %sign3A_47 = arith.extui %sign3A_46 : i1 to i32
    %sign3A_48 = arith.subi %sign3A_44, %sign3A_47 : i32
    %ne3A = arith.cmpi ne, %sign3A_41, %sign3A_48 : i32
    %rem3A = arith.remsi %add3A_30, %jit3A_35 : i32
    %ne3A_49 = arith.constant 0 : i32
    %ne3A_50 = arith.cmpi ne, %rem3A, %ne3A_49 : i32
    %and3A = arith.andi %ne3A, %ne3A_50 : i1
    %sub3A = arith.constant 1 : i32
    %sub3A_51 = arith.subi %div3A, %sub3A : i32
    %select_n3A_52 = arith.select %and3A, %sub3A_51, %div3A : i32
    %dma_start3A = arith.constant 0 : i32
    %dma_start3A_53 = arith.constant 0 : i32
    %dma_start3A_54 = tpu.memref_slice %arg5[%dma_start3A, %dma_start3A_53] : memref<157x128xi32, #tpu.memory_space<vmem>> -> memref<1x128xi32, #tpu.memory_space<vmem>>
    %dma_start3A_55 = tpu.memref_squeeze %dma_start3A_54 : memref<1x128xi32, #tpu.memory_space<vmem>> -> memref<128xi32, #tpu.memory_space<vmem>>
    %dma_start3A_56 = arith.constant 0 : i32
    %dma_start3A_57 = arith.constant 0 : i32
    %dma_start3A_58 = tpu.memref_slice %arg2[%arg0, %dma_start3A_56, %dma_start3A_57] : memref<2x10240x64xf32, #tpu.memory_space<hbm>> -> memref<1x10240x64xf32, #tpu.memory_space<hbm>>
    %dma_start3A_59 = tpu.memref_squeeze %dma_start3A_58 : memref<1x10240x64xf32, #tpu.memory_space<hbm>> -> memref<10240x64xf32, #tpu.memory_space<hbm>>
    %dma_start3A_60 = arith.constant 0 : i32
    %dma_start3A_61 = arith.constant 0 : i32
    %dma_start3A_62 = tpu.memref_slice %dma_start3A_59[%dma_start3A_60, %dma_start3A_61] : memref<10240x64xf32, #tpu.memory_space<hbm>> -> memref<10240x64xf32, #tpu.memory_space<hbm>>
    tpu.enqueue_indirect_dma source(%dma_start3A_62 : memref<10240x64xf32, #tpu.memory_space<hbm>>) target(%arg7 : memref<128x64xf32, #tpu.memory_space<vmem>>) offsets(%dma_start3A_55 : memref<128xi32, #tpu.memory_space<vmem>>) semaphore(%arg12 : memref<!tpu.dma_semaphore, #tpu.memory_space<semaphore_mem>>)
    %dma_start3A_63 = arith.constant 1 : i32
    %dma_start3A_64 = arith.constant 0 : i32
    %dma_start3A_65 = tpu.memref_slice %arg5[%dma_start3A_63, %dma_start3A_64] : memref<157x128xi32, #tpu.memory_space<vmem>> -> memref<1x128xi32, #tpu.memory_space<vmem>>
    %dma_start3A_66 = tpu.memref_squeeze %dma_start3A_65 : memref<1x128xi32, #tpu.memory_space<vmem>> -> memref<128xi32, #tpu.memory_space<vmem>>
    %dma_start3A_67 = arith.constant 0 : i32
    %dma_start3A_68 = arith.constant 0 : i32
    %dma_start3A_69 = tpu.memref_slice %arg2[%arg0, %dma_start3A_67, %dma_start3A_68] : memref<2x10240x64xf32, #tpu.memory_space<hbm>> -> memref<1x10240x64xf32, #tpu.memory_space<hbm>>
    %dma_start3A_70 = tpu.memref_squeeze %dma_start3A_69 : memref<1x10240x64xf32, #tpu.memory_space<hbm>> -> memref<10240x64xf32, #tpu.memory_space<hbm>>
    %dma_start3A_71 = arith.constant 0 : i32
    %dma_start3A_72 = arith.constant 0 : i32
    %dma_start3A_73 = tpu.memref_slice %dma_start3A_70[%dma_start3A_71, %dma_start3A_72] : memref<10240x64xf32, #tpu.memory_space<hbm>> -> memref<10240x64xf32, #tpu.memory_space<hbm>>
    tpu.enqueue_indirect_dma source(%dma_start3A_73 : memref<10240x64xf32, #tpu.memory_space<hbm>>) target(%arg8 : memref<128x64xf32, #tpu.memory_space<vmem>>) offsets(%dma_start3A_66 : memref<128xi32, #tpu.memory_space<vmem>>) semaphore(%arg13 : memref<!tpu.dma_semaphore, #tpu.memory_space<semaphore_mem>>)
    %dma_start3A_74 = arith.constant 2 : i32
    %dma_start3A_75 = arith.constant 0 : i32
    %dma_start3A_76 = tpu.memref_slice %arg5[%dma_start3A_74, %dma_start3A_75] : memref<157x128xi32, #tpu.memory_space<vmem>> -> memref<1x128xi32, #tpu.memory_space<vmem>>
    %dma_start3A_77 = tpu.memref_squeeze %dma_start3A_76 : memref<1x128xi32, #tpu.memory_space<vmem>> -> memref<128xi32, #tpu.memory_space<vmem>>
    %dma_start3A_78 = arith.constant 0 : i32
    %dma_start3A_79 = arith.constant 0 : i32
    %dma_start3A_80 = tpu.memref_slice %arg2[%arg0, %dma_start3A_78, %dma_start3A_79] : memref<2x10240x64xf32, #tpu.memory_space<hbm>> -> memref<1x10240x64xf32, #tpu.memory_space<hbm>>
    %dma_start3A_81 = tpu.memref_squeeze %dma_start3A_80 : memref<1x10240x64xf32, #tpu.memory_space<hbm>> -> memref<10240x64xf32, #tpu.memory_space<hbm>>
    %dma_start3A_82 = arith.constant 0 : i32
    %dma_start3A_83 = arith.constant 0 : i32
    %dma_start3A_84 = tpu.memref_slice %dma_start3A_81[%dma_start3A_82, %dma_start3A_83] : memref<10240x64xf32, #tpu.memory_space<hbm>> -> memref<10240x64xf32, #tpu.memory_space<hbm>>
    tpu.enqueue_indirect_dma source(%dma_start3A_84 : memref<10240x64xf32, #tpu.memory_space<hbm>>) target(%arg9 : memref<128x64xf32, #tpu.memory_space<vmem>>) offsets(%dma_start3A_77 : memref<128xi32, #tpu.memory_space<vmem>>) semaphore(%arg14 : memref<!tpu.dma_semaphore, #tpu.memory_space<semaphore_mem>>)
    %dma_start3A_85 = arith.constant 3 : i32
    %dma_start3A_86 = arith.constant 0 : i32
    %dma_start3A_87 = tpu.memref_slice %arg5[%dma_start3A_85, %dma_start3A_86] : memref<157x128xi32, #tpu.memory_space<vmem>> -> memref<1x128xi32, #tpu.memory_space<vmem>>
    %dma_start3A_88 = tpu.memref_squeeze %dma_start3A_87 : memref<1x128xi32, #tpu.memory_space<vmem>> -> memref<128xi32, #tpu.memory_space<vmem>>
    %dma_start3A_89 = arith.constant 0 : i32
    %dma_start3A_90 = arith.constant 0 : i32
    %dma_start3A_91 = tpu.memref_slice %arg2[%arg0, %dma_start3A_89, %dma_start3A_90] : memref<2x10240x64xf32, #tpu.memory_space<hbm>> -> memref<1x10240x64xf32, #tpu.memory_space<hbm>>
    %dma_start3A_92 = tpu.memref_squeeze %dma_start3A_91 : memref<1x10240x64xf32, #tpu.memory_space<hbm>> -> memref<10240x64xf32, #tpu.memory_space<hbm>>
    %dma_start3A_93 = arith.constant 0 : i32
    %dma_start3A_94 = arith.constant 0 : i32
    %dma_start3A_95 = tpu.memref_slice %dma_start3A_92[%dma_start3A_93, %dma_start3A_94] : memref<10240x64xf32, #tpu.memory_space<hbm>> -> memref<10240x64xf32, #tpu.memory_space<hbm>>
    tpu.enqueue_indirect_dma source(%dma_start3A_95 : memref<10240x64xf32, #tpu.memory_space<hbm>>) target(%arg10 : memref<128x64xf32, #tpu.memory_space<vmem>>) offsets(%dma_start3A_88 : memref<128xi32, #tpu.memory_space<vmem>>) semaphore(%arg15 : memref<!tpu.dma_semaphore, #tpu.memory_space<semaphore_mem>>)
    %while3A = arith.constant 0 : i32
    %while3A_96 = arith.constant 0 : i32
    %while3A_97 = arith.subi %select_n3A_52, %while3A_96 : i32
    %while3A_98 = arith.addi %while3A_96, %while3A_97 : i32
    %while3A_99 = arith.constant 1 : i32
    %while3A_100 = arith.divsi %while3A_97, %while3A_99 : i32
    %while3A_101 = arith.muli %while3A_100, %while3A_99 : i32
    %while3A_102 = arith.addi %while3A_96, %while3A_101 : i32
    %while3A_103 = arith.constant 1 : i32
    scf.for %while3A_150 = %while3A_96 to %while3A_102 step %while3A_103  : i32 {
      %mul3A_151 = arith.constant 4 : i32
      %mul3A_152 = arith.muli %mul3A_151, %while3A_150 : i32
      %add3A_153 = arith.constant 0 : i32
      %add3A_154 = arith.addi %mul3A_152, %add3A_153 : i32
      %dma_wait3A_155 = arith.constant 0 : i32
      %dma_wait3A_156 = tpu.memref_slice %arg5[%add3A_154, %dma_wait3A_155] : memref<157x128xi32, #tpu.memory_space<vmem>> -> memref<1x128xi32, #tpu.memory_space<vmem>>
      %dma_wait3A_157 = tpu.memref_squeeze %dma_wait3A_156 : memref<1x128xi32, #tpu.memory_space<vmem>> -> memref<128xi32, #tpu.memory_space<vmem>>
      %dma_wait3A_158 = arith.constant 0 : i32
      %dma_wait3A_159 = arith.constant 0 : i32
      %dma_wait3A_160 = tpu.memref_slice %arg2[%arg0, %dma_wait3A_158, %dma_wait3A_159] : memref<2x10240x64xf32, #tpu.memory_space<hbm>> -> memref<1x10240x64xf32, #tpu.memory_space<hbm>>
      %dma_wait3A_161 = tpu.memref_squeeze %dma_wait3A_160 : memref<1x10240x64xf32, #tpu.memory_space<hbm>> -> memref<10240x64xf32, #tpu.memory_space<hbm>>
      %dma_wait3A_162 = arith.constant 0 : i32
      %dma_wait3A_163 = arith.constant 0 : i32
      %dma_wait3A_164 = tpu.memref_slice %dma_wait3A_161[%dma_wait3A_162, %dma_wait3A_163] : memref<10240x64xf32, #tpu.memory_space<hbm>> -> memref<10240x64xf32, #tpu.memory_space<hbm>>
      tpu.wait_indirect_dma semaphore(%arg12 : memref<!tpu.dma_semaphore, #tpu.memory_space<semaphore_mem>>) src(%dma_wait3A_164 : memref<10240x64xf32, #tpu.memory_space<hbm>>) dst(%arg7 : memref<128x64xf32, #tpu.memory_space<vmem>>)
      %add3A_165 = arith.constant 0 : i32
      %add3A_166 = arith.addi %mul3A_152, %add3A_165 : i32
      %dma_start3A_167 = arith.constant 0 : i32
      %dma_start3A_168 = tpu.memref_slice %arg6[%add3A_166, %dma_start3A_167] : memref<157x128xi32, #tpu.memory_space<vmem>> -> memref<1x128xi32, #tpu.memory_space<vmem>>
      %dma_start3A_169 = tpu.memref_squeeze %dma_start3A_168 : memref<1x128xi32, #tpu.memory_space<vmem>> -> memref<128xi32, #tpu.memory_space<vmem>>
      %dma_start3A_170 = arith.constant 0 : i32
      %dma_start3A_171 = arith.constant 0 : i32
      %dma_start3A_172 = tpu.memref_slice %arg11[%dma_start3A_170, %dma_start3A_171] : memref<10240x64xf32, #tpu.memory_space<vmem_shared>> -> memref<10240x64xf32, #tpu.memory_space<vmem_shared>>
      tpu.enqueue_indirect_dma source(%arg7 : memref<128x64xf32, #tpu.memory_space<vmem>>) target(%dma_start3A_172 : memref<10240x64xf32, #tpu.memory_space<vmem_shared>>) offsets(%dma_start3A_169 : memref<128xi32, #tpu.memory_space<vmem>>) semaphore(%arg16 : memref<!tpu.dma_semaphore, #tpu.memory_space<semaphore_mem>>) {add = true}
      %add3A_173 = arith.constant 1 : i32
      %add3A_174 = arith.addi %mul3A_152, %add3A_173 : i32
      %dma_wait3A_175 = arith.constant 0 : i32
      %dma_wait3A_176 = tpu.memref_slice %arg5[%add3A_174, %dma_wait3A_175] : memref<157x128xi32, #tpu.memory_space<vmem>> -> memref<1x128xi32, #tpu.memory_space<vmem>>
      %dma_wait3A_177 = tpu.memref_squeeze %dma_wait3A_176 : memref<1x128xi32, #tpu.memory_space<vmem>> -> memref<128xi32, #tpu.memory_space<vmem>>
      %dma_wait3A_178 = arith.constant 0 : i32
      %dma_wait3A_179 = arith.constant 0 : i32
      %dma_wait3A_180 = tpu.memref_slice %arg2[%arg0, %dma_wait3A_178, %dma_wait3A_179] : memref<2x10240x64xf32, #tpu.memory_space<hbm>> -> memref<1x10240x64xf32, #tpu.memory_space<hbm>>
      %dma_wait3A_181 = tpu.memref_squeeze %dma_wait3A_180 : memref<1x10240x64xf32, #tpu.memory_space<hbm>> -> memref<10240x64xf32, #tpu.memory_space<hbm>>
      %dma_wait3A_182 = arith.constant 0 : i32
      %dma_wait3A_183 = arith.constant 0 : i32
      %dma_wait3A_184 = tpu.memref_slice %dma_wait3A_181[%dma_wait3A_182, %dma_wait3A_183] : memref<10240x64xf32, #tpu.memory_space<hbm>> -> memref<10240x64xf32, #tpu.memory_space<hbm>>
      tpu.wait_indirect_dma semaphore(%arg13 : memref<!tpu.dma_semaphore, #tpu.memory_space<semaphore_mem>>) src(%dma_wait3A_184 : memref<10240x64xf32, #tpu.memory_space<hbm>>) dst(%arg8 : memref<128x64xf32, #tpu.memory_space<vmem>>)
      %add3A_185 = arith.constant 1 : i32
      %add3A_186 = arith.addi %mul3A_152, %add3A_185 : i32
      %dma_start3A_187 = arith.constant 0 : i32
      %dma_start3A_188 = tpu.memref_slice %arg6[%add3A_186, %dma_start3A_187] : memref<157x128xi32, #tpu.memory_space<vmem>> -> memref<1x128xi32, #tpu.memory_space<vmem>>
      %dma_start3A_189 = tpu.memref_squeeze %dma_start3A_188 : memref<1x128xi32, #tpu.memory_space<vmem>> -> memref<128xi32, #tpu.memory_space<vmem>>
      %dma_start3A_190 = arith.constant 0 : i32
      %dma_start3A_191 = arith.constant 0 : i32
      %dma_start3A_192 = tpu.memref_slice %arg11[%dma_start3A_190, %dma_start3A_191] : memref<10240x64xf32, #tpu.memory_space<vmem_shared>> -> memref<10240x64xf32, #tpu.memory_space<vmem_shared>>
      tpu.enqueue_indirect_dma source(%arg8 : memref<128x64xf32, #tpu.memory_space<vmem>>) target(%dma_start3A_192 : memref<10240x64xf32, #tpu.memory_space<vmem_shared>>) offsets(%dma_start3A_189 : memref<128xi32, #tpu.memory_space<vmem>>) semaphore(%arg17 : memref<!tpu.dma_semaphore, #tpu.memory_space<semaphore_mem>>) {add = true}
      %add3A_193 = arith.constant 2 : i32
      %add3A_194 = arith.addi %mul3A_152, %add3A_193 : i32
      %dma_wait3A_195 = arith.constant 0 : i32
      %dma_wait3A_196 = tpu.memref_slice %arg5[%add3A_194, %dma_wait3A_195] : memref<157x128xi32, #tpu.memory_space<vmem>> -> memref<1x128xi32, #tpu.memory_space<vmem>>
      %dma_wait3A_197 = tpu.memref_squeeze %dma_wait3A_196 : memref<1x128xi32, #tpu.memory_space<vmem>> -> memref<128xi32, #tpu.memory_space<vmem>>
      %dma_wait3A_198 = arith.constant 0 : i32
      %dma_wait3A_199 = arith.constant 0 : i32
      %dma_wait3A_200 = tpu.memref_slice %arg2[%arg0, %dma_wait3A_198, %dma_wait3A_199] : memref<2x10240x64xf32, #tpu.memory_space<hbm>> -> memref<1x10240x64xf32, #tpu.memory_space<hbm>>
      %dma_wait3A_201 = tpu.memref_squeeze %dma_wait3A_200 : memref<1x10240x64xf32, #tpu.memory_space<hbm>> -> memref<10240x64xf32, #tpu.memory_space<hbm>>
      %dma_wait3A_202 = arith.constant 0 : i32
      %dma_wait3A_203 = arith.constant 0 : i32
      %dma_wait3A_204 = tpu.memref_slice %dma_wait3A_201[%dma_wait3A_202, %dma_wait3A_203] : memref<10240x64xf32, #tpu.memory_space<hbm>> -> memref<10240x64xf32, #tpu.memory_space<hbm>>
      tpu.wait_indirect_dma semaphore(%arg14 : memref<!tpu.dma_semaphore, #tpu.memory_space<semaphore_mem>>) src(%dma_wait3A_204 : memref<10240x64xf32, #tpu.memory_space<hbm>>) dst(%arg9 : memref<128x64xf32, #tpu.memory_space<vmem>>)
      %add3A_205 = arith.constant 2 : i32
      %add3A_206 = arith.addi %mul3A_152, %add3A_205 : i32
      %dma_start3A_207 = arith.constant 0 : i32
      %dma_start3A_208 = tpu.memref_slice %arg6[%add3A_206, %dma_start3A_207] : memref<157x128xi32, #tpu.memory_space<vmem>> -> memref<1x128xi32, #tpu.memory_space<vmem>>
      %dma_start3A_209 = tpu.memref_squeeze %dma_start3A_208 : memref<1x128xi32, #tpu.memory_space<vmem>> -> memref<128xi32, #tpu.memory_space<vmem>>
      %dma_start3A_210 = arith.constant 0 : i32
      %dma_start3A_211 = arith.constant 0 : i32
      %dma_start3A_212 = tpu.memref_slice %arg11[%dma_start3A_210, %dma_start3A_211] : memref<10240x64xf32, #tpu.memory_space<vmem_shared>> -> memref<10240x64xf32, #tpu.memory_space<vmem_shared>>
      tpu.enqueue_indirect_dma source(%arg9 : memref<128x64xf32, #tpu.memory_space<vmem>>) target(%dma_start3A_212 : memref<10240x64xf32, #tpu.memory_space<vmem_shared>>) offsets(%dma_start3A_209 : memref<128xi32, #tpu.memory_space<vmem>>) semaphore(%arg18 : memref<!tpu.dma_semaphore, #tpu.memory_space<semaphore_mem>>) {add = true}
      %add3A_213 = arith.constant 3 : i32
      %add3A_214 = arith.addi %mul3A_152, %add3A_213 : i32
      %dma_wait3A_215 = arith.constant 0 : i32
      %dma_wait3A_216 = tpu.memref_slice %arg5[%add3A_214, %dma_wait3A_215] : memref<157x128xi32, #tpu.memory_space<vmem>> -> memref<1x128xi32, #tpu.memory_space<vmem>>
      %dma_wait3A_217 = tpu.memref_squeeze %dma_wait3A_216 : memref<1x128xi32, #tpu.memory_space<vmem>> -> memref<128xi32, #tpu.memory_space<vmem>>
      %dma_wait3A_218 = arith.constant 0 : i32
      %dma_wait3A_219 = arith.constant 0 : i32
      %dma_wait3A_220 = tpu.memref_slice %arg2[%arg0, %dma_wait3A_218, %dma_wait3A_219] : memref<2x10240x64xf32, #tpu.memory_space<hbm>> -> memref<1x10240x64xf32, #tpu.memory_space<hbm>>
      %dma_wait3A_221 = tpu.memref_squeeze %dma_wait3A_220 : memref<1x10240x64xf32, #tpu.memory_space<hbm>> -> memref<10240x64xf32, #tpu.memory_space<hbm>>
      %dma_wait3A_222 = arith.constant 0 : i32
      %dma_wait3A_223 = arith.constant 0 : i32
      %dma_wait3A_224 = tpu.memref_slice %dma_wait3A_221[%dma_wait3A_222, %dma_wait3A_223] : memref<10240x64xf32, #tpu.memory_space<hbm>> -> memref<10240x64xf32, #tpu.memory_space<hbm>>
      tpu.wait_indirect_dma semaphore(%arg15 : memref<!tpu.dma_semaphore, #tpu.memory_space<semaphore_mem>>) src(%dma_wait3A_224 : memref<10240x64xf32, #tpu.memory_space<hbm>>) dst(%arg10 : memref<128x64xf32, #tpu.memory_space<vmem>>)
      %add3A_225 = arith.constant 3 : i32
      %add3A_226 = arith.addi %mul3A_152, %add3A_225 : i32
      %dma_start3A_227 = arith.constant 0 : i32
      %dma_start3A_228 = tpu.memref_slice %arg6[%add3A_226, %dma_start3A_227] : memref<157x128xi32, #tpu.memory_space<vmem>> -> memref<1x128xi32, #tpu.memory_space<vmem>>
      %dma_start3A_229 = tpu.memref_squeeze %dma_start3A_228 : memref<1x128xi32, #tpu.memory_space<vmem>> -> memref<128xi32, #tpu.memory_space<vmem>>
      %dma_start3A_230 = arith.constant 0 : i32
      %dma_start3A_231 = arith.constant 0 : i32
      %dma_start3A_232 = tpu.memref_slice %arg11[%dma_start3A_230, %dma_start3A_231] : memref<10240x64xf32, #tpu.memory_space<vmem_shared>> -> memref<10240x64xf32, #tpu.memory_space<vmem_shared>>
      tpu.enqueue_indirect_dma source(%arg10 : memref<128x64xf32, #tpu.memory_space<vmem>>) target(%dma_start3A_232 : memref<10240x64xf32, #tpu.memory_space<vmem_shared>>) offsets(%dma_start3A_229 : memref<128xi32, #tpu.memory_space<vmem>>) semaphore(%arg19 : memref<!tpu.dma_semaphore, #tpu.memory_space<semaphore_mem>>) {add = true}
      %sub3A_233 = arith.constant 1 : i32
      %sub3A_234 = arith.subi %select_n3A_52, %sub3A_233 : i32
      %lt3A_235 = arith.cmpi slt, %while3A_150, %sub3A_234 : i32
      %convert_element_type3A_236 = arith.extui %lt3A_235 : i1 to i32
      %cond3A_237 = arith.constant 0 : i32
      %cond3A_238 = arith.cmpi ne, %convert_element_type3A_236, %cond3A_237 : i32
      scf.if %cond3A_238 {
        %add3A_239 = arith.constant 0 : i32
        %add3A_240 = arith.addi %mul3A_152, %add3A_239 : i32
        %dma_wait3A_241 = arith.constant 0 : i32
        %dma_wait3A_242 = tpu.memref_slice %arg6[%add3A_240, %dma_wait3A_241] : memref<157x128xi32, #tpu.memory_space<vmem>> -> memref<1x128xi32, #tpu.memory_space<vmem>>
        %dma_wait3A_243 = tpu.memref_squeeze %dma_wait3A_242 : memref<1x128xi32, #tpu.memory_space<vmem>> -> memref<128xi32, #tpu.memory_space<vmem>>
        %dma_wait3A_244 = arith.constant 0 : i32
        %dma_wait3A_245 = arith.constant 0 : i32
        %dma_wait3A_246 = tpu.memref_slice %arg11[%dma_wait3A_244, %dma_wait3A_245] : memref<10240x64xf32, #tpu.memory_space<vmem_shared>> -> memref<10240x64xf32, #tpu.memory_space<vmem_shared>>
        tpu.wait_indirect_dma semaphore(%arg16 : memref<!tpu.dma_semaphore, #tpu.memory_space<semaphore_mem>>) src(%arg7 : memref<128x64xf32, #tpu.memory_space<vmem>>) dst(%dma_wait3A_246 : memref<10240x64xf32, #tpu.memory_space<vmem_shared>>)
        %add3A_247 = arith.constant 4 : i32
        %add3A_248 = arith.addi %mul3A_152, %add3A_247 : i32
        %add3A_249 = arith.constant 0 : i32
        %add3A_250 = arith.addi %add3A_248, %add3A_249 : i32
        %dma_start3A_251 = arith.constant 0 : i32
        %dma_start3A_252 = tpu.memref_slice %arg5[%add3A_250, %dma_start3A_251] : memref<157x128xi32, #tpu.memory_space<vmem>> -> memref<1x128xi32, #tpu.memory_space<vmem>>
        %dma_start3A_253 = tpu.memref_squeeze %dma_start3A_252 : memref<1x128xi32, #tpu.memory_space<vmem>> -> memref<128xi32, #tpu.memory_space<vmem>>
        %dma_start3A_254 = arith.constant 0 : i32
        %dma_start3A_255 = arith.constant 0 : i32
        %dma_start3A_256 = tpu.memref_slice %arg2[%arg0, %dma_start3A_254, %dma_start3A_255] : memref<2x10240x64xf32, #tpu.memory_space<hbm>> -> memref<1x10240x64xf32, #tpu.memory_space<hbm>>
        %dma_start3A_257 = tpu.memref_squeeze %dma_start3A_256 : memref<1x10240x64xf32, #tpu.memory_space<hbm>> -> memref<10240x64xf32, #tpu.memory_space<hbm>>
        %dma_start3A_258 = arith.constant 0 : i32
        %dma_start3A_259 = arith.constant 0 : i32
        %dma_start3A_260 = tpu.memref_slice %dma_start3A_257[%dma_start3A_258, %dma_start3A_259] : memref<10240x64xf32, #tpu.memory_space<hbm>> -> memref<10240x64xf32, #tpu.memory_space<hbm>>
        tpu.enqueue_indirect_dma source(%dma_start3A_260 : memref<10240x64xf32, #tpu.memory_space<hbm>>) target(%arg7 : memref<128x64xf32, #tpu.memory_space<vmem>>) offsets(%dma_start3A_253 : memref<128xi32, #tpu.memory_space<vmem>>) semaphore(%arg12 : memref<!tpu.dma_semaphore, #tpu.memory_space<semaphore_mem>>)
        %add3A_261 = arith.constant 1 : i32
        %add3A_262 = arith.addi %mul3A_152, %add3A_261 : i32
        %dma_wait3A_263 = arith.constant 0 : i32
        %dma_wait3A_264 = tpu.memref_slice %arg6[%add3A_262, %dma_wait3A_263] : memref<157x128xi32, #tpu.memory_space<vmem>> -> memref<1x128xi32, #tpu.memory_space<vmem>>
        %dma_wait3A_265 = tpu.memref_squeeze %dma_wait3A_264 : memref<1x128xi32, #tpu.memory_space<vmem>> -> memref<128xi32, #tpu.memory_space<vmem>>
        %dma_wait3A_266 = arith.constant 0 : i32
        %dma_wait3A_267 = arith.constant 0 : i32
        %dma_wait3A_268 = tpu.memref_slice %arg11[%dma_wait3A_266, %dma_wait3A_267] : memref<10240x64xf32, #tpu.memory_space<vmem_shared>> -> memref<10240x64xf32, #tpu.memory_space<vmem_shared>>
        tpu.wait_indirect_dma semaphore(%arg17 : memref<!tpu.dma_semaphore, #tpu.memory_space<semaphore_mem>>) src(%arg8 : memref<128x64xf32, #tpu.memory_space<vmem>>) dst(%dma_wait3A_268 : memref<10240x64xf32, #tpu.memory_space<vmem_shared>>)
        %add3A_269 = arith.constant 4 : i32
        %add3A_270 = arith.addi %mul3A_152, %add3A_269 : i32
        %add3A_271 = arith.constant 1 : i32
        %add3A_272 = arith.addi %add3A_270, %add3A_271 : i32
        %dma_start3A_273 = arith.constant 0 : i32
        %dma_start3A_274 = tpu.memref_slice %arg5[%add3A_272, %dma_start3A_273] : memref<157x128xi32, #tpu.memory_space<vmem>> -> memref<1x128xi32, #tpu.memory_space<vmem>>
        %dma_start3A_275 = tpu.memref_squeeze %dma_start3A_274 : memref<1x128xi32, #tpu.memory_space<vmem>> -> memref<128xi32, #tpu.memory_space<vmem>>
        %dma_start3A_276 = arith.constant 0 : i32
        %dma_start3A_277 = arith.constant 0 : i32
        %dma_start3A_278 = tpu.memref_slice %arg2[%arg0, %dma_start3A_276, %dma_start3A_277] : memref<2x10240x64xf32, #tpu.memory_space<hbm>> -> memref<1x10240x64xf32, #tpu.memory_space<hbm>>
        %dma_start3A_279 = tpu.memref_squeeze %dma_start3A_278 : memref<1x10240x64xf32, #tpu.memory_space<hbm>> -> memref<10240x64xf32, #tpu.memory_space<hbm>>
        %dma_start3A_280 = arith.constant 0 : i32
        %dma_start3A_281 = arith.constant 0 : i32
        %dma_start3A_282 = tpu.memref_slice %dma_start3A_279[%dma_start3A_280, %dma_start3A_281] : memref<10240x64xf32, #tpu.memory_space<hbm>> -> memref<10240x64xf32, #tpu.memory_space<hbm>>
        tpu.enqueue_indirect_dma source(%dma_start3A_282 : memref<10240x64xf32, #tpu.memory_space<hbm>>) target(%arg8 : memref<128x64xf32, #tpu.memory_space<vmem>>) offsets(%dma_start3A_275 : memref<128xi32, #tpu.memory_space<vmem>>) semaphore(%arg13 : memref<!tpu.dma_semaphore, #tpu.memory_space<semaphore_mem>>)
        %add3A_283 = arith.constant 2 : i32
        %add3A_284 = arith.addi %mul3A_152, %add3A_283 : i32
        %dma_wait3A_285 = arith.constant 0 : i32
        %dma_wait3A_286 = tpu.memref_slice %arg6[%add3A_284, %dma_wait3A_285] : memref<157x128xi32, #tpu.memory_space<vmem>> -> memref<1x128xi32, #tpu.memory_space<vmem>>
        %dma_wait3A_287 = tpu.memref_squeeze %dma_wait3A_286 : memref<1x128xi32, #tpu.memory_space<vmem>> -> memref<128xi32, #tpu.memory_space<vmem>>
        %dma_wait3A_288 = arith.constant 0 : i32
        %dma_wait3A_289 = arith.constant 0 : i32
        %dma_wait3A_290 = tpu.memref_slice %arg11[%dma_wait3A_288, %dma_wait3A_289] : memref<10240x64xf32, #tpu.memory_space<vmem_shared>> -> memref<10240x64xf32, #tpu.memory_space<vmem_shared>>
        tpu.wait_indirect_dma semaphore(%arg18 : memref<!tpu.dma_semaphore, #tpu.memory_space<semaphore_mem>>) src(%arg9 : memref<128x64xf32, #tpu.memory_space<vmem>>) dst(%dma_wait3A_290 : memref<10240x64xf32, #tpu.memory_space<vmem_shared>>)
        %add3A_291 = arith.constant 4 : i32
        %add3A_292 = arith.addi %mul3A_152, %add3A_291 : i32
        %add3A_293 = arith.constant 2 : i32
        %add3A_294 = arith.addi %add3A_292, %add3A_293 : i32
        %dma_start3A_295 = arith.constant 0 : i32
        %dma_start3A_296 = tpu.memref_slice %arg5[%add3A_294, %dma_start3A_295] : memref<157x128xi32, #tpu.memory_space<vmem>> -> memref<1x128xi32, #tpu.memory_space<vmem>>
        %dma_start3A_297 = tpu.memref_squeeze %dma_start3A_296 : memref<1x128xi32, #tpu.memory_space<vmem>> -> memref<128xi32, #tpu.memory_space<vmem>>
        %dma_start3A_298 = arith.constant 0 : i32
        %dma_start3A_299 = arith.constant 0 : i32
        %dma_start3A_300 = tpu.memref_slice %arg2[%arg0, %dma_start3A_298, %dma_start3A_299] : memref<2x10240x64xf32, #tpu.memory_space<hbm>> -> memref<1x10240x64xf32, #tpu.memory_space<hbm>>
        %dma_start3A_301 = tpu.memref_squeeze %dma_start3A_300 : memref<1x10240x64xf32, #tpu.memory_space<hbm>> -> memref<10240x64xf32, #tpu.memory_space<hbm>>
        %dma_start3A_302 = arith.constant 0 : i32
        %dma_start3A_303 = arith.constant 0 : i32
        %dma_start3A_304 = tpu.memref_slice %dma_start3A_301[%dma_start3A_302, %dma_start3A_303] : memref<10240x64xf32, #tpu.memory_space<hbm>> -> memref<10240x64xf32, #tpu.memory_space<hbm>>
        tpu.enqueue_indirect_dma source(%dma_start3A_304 : memref<10240x64xf32, #tpu.memory_space<hbm>>) target(%arg9 : memref<128x64xf32, #tpu.memory_space<vmem>>) offsets(%dma_start3A_297 : memref<128xi32, #tpu.memory_space<vmem>>) semaphore(%arg14 : memref<!tpu.dma_semaphore, #tpu.memory_space<semaphore_mem>>)
        %add3A_305 = arith.constant 3 : i32
        %add3A_306 = arith.addi %mul3A_152, %add3A_305 : i32
        %dma_wait3A_307 = arith.constant 0 : i32
        %dma_wait3A_308 = tpu.memref_slice %arg6[%add3A_306, %dma_wait3A_307] : memref<157x128xi32, #tpu.memory_space<vmem>> -> memref<1x128xi32, #tpu.memory_space<vmem>>
        %dma_wait3A_309 = tpu.memref_squeeze %dma_wait3A_308 : memref<1x128xi32, #tpu.memory_space<vmem>> -> memref<128xi32, #tpu.memory_space<vmem>>
        %dma_wait3A_310 = arith.constant 0 : i32
        %dma_wait3A_311 = arith.constant 0 : i32
        %dma_wait3A_312 = tpu.memref_slice %arg11[%dma_wait3A_310, %dma_wait3A_311] : memref<10240x64xf32, #tpu.memory_space<vmem_shared>> -> memref<10240x64xf32, #tpu.memory_space<vmem_shared>>
        tpu.wait_indirect_dma semaphore(%arg19 : memref<!tpu.dma_semaphore, #tpu.memory_space<semaphore_mem>>) src(%arg10 : memref<128x64xf32, #tpu.memory_space<vmem>>) dst(%dma_wait3A_312 : memref<10240x64xf32, #tpu.memory_space<vmem_shared>>)
        %add3A_313 = arith.constant 4 : i32
        %add3A_314 = arith.addi %mul3A_152, %add3A_313 : i32
        %add3A_315 = arith.constant 3 : i32
        %add3A_316 = arith.addi %add3A_314, %add3A_315 : i32
        %dma_start3A_317 = arith.constant 0 : i32
        %dma_start3A_318 = tpu.memref_slice %arg5[%add3A_316, %dma_start3A_317] : memref<157x128xi32, #tpu.memory_space<vmem>> -> memref<1x128xi32, #tpu.memory_space<vmem>>
        %dma_start3A_319 = tpu.memref_squeeze %dma_start3A_318 : memref<1x128xi32, #tpu.memory_space<vmem>> -> memref<128xi32, #tpu.memory_space<vmem>>
        %dma_start3A_320 = arith.constant 0 : i32
        %dma_start3A_321 = arith.constant 0 : i32
        %dma_start3A_322 = tpu.memref_slice %arg2[%arg0, %dma_start3A_320, %dma_start3A_321] : memref<2x10240x64xf32, #tpu.memory_space<hbm>> -> memref<1x10240x64xf32, #tpu.memory_space<hbm>>
        %dma_start3A_323 = tpu.memref_squeeze %dma_start3A_322 : memref<1x10240x64xf32, #tpu.memory_space<hbm>> -> memref<10240x64xf32, #tpu.memory_space<hbm>>
        %dma_start3A_324 = arith.constant 0 : i32
        %dma_start3A_325 = arith.constant 0 : i32
        %dma_start3A_326 = tpu.memref_slice %dma_start3A_323[%dma_start3A_324, %dma_start3A_325] : memref<10240x64xf32, #tpu.memory_space<hbm>> -> memref<10240x64xf32, #tpu.memory_space<hbm>>
        tpu.enqueue_indirect_dma source(%dma_start3A_326 : memref<10240x64xf32, #tpu.memory_space<hbm>>) target(%arg10 : memref<128x64xf32, #tpu.memory_space<vmem>>) offsets(%dma_start3A_319 : memref<128xi32, #tpu.memory_space<vmem>>) semaphore(%arg15 : memref<!tpu.dma_semaphore, #tpu.memory_space<semaphore_mem>>)
      } else {
      }
    }
    %while3A_104 = arith.constant 1 : i32
    scf.for %while3A_150 = %while3A_102 to %while3A_98 step %while3A_104  : i32 {
      %mul3A_151 = arith.constant 4 : i32
      %mul3A_152 = arith.muli %mul3A_151, %while3A_150 : i32
      %add3A_153 = arith.constant 0 : i32
      %add3A_154 = arith.addi %mul3A_152, %add3A_153 : i32
      %dma_wait3A_155 = arith.constant 0 : i32
      %dma_wait3A_156 = tpu.memref_slice %arg5[%add3A_154, %dma_wait3A_155] : memref<157x128xi32, #tpu.memory_space<vmem>> -> memref<1x128xi32, #tpu.memory_space<vmem>>
      %dma_wait3A_157 = tpu.memref_squeeze %dma_wait3A_156 : memref<1x128xi32, #tpu.memory_space<vmem>> -> memref<128xi32, #tpu.memory_space<vmem>>
      %dma_wait3A_158 = arith.constant 0 : i32
      %dma_wait3A_159 = arith.constant 0 : i32
      %dma_wait3A_160 = tpu.memref_slice %arg2[%arg0, %dma_wait3A_158, %dma_wait3A_159] : memref<2x10240x64xf32, #tpu.memory_space<hbm>> -> memref<1x10240x64xf32, #tpu.memory_space<hbm>>
      %dma_wait3A_161 = tpu.memref_squeeze %dma_wait3A_160 : memref<1x10240x64xf32, #tpu.memory_space<hbm>> -> memref<10240x64xf32, #tpu.memory_space<hbm>>
      %dma_wait3A_162 = arith.constant 0 : i32
      %dma_wait3A_163 = arith.constant 0 : i32
      %dma_wait3A_164 = tpu.memref_slice %dma_wait3A_161[%dma_wait3A_162, %dma_wait3A_163] : memref<10240x64xf32, #tpu.memory_space<hbm>> -> memref<10240x64xf32, #tpu.memory_space<hbm>>
      tpu.wait_indirect_dma semaphore(%arg12 : memref<!tpu.dma_semaphore, #tpu.memory_space<semaphore_mem>>) src(%dma_wait3A_164 : memref<10240x64xf32, #tpu.memory_space<hbm>>) dst(%arg7 : memref<128x64xf32, #tpu.memory_space<vmem>>)
      %add3A_165 = arith.constant 0 : i32
      %add3A_166 = arith.addi %mul3A_152, %add3A_165 : i32
      %dma_start3A_167 = arith.constant 0 : i32
      %dma_start3A_168 = tpu.memref_slice %arg6[%add3A_166, %dma_start3A_167] : memref<157x128xi32, #tpu.memory_space<vmem>> -> memref<1x128xi32, #tpu.memory_space<vmem>>
      %dma_start3A_169 = tpu.memref_squeeze %dma_start3A_168 : memref<1x128xi32, #tpu.memory_space<vmem>> -> memref<128xi32, #tpu.memory_space<vmem>>
      %dma_start3A_170 = arith.constant 0 : i32
      %dma_start3A_171 = arith.constant 0 : i32
      %dma_start3A_172 = tpu.memref_slice %arg11[%dma_start3A_170, %dma_start3A_171] : memref<10240x64xf32, #tpu.memory_space<vmem_shared>> -> memref<10240x64xf32, #tpu.memory_space<vmem_shared>>
      tpu.enqueue_indirect_dma source(%arg7 : memref<128x64xf32, #tpu.memory_space<vmem>>) target(%dma_start3A_172 : memref<10240x64xf32, #tpu.memory_space<vmem_shared>>) offsets(%dma_start3A_169 : memref<128xi32, #tpu.memory_space<vmem>>) semaphore(%arg16 : memref<!tpu.dma_semaphore, #tpu.memory_space<semaphore_mem>>) {add = true}
      %add3A_173 = arith.constant 1 : i32
      %add3A_174 = arith.addi %mul3A_152, %add3A_173 : i32
      %dma_wait3A_175 = arith.constant 0 : i32
      %dma_wait3A_176 = tpu.memref_slice %arg5[%add3A_174, %dma_wait3A_175] : memref<157x128xi32, #tpu.memory_space<vmem>> -> memref<1x128xi32, #tpu.memory_space<vmem>>
      %dma_wait3A_177 = tpu.memref_squeeze %dma_wait3A_176 : memref<1x128xi32, #tpu.memory_space<vmem>> -> memref<128xi32, #tpu.memory_space<vmem>>
      %dma_wait3A_178 = arith.constant 0 : i32
      %dma_wait3A_179 = arith.constant 0 : i32
      %dma_wait3A_180 = tpu.memref_slice %arg2[%arg0, %dma_wait3A_178, %dma_wait3A_179] : memref<2x10240x64xf32, #tpu.memory_space<hbm>> -> memref<1x10240x64xf32, #tpu.memory_space<hbm>>
      %dma_wait3A_181 = tpu.memref_squeeze %dma_wait3A_180 : memref<1x10240x64xf32, #tpu.memory_space<hbm>> -> memref<10240x64xf32, #tpu.memory_space<hbm>>
      %dma_wait3A_182 = arith.constant 0 : i32
      %dma_wait3A_183 = arith.constant 0 : i32
      %dma_wait3A_184 = tpu.memref_slice %dma_wait3A_181[%dma_wait3A_182, %dma_wait3A_183] : memref<10240x64xf32, #tpu.memory_space<hbm>> -> memref<10240x64xf32, #tpu.memory_space<hbm>>
      tpu.wait_indirect_dma semaphore(%arg13 : memref<!tpu.dma_semaphore, #tpu.memory_space<semaphore_mem>>) src(%dma_wait3A_184 : memref<10240x64xf32, #tpu.memory_space<hbm>>) dst(%arg8 : memref<128x64xf32, #tpu.memory_space<vmem>>)
      %add3A_185 = arith.constant 1 : i32
      %add3A_186 = arith.addi %mul3A_152, %add3A_185 : i32
      %dma_start3A_187 = arith.constant 0 : i32
      %dma_start3A_188 = tpu.memref_slice %arg6[%add3A_186, %dma_start3A_187] : memref<157x128xi32, #tpu.memory_space<vmem>> -> memref<1x128xi32, #tpu.memory_space<vmem>>
      %dma_start3A_189 = tpu.memref_squeeze %dma_start3A_188 : memref<1x128xi32, #tpu.memory_space<vmem>> -> memref<128xi32, #tpu.memory_space<vmem>>
      %dma_start3A_190 = arith.constant 0 : i32
      %dma_start3A_191 = arith.constant 0 : i32
      %dma_start3A_192 = tpu.memref_slice %arg11[%dma_start3A_190, %dma_start3A_191] : memref<10240x64xf32, #tpu.memory_space<vmem_shared>> -> memref<10240x64xf32, #tpu.memory_space<vmem_shared>>
      tpu.enqueue_indirect_dma source(%arg8 : memref<128x64xf32, #tpu.memory_space<vmem>>) target(%dma_start3A_192 : memref<10240x64xf32, #tpu.memory_space<vmem_shared>>) offsets(%dma_start3A_189 : memref<128xi32, #tpu.memory_space<vmem>>) semaphore(%arg17 : memref<!tpu.dma_semaphore, #tpu.memory_space<semaphore_mem>>) {add = true}
      %add3A_193 = arith.constant 2 : i32
      %add3A_194 = arith.addi %mul3A_152, %add3A_193 : i32
      %dma_wait3A_195 = arith.constant 0 : i32
      %dma_wait3A_196 = tpu.memref_slice %arg5[%add3A_194, %dma_wait3A_195] : memref<157x128xi32, #tpu.memory_space<vmem>> -> memref<1x128xi32, #tpu.memory_space<vmem>>
      %dma_wait3A_197 = tpu.memref_squeeze %dma_wait3A_196 : memref<1x128xi32, #tpu.memory_space<vmem>> -> memref<128xi32, #tpu.memory_space<vmem>>
      %dma_wait3A_198 = arith.constant 0 : i32
      %dma_wait3A_199 = arith.constant 0 : i32
      %dma_wait3A_200 = tpu.memref_slice %arg2[%arg0, %dma_wait3A_198, %dma_wait3A_199] : memref<2x10240x64xf32, #tpu.memory_space<hbm>> -> memref<1x10240x64xf32, #tpu.memory_space<hbm>>
      %dma_wait3A_201 = tpu.memref_squeeze %dma_wait3A_200 : memref<1x10240x64xf32, #tpu.memory_space<hbm>> -> memref<10240x64xf32, #tpu.memory_space<hbm>>
      %dma_wait3A_202 = arith.constant 0 : i32
      %dma_wait3A_203 = arith.constant 0 : i32
      %dma_wait3A_204 = tpu.memref_slice %dma_wait3A_201[%dma_wait3A_202, %dma_wait3A_203] : memref<10240x64xf32, #tpu.memory_space<hbm>> -> memref<10240x64xf32, #tpu.memory_space<hbm>>
      tpu.wait_indirect_dma semaphore(%arg14 : memref<!tpu.dma_semaphore, #tpu.memory_space<semaphore_mem>>) src(%dma_wait3A_204 : memref<10240x64xf32, #tpu.memory_space<hbm>>) dst(%arg9 : memref<128x64xf32, #tpu.memory_space<vmem>>)
      %add3A_205 = arith.constant 2 : i32
      %add3A_206 = arith.addi %mul3A_152, %add3A_205 : i32
      %dma_start3A_207 = arith.constant 0 : i32
      %dma_start3A_208 = tpu.memref_slice %arg6[%add3A_206, %dma_start3A_207] : memref<157x128xi32, #tpu.memory_space<vmem>> -> memref<1x128xi32, #tpu.memory_space<vmem>>
      %dma_start3A_209 = tpu.memref_squeeze %dma_start3A_208 : memref<1x128xi32, #tpu.memory_space<vmem>> -> memref<128xi32, #tpu.memory_space<vmem>>
      %dma_start3A_210 = arith.constant 0 : i32
      %dma_start3A_211 = arith.constant 0 : i32
      %dma_start3A_212 = tpu.memref_slice %arg11[%dma_start3A_210, %dma_start3A_211] : memref<10240x64xf32, #tpu.memory_space<vmem_shared>> -> memref<10240x64xf32, #tpu.memory_space<vmem_shared>>
      tpu.enqueue_indirect_dma source(%arg9 : memref<128x64xf32, #tpu.memory_space<vmem>>) target(%dma_start3A_212 : memref<10240x64xf32, #tpu.memory_space<vmem_shared>>) offsets(%dma_start3A_209 : memref<128xi32, #tpu.memory_space<vmem>>) semaphore(%arg18 : memref<!tpu.dma_semaphore, #tpu.memory_space<semaphore_mem>>) {add = true}
      %add3A_213 = arith.constant 3 : i32
      %add3A_214 = arith.addi %mul3A_152, %add3A_213 : i32
      %dma_wait3A_215 = arith.constant 0 : i32
      %dma_wait3A_216 = tpu.memref_slice %arg5[%add3A_214, %dma_wait3A_215] : memref<157x128xi32, #tpu.memory_space<vmem>> -> memref<1x128xi32, #tpu.memory_space<vmem>>
      %dma_wait3A_217 = tpu.memref_squeeze %dma_wait3A_216 : memref<1x128xi32, #tpu.memory_space<vmem>> -> memref<128xi32, #tpu.memory_space<vmem>>
      %dma_wait3A_218 = arith.constant 0 : i32
      %dma_wait3A_219 = arith.constant 0 : i32
      %dma_wait3A_220 = tpu.memref_slice %arg2[%arg0, %dma_wait3A_218, %dma_wait3A_219] : memref<2x10240x64xf32, #tpu.memory_space<hbm>> -> memref<1x10240x64xf32, #tpu.memory_space<hbm>>
      %dma_wait3A_221 = tpu.memref_squeeze %dma_wait3A_220 : memref<1x10240x64xf32, #tpu.memory_space<hbm>> -> memref<10240x64xf32, #tpu.memory_space<hbm>>
      %dma_wait3A_222 = arith.constant 0 : i32
      %dma_wait3A_223 = arith.constant 0 : i32
      %dma_wait3A_224 = tpu.memref_slice %dma_wait3A_221[%dma_wait3A_222, %dma_wait3A_223] : memref<10240x64xf32, #tpu.memory_space<hbm>> -> memref<10240x64xf32, #tpu.memory_space<hbm>>
      tpu.wait_indirect_dma semaphore(%arg15 : memref<!tpu.dma_semaphore, #tpu.memory_space<semaphore_mem>>) src(%dma_wait3A_224 : memref<10240x64xf32, #tpu.memory_space<hbm>>) dst(%arg10 : memref<128x64xf32, #tpu.memory_space<vmem>>)
      %add3A_225 = arith.constant 3 : i32
      %add3A_226 = arith.addi %mul3A_152, %add3A_225 : i32
      %dma_start3A_227 = arith.constant 0 : i32
      %dma_start3A_228 = tpu.memref_slice %arg6[%add3A_226, %dma_start3A_227] : memref<157x128xi32, #tpu.memory_space<vmem>> -> memref<1x128xi32, #tpu.memory_space<vmem>>
      %dma_start3A_229 = tpu.memref_squeeze %dma_start3A_228 : memref<1x128xi32, #tpu.memory_space<vmem>> -> memref<128xi32, #tpu.memory_space<vmem>>
      %dma_start3A_230 = arith.constant 0 : i32
      %dma_start3A_231 = arith.constant 0 : i32
      %dma_start3A_232 = tpu.memref_slice %arg11[%dma_start3A_230, %dma_start3A_231] : memref<10240x64xf32, #tpu.memory_space<vmem_shared>> -> memref<10240x64xf32, #tpu.memory_space<vmem_shared>>
      tpu.enqueue_indirect_dma source(%arg10 : memref<128x64xf32, #tpu.memory_space<vmem>>) target(%dma_start3A_232 : memref<10240x64xf32, #tpu.memory_space<vmem_shared>>) offsets(%dma_start3A_229 : memref<128xi32, #tpu.memory_space<vmem>>) semaphore(%arg19 : memref<!tpu.dma_semaphore, #tpu.memory_space<semaphore_mem>>) {add = true}
      %sub3A_233 = arith.constant 1 : i32
      %sub3A_234 = arith.subi %select_n3A_52, %sub3A_233 : i32
      %lt3A_235 = arith.cmpi slt, %while3A_150, %sub3A_234 : i32
      %convert_element_type3A_236 = arith.extui %lt3A_235 : i1 to i32
      %cond3A_237 = arith.constant 0 : i32
      %cond3A_238 = arith.cmpi ne, %convert_element_type3A_236, %cond3A_237 : i32
      scf.if %cond3A_238 {
        %add3A_239 = arith.constant 0 : i32
        %add3A_240 = arith.addi %mul3A_152, %add3A_239 : i32
        %dma_wait3A_241 = arith.constant 0 : i32
        %dma_wait3A_242 = tpu.memref_slice %arg6[%add3A_240, %dma_wait3A_241] : memref<157x128xi32, #tpu.memory_space<vmem>> -> memref<1x128xi32, #tpu.memory_space<vmem>>
        %dma_wait3A_243 = tpu.memref_squeeze %dma_wait3A_242 : memref<1x128xi32, #tpu.memory_space<vmem>> -> memref<128xi32, #tpu.memory_space<vmem>>
        %dma_wait3A_244 = arith.constant 0 : i32
        %dma_wait3A_245 = arith.constant 0 : i32
        %dma_wait3A_246 = tpu.memref_slice %arg11[%dma_wait3A_244, %dma_wait3A_245] : memref<10240x64xf32, #tpu.memory_space<vmem_shared>> -> memref<10240x64xf32, #tpu.memory_space<vmem_shared>>
        tpu.wait_indirect_dma semaphore(%arg16 : memref<!tpu.dma_semaphore, #tpu.memory_space<semaphore_mem>>) src(%arg7 : memref<128x64xf32, #tpu.memory_space<vmem>>) dst(%dma_wait3A_246 : memref<10240x64xf32, #tpu.memory_space<vmem_shared>>)
        %add3A_247 = arith.constant 4 : i32
        %add3A_248 = arith.addi %mul3A_152, %add3A_247 : i32
        %add3A_249 = arith.constant 0 : i32
        %add3A_250 = arith.addi %add3A_248, %add3A_249 : i32
        %dma_start3A_251 = arith.constant 0 : i32
        %dma_start3A_252 = tpu.memref_slice %arg5[%add3A_250, %dma_start3A_251] : memref<157x128xi32, #tpu.memory_space<vmem>> -> memref<1x128xi32, #tpu.memory_space<vmem>>
        %dma_start3A_253 = tpu.memref_squeeze %dma_start3A_252 : memref<1x128xi32, #tpu.memory_space<vmem>> -> memref<128xi32, #tpu.memory_space<vmem>>
        %dma_start3A_254 = arith.constant 0 : i32
        %dma_start3A_255 = arith.constant 0 : i32
        %dma_start3A_256 = tpu.memref_slice %arg2[%arg0, %dma_start3A_254, %dma_start3A_255] : memref<2x10240x64xf32, #tpu.memory_space<hbm>> -> memref<1x10240x64xf32, #tpu.memory_space<hbm>>
        %dma_start3A_257 = tpu.memref_squeeze %dma_start3A_256 : memref<1x10240x64xf32, #tpu.memory_space<hbm>> -> memref<10240x64xf32, #tpu.memory_space<hbm>>
        %dma_start3A_258 = arith.constant 0 : i32
        %dma_start3A_259 = arith.constant 0 : i32
        %dma_start3A_260 = tpu.memref_slice %dma_start3A_257[%dma_start3A_258, %dma_start3A_259] : memref<10240x64xf32, #tpu.memory_space<hbm>> -> memref<10240x64xf32, #tpu.memory_space<hbm>>
        tpu.enqueue_indirect_dma source(%dma_start3A_260 : memref<10240x64xf32, #tpu.memory_space<hbm>>) target(%arg7 : memref<128x64xf32, #tpu.memory_space<vmem>>) offsets(%dma_start3A_253 : memref<128xi32, #tpu.memory_space<vmem>>) semaphore(%arg12 : memref<!tpu.dma_semaphore, #tpu.memory_space<semaphore_mem>>)
        %add3A_261 = arith.constant 1 : i32
        %add3A_262 = arith.addi %mul3A_152, %add3A_261 : i32
        %dma_wait3A_263 = arith.constant 0 : i32
        %dma_wait3A_264 = tpu.memref_slice %arg6[%add3A_262, %dma_wait3A_263] : memref<157x128xi32, #tpu.memory_space<vmem>> -> memref<1x128xi32, #tpu.memory_space<vmem>>
        %dma_wait3A_265 = tpu.memref_squeeze %dma_wait3A_264 : memref<1x128xi32, #tpu.memory_space<vmem>> -> memref<128xi32, #tpu.memory_space<vmem>>
        %dma_wait3A_266 = arith.constant 0 : i32
        %dma_wait3A_267 = arith.constant 0 : i32
        %dma_wait3A_268 = tpu.memref_slice %arg11[%dma_wait3A_266, %dma_wait3A_267] : memref<10240x64xf32, #tpu.memory_space<vmem_shared>> -> memref<10240x64xf32, #tpu.memory_space<vmem_shared>>
        tpu.wait_indirect_dma semaphore(%arg17 : memref<!tpu.dma_semaphore, #tpu.memory_space<semaphore_mem>>) src(%arg8 : memref<128x64xf32, #tpu.memory_space<vmem>>) dst(%dma_wait3A_268 : memref<10240x64xf32, #tpu.memory_space<vmem_shared>>)
        %add3A_269 = arith.constant 4 : i32
        %add3A_270 = arith.addi %mul3A_152, %add3A_269 : i32
        %add3A_271 = arith.constant 1 : i32
        %add3A_272 = arith.addi %add3A_270, %add3A_271 : i32
        %dma_start3A_273 = arith.constant 0 : i32
        %dma_start3A_274 = tpu.memref_slice %arg5[%add3A_272, %dma_start3A_273] : memref<157x128xi32, #tpu.memory_space<vmem>> -> memref<1x128xi32, #tpu.memory_space<vmem>>
        %dma_start3A_275 = tpu.memref_squeeze %dma_start3A_274 : memref<1x128xi32, #tpu.memory_space<vmem>> -> memref<128xi32, #tpu.memory_space<vmem>>
        %dma_start3A_276 = arith.constant 0 : i32
        %dma_start3A_277 = arith.constant 0 : i32
        %dma_start3A_278 = tpu.memref_slice %arg2[%arg0, %dma_start3A_276, %dma_start3A_277] : memref<2x10240x64xf32, #tpu.memory_space<hbm>> -> memref<1x10240x64xf32, #tpu.memory_space<hbm>>
        %dma_start3A_279 = tpu.memref_squeeze %dma_start3A_278 : memref<1x10240x64xf32, #tpu.memory_space<hbm>> -> memref<10240x64xf32, #tpu.memory_space<hbm>>
        %dma_start3A_280 = arith.constant 0 : i32
        %dma_start3A_281 = arith.constant 0 : i32
        %dma_start3A_282 = tpu.memref_slice %dma_start3A_279[%dma_start3A_280, %dma_start3A_281] : memref<10240x64xf32, #tpu.memory_space<hbm>> -> memref<10240x64xf32, #tpu.memory_space<hbm>>
        tpu.enqueue_indirect_dma source(%dma_start3A_282 : memref<10240x64xf32, #tpu.memory_space<hbm>>) target(%arg8 : memref<128x64xf32, #tpu.memory_space<vmem>>) offsets(%dma_start3A_275 : memref<128xi32, #tpu.memory_space<vmem>>) semaphore(%arg13 : memref<!tpu.dma_semaphore, #tpu.memory_space<semaphore_mem>>)
        %add3A_283 = arith.constant 2 : i32
        %add3A_284 = arith.addi %mul3A_152, %add3A_283 : i32
        %dma_wait3A_285 = arith.constant 0 : i32
        %dma_wait3A_286 = tpu.memref_slice %arg6[%add3A_284, %dma_wait3A_285] : memref<157x128xi32, #tpu.memory_space<vmem>> -> memref<1x128xi32, #tpu.memory_space<vmem>>
        %dma_wait3A_287 = tpu.memref_squeeze %dma_wait3A_286 : memref<1x128xi32, #tpu.memory_space<vmem>> -> memref<128xi32, #tpu.memory_space<vmem>>
        %dma_wait3A_288 = arith.constant 0 : i32
        %dma_wait3A_289 = arith.constant 0 : i32
        %dma_wait3A_290 = tpu.memref_slice %arg11[%dma_wait3A_288, %dma_wait3A_289] : memref<10240x64xf32, #tpu.memory_space<vmem_shared>> -> memref<10240x64xf32, #tpu.memory_space<vmem_shared>>
        tpu.wait_indirect_dma semaphore(%arg18 : memref<!tpu.dma_semaphore, #tpu.memory_space<semaphore_mem>>) src(%arg9 : memref<128x64xf32, #tpu.memory_space<vmem>>) dst(%dma_wait3A_290 : memref<10240x64xf32, #tpu.memory_space<vmem_shared>>)
        %add3A_291 = arith.constant 4 : i32
        %add3A_292 = arith.addi %mul3A_152, %add3A_291 : i32
        %add3A_293 = arith.constant 2 : i32
        %add3A_294 = arith.addi %add3A_292, %add3A_293 : i32
        %dma_start3A_295 = arith.constant 0 : i32
        %dma_start3A_296 = tpu.memref_slice %arg5[%add3A_294, %dma_start3A_295] : memref<157x128xi32, #tpu.memory_space<vmem>> -> memref<1x128xi32, #tpu.memory_space<vmem>>
        %dma_start3A_297 = tpu.memref_squeeze %dma_start3A_296 : memref<1x128xi32, #tpu.memory_space<vmem>> -> memref<128xi32, #tpu.memory_space<vmem>>
        %dma_start3A_298 = arith.constant 0 : i32
        %dma_start3A_299 = arith.constant 0 : i32
        %dma_start3A_300 = tpu.memref_slice %arg2[%arg0, %dma_start3A_298, %dma_start3A_299] : memref<2x10240x64xf32, #tpu.memory_space<hbm>> -> memref<1x10240x64xf32, #tpu.memory_space<hbm>>
        %dma_start3A_301 = tpu.memref_squeeze %dma_start3A_300 : memref<1x10240x64xf32, #tpu.memory_space<hbm>> -> memref<10240x64xf32, #tpu.memory_space<hbm>>
        %dma_start3A_302 = arith.constant 0 : i32
        %dma_start3A_303 = arith.constant 0 : i32
        %dma_start3A_304 = tpu.memref_slice %dma_start3A_301[%dma_start3A_302, %dma_start3A_303] : memref<10240x64xf32, #tpu.memory_space<hbm>> -> memref<10240x64xf32, #tpu.memory_space<hbm>>
        tpu.enqueue_indirect_dma source(%dma_start3A_304 : memref<10240x64xf32, #tpu.memory_space<hbm>>) target(%arg9 : memref<128x64xf32, #tpu.memory_space<vmem>>) offsets(%dma_start3A_297 : memref<128xi32, #tpu.memory_space<vmem>>) semaphore(%arg14 : memref<!tpu.dma_semaphore, #tpu.memory_space<semaphore_mem>>)
        %add3A_305 = arith.constant 3 : i32
        %add3A_306 = arith.addi %mul3A_152, %add3A_305 : i32
        %dma_wait3A_307 = arith.constant 0 : i32
        %dma_wait3A_308 = tpu.memref_slice %arg6[%add3A_306, %dma_wait3A_307] : memref<157x128xi32, #tpu.memory_space<vmem>> -> memref<1x128xi32, #tpu.memory_space<vmem>>
        %dma_wait3A_309 = tpu.memref_squeeze %dma_wait3A_308 : memref<1x128xi32, #tpu.memory_space<vmem>> -> memref<128xi32, #tpu.memory_space<vmem>>
        %dma_wait3A_310 = arith.constant 0 : i32
        %dma_wait3A_311 = arith.constant 0 : i32
        %dma_wait3A_312 = tpu.memref_slice %arg11[%dma_wait3A_310, %dma_wait3A_311] : memref<10240x64xf32, #tpu.memory_space<vmem_shared>> -> memref<10240x64xf32, #tpu.memory_space<vmem_shared>>
        tpu.wait_indirect_dma semaphore(%arg19 : memref<!tpu.dma_semaphore, #tpu.memory_space<semaphore_mem>>) src(%arg10 : memref<128x64xf32, #tpu.memory_space<vmem>>) dst(%dma_wait3A_312 : memref<10240x64xf32, #tpu.memory_space<vmem_shared>>)
        %add3A_313 = arith.constant 4 : i32
        %add3A_314 = arith.addi %mul3A_152, %add3A_313 : i32
        %add3A_315 = arith.constant 3 : i32
        %add3A_316 = arith.addi %add3A_314, %add3A_315 : i32
        %dma_start3A_317 = arith.constant 0 : i32
        %dma_start3A_318 = tpu.memref_slice %arg5[%add3A_316, %dma_start3A_317] : memref<157x128xi32, #tpu.memory_space<vmem>> -> memref<1x128xi32, #tpu.memory_space<vmem>>
        %dma_start3A_319 = tpu.memref_squeeze %dma_start3A_318 : memref<1x128xi32, #tpu.memory_space<vmem>> -> memref<128xi32, #tpu.memory_space<vmem>>
        %dma_start3A_320 = arith.constant 0 : i32
        %dma_start3A_321 = arith.constant 0 : i32
        %dma_start3A_322 = tpu.memref_slice %arg2[%arg0, %dma_start3A_320, %dma_start3A_321] : memref<2x10240x64xf32, #tpu.memory_space<hbm>> -> memref<1x10240x64xf32, #tpu.memory_space<hbm>>
        %dma_start3A_323 = tpu.memref_squeeze %dma_start3A_322 : memref<1x10240x64xf32, #tpu.memory_space<hbm>> -> memref<10240x64xf32, #tpu.memory_space<hbm>>
        %dma_start3A_324 = arith.constant 0 : i32
        %dma_start3A_325 = arith.constant 0 : i32
        %dma_start3A_326 = tpu.memref_slice %dma_start3A_323[%dma_start3A_324, %dma_start3A_325] : memref<10240x64xf32, #tpu.memory_space<hbm>> -> memref<10240x64xf32, #tpu.memory_space<hbm>>
        tpu.enqueue_indirect_dma source(%dma_start3A_326 : memref<10240x64xf32, #tpu.memory_space<hbm>>) target(%arg10 : memref<128x64xf32, #tpu.memory_space<vmem>>) offsets(%dma_start3A_319 : memref<128xi32, #tpu.memory_space<vmem>>) semaphore(%arg15 : memref<!tpu.dma_semaphore, #tpu.memory_space<semaphore_mem>>)
      } else {
      }
    }
    %dma_wait3A = arith.constant 0 : i32
    %dma_wait3A_105 = arith.constant 0 : i32
    %dma_wait3A_106 = tpu.memref_slice %arg6[%dma_wait3A, %dma_wait3A_105] : memref<157x128xi32, #tpu.memory_space<vmem>> -> memref<1x128xi32, #tpu.memory_space<vmem>>
    %dma_wait3A_107 = tpu.memref_squeeze %dma_wait3A_106 : memref<1x128xi32, #tpu.memory_space<vmem>> -> memref<128xi32, #tpu.memory_space<vmem>>
    %dma_wait3A_108 = arith.constant 0 : i32
    %dma_wait3A_109 = arith.constant 0 : i32
    %dma_wait3A_110 = tpu.memref_slice %arg11[%dma_wait3A_108, %dma_wait3A_109] : memref<10240x64xf32, #tpu.memory_space<vmem_shared>> -> memref<10240x64xf32, #tpu.memory_space<vmem_shared>>
    tpu.wait_indirect_dma semaphore(%arg16 : memref<!tpu.dma_semaphore, #tpu.memory_space<semaphore_mem>>) src(%arg7 : memref<128x64xf32, #tpu.memory_space<vmem>>) dst(%dma_wait3A_110 : memref<10240x64xf32, #tpu.memory_space<vmem_shared>>)
    %dma_wait3A_111 = arith.constant 0 : i32
    %dma_wait3A_112 = arith.constant 0 : i32
    %dma_wait3A_113 = tpu.memref_slice %arg6[%dma_wait3A_111, %dma_wait3A_112] : memref<157x128xi32, #tpu.memory_space<vmem>> -> memref<1x128xi32, #tpu.memory_space<vmem>>
    %dma_wait3A_114 = tpu.memref_squeeze %dma_wait3A_113 : memref<1x128xi32, #tpu.memory_space<vmem>> -> memref<128xi32, #tpu.memory_space<vmem>>
    %dma_wait3A_115 = arith.constant 0 : i32
    %dma_wait3A_116 = arith.constant 0 : i32
    %dma_wait3A_117 = tpu.memref_slice %arg11[%dma_wait3A_115, %dma_wait3A_116] : memref<10240x64xf32, #tpu.memory_space<vmem_shared>> -> memref<10240x64xf32, #tpu.memory_space<vmem_shared>>
    tpu.wait_indirect_dma semaphore(%arg17 : memref<!tpu.dma_semaphore, #tpu.memory_space<semaphore_mem>>) src(%arg8 : memref<128x64xf32, #tpu.memory_space<vmem>>) dst(%dma_wait3A_117 : memref<10240x64xf32, #tpu.memory_space<vmem_shared>>)
    %dma_wait3A_118 = arith.constant 0 : i32
    %dma_wait3A_119 = arith.constant 0 : i32
    %dma_wait3A_120 = tpu.memref_slice %arg6[%dma_wait3A_118, %dma_wait3A_119] : memref<157x128xi32, #tpu.memory_space<vmem>> -> memref<1x128xi32, #tpu.memory_space<vmem>>
    %dma_wait3A_121 = tpu.memref_squeeze %dma_wait3A_120 : memref<1x128xi32, #tpu.memory_space<vmem>> -> memref<128xi32, #tpu.memory_space<vmem>>
    %dma_wait3A_122 = arith.constant 0 : i32
    %dma_wait3A_123 = arith.constant 0 : i32
    %dma_wait3A_124 = tpu.memref_slice %arg11[%dma_wait3A_122, %dma_wait3A_123] : memref<10240x64xf32, #tpu.memory_space<vmem_shared>> -> memref<10240x64xf32, #tpu.memory_space<vmem_shared>>
    tpu.wait_indirect_dma semaphore(%arg18 : memref<!tpu.dma_semaphore, #tpu.memory_space<semaphore_mem>>) src(%arg9 : memref<128x64xf32, #tpu.memory_space<vmem>>) dst(%dma_wait3A_124 : memref<10240x64xf32, #tpu.memory_space<vmem_shared>>)
    %dma_wait3A_125 = arith.constant 0 : i32
    %dma_wait3A_126 = arith.constant 0 : i32
    %dma_wait3A_127 = tpu.memref_slice %arg6[%dma_wait3A_125, %dma_wait3A_126] : memref<157x128xi32, #tpu.memory_space<vmem>> -> memref<1x128xi32, #tpu.memory_space<vmem>>
    %dma_wait3A_128 = tpu.memref_squeeze %dma_wait3A_127 : memref<1x128xi32, #tpu.memory_space<vmem>> -> memref<128xi32, #tpu.memory_space<vmem>>
    %dma_wait3A_129 = arith.constant 0 : i32
    %dma_wait3A_130 = arith.constant 0 : i32
    %dma_wait3A_131 = tpu.memref_slice %arg11[%dma_wait3A_129, %dma_wait3A_130] : memref<10240x64xf32, #tpu.memory_space<vmem_shared>> -> memref<10240x64xf32, #tpu.memory_space<vmem_shared>>
    tpu.wait_indirect_dma semaphore(%arg19 : memref<!tpu.dma_semaphore, #tpu.memory_space<semaphore_mem>>) src(%arg10 : memref<128x64xf32, #tpu.memory_space<vmem>>) dst(%dma_wait3A_131 : memref<10240x64xf32, #tpu.memory_space<vmem_shared>>)
    %mul3A_132 = arith.constant 4 : i32
    %mul3A_133 = arith.muli %select_n3A_52, %mul3A_132 : i32
    %while3A_134 = arith.constant 0 : i32
    %while3A_135 = arith.subi %add3A_30, %mul3A_133 : i32
    %while3A_136 = arith.addi %mul3A_133, %while3A_135 : i32
    %while3A_137 = arith.constant 1 : i32
    %while3A_138 = arith.divsi %while3A_135, %while3A_137 : i32
    %while3A_139 = arith.muli %while3A_138, %while3A_137 : i32
    %while3A_140 = arith.addi %mul3A_133, %while3A_139 : i32
    %while3A_141 = arith.constant 1 : i32
    scf.for %while3A_150 = %mul3A_133 to %while3A_140 step %while3A_141  : i32 {
      %dma_start3A_151 = arith.constant 0 : i32
      %dma_start3A_152 = tpu.memref_slice %arg5[%while3A_150, %dma_start3A_151] : memref<157x128xi32, #tpu.memory_space<vmem>> -> memref<1x128xi32, #tpu.memory_space<vmem>>
      %dma_start3A_153 = tpu.memref_squeeze %dma_start3A_152 : memref<1x128xi32, #tpu.memory_space<vmem>> -> memref<128xi32, #tpu.memory_space<vmem>>
      %dma_start3A_154 = arith.constant 0 : i32
      %dma_start3A_155 = arith.constant 0 : i32
      %dma_start3A_156 = tpu.memref_slice %arg2[%arg0, %dma_start3A_154, %dma_start3A_155] : memref<2x10240x64xf32, #tpu.memory_space<hbm>> -> memref<1x10240x64xf32, #tpu.memory_space<hbm>>
      %dma_start3A_157 = tpu.memref_squeeze %dma_start3A_156 : memref<1x10240x64xf32, #tpu.memory_space<hbm>> -> memref<10240x64xf32, #tpu.memory_space<hbm>>
      %dma_start3A_158 = arith.constant 0 : i32
      %dma_start3A_159 = arith.constant 0 : i32
      %dma_start3A_160 = tpu.memref_slice %dma_start3A_157[%dma_start3A_158, %dma_start3A_159] : memref<10240x64xf32, #tpu.memory_space<hbm>> -> memref<10240x64xf32, #tpu.memory_space<hbm>>
      tpu.enqueue_indirect_dma source(%dma_start3A_160 : memref<10240x64xf32, #tpu.memory_space<hbm>>) target(%arg7 : memref<128x64xf32, #tpu.memory_space<vmem>>) offsets(%dma_start3A_153 : memref<128xi32, #tpu.memory_space<vmem>>) semaphore(%arg12 : memref<!tpu.dma_semaphore, #tpu.memory_space<semaphore_mem>>)
      %dma_wait3A_161 = arith.constant 0 : i32
      %dma_wait3A_162 = tpu.memref_slice %arg5[%while3A_150, %dma_wait3A_161] : memref<157x128xi32, #tpu.memory_space<vmem>> -> memref<1x128xi32, #tpu.memory_space<vmem>>
      %dma_wait3A_163 = tpu.memref_squeeze %dma_wait3A_162 : memref<1x128xi32, #tpu.memory_space<vmem>> -> memref<128xi32, #tpu.memory_space<vmem>>
      %dma_wait3A_164 = arith.constant 0 : i32
      %dma_wait3A_165 = arith.constant 0 : i32
      %dma_wait3A_166 = tpu.memref_slice %arg2[%arg0, %dma_wait3A_164, %dma_wait3A_165] : memref<2x10240x64xf32, #tpu.memory_space<hbm>> -> memref<1x10240x64xf32, #tpu.memory_space<hbm>>
      %dma_wait3A_167 = tpu.memref_squeeze %dma_wait3A_166 : memref<1x10240x64xf32, #tpu.memory_space<hbm>> -> memref<10240x64xf32, #tpu.memory_space<hbm>>
      %dma_wait3A_168 = arith.constant 0 : i32
      %dma_wait3A_169 = arith.constant 0 : i32
      %dma_wait3A_170 = tpu.memref_slice %dma_wait3A_167[%dma_wait3A_168, %dma_wait3A_169] : memref<10240x64xf32, #tpu.memory_space<hbm>> -> memref<10240x64xf32, #tpu.memory_space<hbm>>
      tpu.wait_indirect_dma semaphore(%arg12 : memref<!tpu.dma_semaphore, #tpu.memory_space<semaphore_mem>>) src(%dma_wait3A_170 : memref<10240x64xf32, #tpu.memory_space<hbm>>) dst(%arg7 : memref<128x64xf32, #tpu.memory_space<vmem>>)
      "tpu.region"() ({
        %run_scoped3A_171 = tpu.sem_alloc : memref<!tpu.dma_semaphore, #tpu.memory_space<semaphore_mem>>
        %dma_start3A_172 = arith.constant 0 : i32
        %dma_start3A_173 = tpu.memref_slice %arg6[%while3A_150, %dma_start3A_172] : memref<157x128xi32, #tpu.memory_space<vmem>> -> memref<1x128xi32, #tpu.memory_space<vmem>>
        %dma_start3A_174 = tpu.memref_squeeze %dma_start3A_173 : memref<1x128xi32, #tpu.memory_space<vmem>> -> memref<128xi32, #tpu.memory_space<vmem>>
        %dma_start3A_175 = arith.constant 0 : i32
        %dma_start3A_176 = arith.constant 0 : i32
        %dma_start3A_177 = tpu.memref_slice %arg11[%dma_start3A_175, %dma_start3A_176] : memref<10240x64xf32, #tpu.memory_space<vmem_shared>> -> memref<10240x64xf32, #tpu.memory_space<vmem_shared>>
        tpu.enqueue_indirect_dma source(%arg7 : memref<128x64xf32, #tpu.memory_space<vmem>>) target(%dma_start3A_177 : memref<10240x64xf32, #tpu.memory_space<vmem_shared>>) offsets(%dma_start3A_174 : memref<128xi32, #tpu.memory_space<vmem>>) semaphore(%run_scoped3A_171 : memref<!tpu.dma_semaphore, #tpu.memory_space<semaphore_mem>>) {add = true}
        %dma_wait3A_178 = arith.constant 0 : i32
        %dma_wait3A_179 = tpu.memref_slice %arg6[%while3A_150, %dma_wait3A_178] : memref<157x128xi32, #tpu.memory_space<vmem>> -> memref<1x128xi32, #tpu.memory_space<vmem>>
        %dma_wait3A_180 = tpu.memref_squeeze %dma_wait3A_179 : memref<1x128xi32, #tpu.memory_space<vmem>> -> memref<128xi32, #tpu.memory_space<vmem>>
        %dma_wait3A_181 = arith.constant 0 : i32
        %dma_wait3A_182 = arith.constant 0 : i32
        %dma_wait3A_183 = tpu.memref_slice %arg11[%dma_wait3A_181, %dma_wait3A_182] : memref<10240x64xf32, #tpu.memory_space<vmem_shared>> -> memref<10240x64xf32, #tpu.memory_space<vmem_shared>>
        tpu.wait_indirect_dma semaphore(%run_scoped3A_171 : memref<!tpu.dma_semaphore, #tpu.memory_space<semaphore_mem>>) src(%arg7 : memref<128x64xf32, #tpu.memory_space<vmem>>) dst(%dma_wait3A_183 : memref<10240x64xf32, #tpu.memory_space<vmem_shared>>)
        tpu.yield
      }) : () -> ()
    }
    %while3A_142 = arith.constant 1 : i32
    scf.for %while3A_150 = %while3A_140 to %while3A_136 step %while3A_142  : i32 {
      %dma_start3A_151 = arith.constant 0 : i32
      %dma_start3A_152 = tpu.memref_slice %arg5[%while3A_150, %dma_start3A_151] : memref<157x128xi32, #tpu.memory_space<vmem>> -> memref<1x128xi32, #tpu.memory_space<vmem>>
      %dma_start3A_153 = tpu.memref_squeeze %dma_start3A_152 : memref<1x128xi32, #tpu.memory_space<vmem>> -> memref<128xi32, #tpu.memory_space<vmem>>
      %dma_start3A_154 = arith.constant 0 : i32
      %dma_start3A_155 = arith.constant 0 : i32
      %dma_start3A_156 = tpu.memref_slice %arg2[%arg0, %dma_start3A_154, %dma_start3A_155] : memref<2x10240x64xf32, #tpu.memory_space<hbm>> -> memref<1x10240x64xf32, #tpu.memory_space<hbm>>
      %dma_start3A_157 = tpu.memref_squeeze %dma_start3A_156 : memref<1x10240x64xf32, #tpu.memory_space<hbm>> -> memref<10240x64xf32, #tpu.memory_space<hbm>>
      %dma_start3A_158 = arith.constant 0 : i32
      %dma_start3A_159 = arith.constant 0 : i32
      %dma_start3A_160 = tpu.memref_slice %dma_start3A_157[%dma_start3A_158, %dma_start3A_159] : memref<10240x64xf32, #tpu.memory_space<hbm>> -> memref<10240x64xf32, #tpu.memory_space<hbm>>
      tpu.enqueue_indirect_dma source(%dma_start3A_160 : memref<10240x64xf32, #tpu.memory_space<hbm>>) target(%arg7 : memref<128x64xf32, #tpu.memory_space<vmem>>) offsets(%dma_start3A_153 : memref<128xi32, #tpu.memory_space<vmem>>) semaphore(%arg12 : memref<!tpu.dma_semaphore, #tpu.memory_space<semaphore_mem>>)
      %dma_wait3A_161 = arith.constant 0 : i32
      %dma_wait3A_162 = tpu.memref_slice %arg5[%while3A_150, %dma_wait3A_161] : memref<157x128xi32, #tpu.memory_space<vmem>> -> memref<1x128xi32, #tpu.memory_space<vmem>>
      %dma_wait3A_163 = tpu.memref_squeeze %dma_wait3A_162 : memref<1x128xi32, #tpu.memory_space<vmem>> -> memref<128xi32, #tpu.memory_space<vmem>>
      %dma_wait3A_164 = arith.constant 0 : i32
      %dma_wait3A_165 = arith.constant 0 : i32
      %dma_wait3A_166 = tpu.memref_slice %arg2[%arg0, %dma_wait3A_164, %dma_wait3A_165] : memref<2x10240x64xf32, #tpu.memory_space<hbm>> -> memref<1x10240x64xf32, #tpu.memory_space<hbm>>
      %dma_wait3A_167 = tpu.memref_squeeze %dma_wait3A_166 : memref<1x10240x64xf32, #tpu.memory_space<hbm>> -> memref<10240x64xf32, #tpu.memory_space<hbm>>
      %dma_wait3A_168 = arith.constant 0 : i32
      %dma_wait3A_169 = arith.constant 0 : i32
      %dma_wait3A_170 = tpu.memref_slice %dma_wait3A_167[%dma_wait3A_168, %dma_wait3A_169] : memref<10240x64xf32, #tpu.memory_space<hbm>> -> memref<10240x64xf32, #tpu.memory_space<hbm>>
      tpu.wait_indirect_dma semaphore(%arg12 : memref<!tpu.dma_semaphore, #tpu.memory_space<semaphore_mem>>) src(%dma_wait3A_170 : memref<10240x64xf32, #tpu.memory_space<hbm>>) dst(%arg7 : memref<128x64xf32, #tpu.memory_space<vmem>>)
      "tpu.region"() ({
        %run_scoped3A_171 = tpu.sem_alloc : memref<!tpu.dma_semaphore, #tpu.memory_space<semaphore_mem>>
        %dma_start3A_172 = arith.constant 0 : i32
        %dma_start3A_173 = tpu.memref_slice %arg6[%while3A_150, %dma_start3A_172] : memref<157x128xi32, #tpu.memory_space<vmem>> -> memref<1x128xi32, #tpu.memory_space<vmem>>
        %dma_start3A_174 = tpu.memref_squeeze %dma_start3A_173 : memref<1x128xi32, #tpu.memory_space<vmem>> -> memref<128xi32, #tpu.memory_space<vmem>>
        %dma_start3A_175 = arith.constant 0 : i32
        %dma_start3A_176 = arith.constant 0 : i32
        %dma_start3A_177 = tpu.memref_slice %arg11[%dma_start3A_175, %dma_start3A_176] : memref<10240x64xf32, #tpu.memory_space<vmem_shared>> -> memref<10240x64xf32, #tpu.memory_space<vmem_shared>>
        tpu.enqueue_indirect_dma source(%arg7 : memref<128x64xf32, #tpu.memory_space<vmem>>) target(%dma_start3A_177 : memref<10240x64xf32, #tpu.memory_space<vmem_shared>>) offsets(%dma_start3A_174 : memref<128xi32, #tpu.memory_space<vmem>>) semaphore(%run_scoped3A_171 : memref<!tpu.dma_semaphore, #tpu.memory_space<semaphore_mem>>) {add = true}
        %dma_wait3A_178 = arith.constant 0 : i32
        %dma_wait3A_179 = tpu.memref_slice %arg6[%while3A_150, %dma_wait3A_178] : memref<157x128xi32, #tpu.memory_space<vmem>> -> memref<1x128xi32, #tpu.memory_space<vmem>>
        %dma_wait3A_180 = tpu.memref_squeeze %dma_wait3A_179 : memref<1x128xi32, #tpu.memory_space<vmem>> -> memref<128xi32, #tpu.memory_space<vmem>>
        %dma_wait3A_181 = arith.constant 0 : i32
        %dma_wait3A_182 = arith.constant 0 : i32
        %dma_wait3A_183 = tpu.memref_slice %arg11[%dma_wait3A_181, %dma_wait3A_182] : memref<10240x64xf32, #tpu.memory_space<vmem_shared>> -> memref<10240x64xf32, #tpu.memory_space<vmem_shared>>
        tpu.wait_indirect_dma semaphore(%run_scoped3A_171 : memref<!tpu.dma_semaphore, #tpu.memory_space<semaphore_mem>>) src(%arg7 : memref<128x64xf32, #tpu.memory_space<vmem>>) dst(%dma_wait3A_183 : memref<10240x64xf32, #tpu.memory_space<vmem_shared>>)
        tpu.yield
      }) : () -> ()
    }
    %barrier3A_143 = arith.constant 0 : index
    tpu.barrier barrier_id(%barrier3A_143)
    %mul3A_144 = arith.constant 640 : i32
    %mul3A_145 = arith.muli %arg1, %mul3A_144 : i32
    %mul3A_146 = arith.constant 640 : i32
    %mul3A_147 = arith.muli %arg1, %mul3A_146 : i32
    %mul3A_148 = arith.constant 64 : i32
    %mul3A_149 = arith.muli %arg0, %mul3A_148 : i32
    "tpu.region"() ({
      %run_scoped3A_150 = tpu.sem_alloc : memref<!tpu.dma_semaphore, #tpu.memory_space<semaphore_mem>>
      %dma_start3A_151 = tpu.memref_slice %arg4[%mul3A_147, %mul3A_149] : memref<10240x128xf32, #tpu.memory_space<hbm>> -> memref<640x64xf32, #tpu.memory_space<hbm>>
      %dma_start3A_152 = arith.constant 0 : i32
      %dma_start3A_153 = tpu.memref_slice %arg11[%mul3A_145, %dma_start3A_152] : memref<10240x64xf32, #tpu.memory_space<vmem_shared>> -> memref<640x64xf32, #tpu.memory_space<vmem_shared>>
      tpu.enqueue_dma source(%dma_start3A_153 : memref<640x64xf32, #tpu.memory_space<vmem_shared>>) target(%dma_start3A_151 : memref<640x64xf32, #tpu.memory_space<hbm>>) target_semaphore(%run_scoped3A_150 : memref<!tpu.dma_semaphore, #tpu.memory_space<semaphore_mem>>)
      %dma_wait3A_154 = tpu.memref_slice %arg4[%mul3A_147, %mul3A_149] : memref<10240x128xf32, #tpu.memory_space<hbm>> -> memref<640x64xf32, #tpu.memory_space<hbm>>
      %dma_wait3A_155 = arith.constant 0 : i32
      %dma_wait3A_156 = tpu.memref_slice %arg11[%mul3A_145, %dma_wait3A_155] : memref<10240x64xf32, #tpu.memory_space<vmem_shared>> -> memref<640x64xf32, #tpu.memory_space<vmem_shared>>
      tpu.wait_dma2 semaphore(%run_scoped3A_150 : memref<!tpu.dma_semaphore, #tpu.memory_space<semaphore_mem>>) src(%dma_wait3A_156 : memref<640x64xf32, #tpu.memory_space<vmem_shared>>) dst(%dma_wait3A_154 : memref<640x64xf32, #tpu.memory_space<hbm>>)
      tpu.yield
    }) : () -> ()
    return
  }
}

module attributes {stable_mosaic.version = 14 : i64} {
  func.func @_gscale_body(%arg0: i32, %arg1: memref<1024x128xf32, #tpu.memory_space<vmem>>, %arg2: memref<128x128xf32, #tpu.memory_space<vmem>>, %arg3: memref<2x1024x8xf32, #tpu.memory_space<vmem>>, %arg4: memref<2x1024x64xf32, #tpu.memory_space<vmem>>, %arg5: memref<1024x8xf32, #tpu.memory_space<vmem>>) attributes {dimension_semantics = [#tpu.dimension_semantics<arbitrary>], iteration_bounds = array<i64: 10>, scalar_prefetch = 0 : i64, scratch_operands = 0 : i64, tpu.core_type = #tpu.core_type<tc>, window_params = [{transform_indices = @transform_0, window_bounds = array<i64: 1024, 128>}, {pipeline_mode = #tpu.pipeline_mode<synchronous>, transform_indices = @transform_1, window_bounds = array<i64: 128, 128>}, {transform_indices = @transform_2, window_bounds = array<i64: 2, 1024, 8>}, {transform_indices = @transform_3, window_bounds = array<i64: 2, 1024, 64>}, {transform_indices = @transform_4, window_bounds = array<i64: 1024, 8>}]} {
    %get3A = arith.constant 0 : index
    %get3A_0 = arith.constant 0 : index
    %get3A_1 = vector.load %arg1[%get3A, %get3A_0] : memref<1024x128xf32, #tpu.memory_space<vmem>>, vector<1024x128xf32>
    %get3A_2 = arith.constant 0 : index
    %get3A_3 = arith.constant 0 : index
    %get3A_4 = vector.load %arg2[%get3A_2, %get3A_3] : memref<128x128xf32, #tpu.memory_space<vmem>>, vector<128x128xf32>
    %dot_general3A = arith.constant dense<0.000000e+00> : vector<1024x128xf32>
    %dot_general3A_5 = tpu.matmul %get3A_1, %get3A_4, %dot_general3A {dimension_numbers = #tpu.dot_dimension_numbers<[1], [0], [0], [1], [0, 0, 1, 1], [], []>, transpose_lhs_hint = false} : vector<1024x128xf32>, vector<128x128xf32>, vector<1024x128xf32> -> vector<1024x128xf32>
    %get3A_6 = arith.constant 0 : index
    %get3A_7 = arith.constant 0 : index
    %get3A_8 = arith.constant 0 : index
    %get3A_9 = vector.load %arg3[%get3A_6, %get3A_7, %get3A_8] : memref<2x1024x8xf32, #tpu.memory_space<vmem>>, vector<1x1024x1xf32>
    %get3A_10 = vector.shape_cast %get3A_9 : vector<1x1024x1xf32> to vector<1024x1xf32>
    %get3A_11 = arith.constant 1 : index
    %get3A_12 = arith.constant 0 : index
    %get3A_13 = arith.constant 0 : index
    %get3A_14 = vector.load %arg3[%get3A_11, %get3A_12, %get3A_13] : memref<2x1024x8xf32, #tpu.memory_space<vmem>>, vector<1x1024x1xf32>
    %get3A_15 = vector.shape_cast %get3A_14 : vector<1x1024x1xf32> to vector<1024x1xf32>
    %add3A = arith.addf %get3A_10, %get3A_15 : vector<1024x1xf32>
    %add3A_16 = arith.constant 1.000000e+00 : f32
    %add3A_17 = vector.broadcast %add3A_16 : f32 to vector<1024x1xf32>
    %add3A_18 = arith.addf %add3A, %add3A_17 : vector<1024x1xf32>
    %rsqrt3A = math.rsqrt %add3A_18 : vector<1024x1xf32>
    %slice3A = vector.extract_strided_slice %dot_general3A_5 {offsets = [0, 0], sizes = [1024, 64], strides = [1, 1]} : vector<1024x128xf32> to vector<1024x64xf32>
    %mul3A = vector.broadcast %rsqrt3A : vector<1024x1xf32> to vector<1024x64xf32>
    %mul3A_19 = arith.mulf %slice3A, %mul3A : vector<1024x64xf32>
    %swap3A = arith.constant 0 : index
    %swap3A_20 = arith.constant 0 : index
    %swap3A_21 = arith.constant 0 : index
    %swap3A_22 = vector.load %arg4[%swap3A, %swap3A_20, %swap3A_21] : memref<2x1024x64xf32, #tpu.memory_space<vmem>>, vector<1x1024x64xf32>
    %swap3A_23 = vector.shape_cast %swap3A_22 : vector<1x1024x64xf32> to vector<1024x64xf32>
    %swap3A_24 = vector.shape_cast %mul3A_19 : vector<1024x64xf32> to vector<1x1024x64xf32>
    tpu.vector_store %arg4[%swap3A, %swap3A_20, %swap3A_21], %swap3A_24 {strides = array<i32>} : memref<2x1024x64xf32, #tpu.memory_space<vmem>>, vector<1x1024x64xf32>,
    %slice3A_25 = vector.extract_strided_slice %dot_general3A_5 {offsets = [0, 64], sizes = [1024, 64], strides = [1, 1]} : vector<1024x128xf32> to vector<1024x64xf32>
    %mul3A_26 = vector.broadcast %rsqrt3A : vector<1024x1xf32> to vector<1024x64xf32>
    %mul3A_27 = arith.mulf %slice3A_25, %mul3A_26 : vector<1024x64xf32>
    %swap3A_28 = arith.constant 1 : index
    %swap3A_29 = arith.constant 0 : index
    %swap3A_30 = arith.constant 0 : index
    %swap3A_31 = vector.load %arg4[%swap3A_28, %swap3A_29, %swap3A_30] : memref<2x1024x64xf32, #tpu.memory_space<vmem>>, vector<1x1024x64xf32>
    %swap3A_32 = vector.shape_cast %swap3A_31 : vector<1x1024x64xf32> to vector<1024x64xf32>
    %swap3A_33 = vector.shape_cast %mul3A_27 : vector<1024x64xf32> to vector<1x1024x64xf32>
    tpu.vector_store %arg4[%swap3A_28, %swap3A_29, %swap3A_30], %swap3A_33 {strides = array<i32>} : memref<2x1024x64xf32, #tpu.memory_space<vmem>>, vector<1x1024x64xf32>,
    %broadcast_in_dim3A = vector.shape_cast %rsqrt3A : vector<1024x1xf32> to vector<1024x1xf32>
    %broadcast_in_dim3A_34 = vector.broadcast %broadcast_in_dim3A : vector<1024x1xf32> to vector<1024x8xf32>
    %swap3A_35 = arith.constant 0 : index
    %swap3A_36 = arith.constant 0 : index
    %swap3A_37 = vector.load %arg5[%swap3A_35, %swap3A_36] : memref<1024x8xf32, #tpu.memory_space<vmem>>, vector<1024x8xf32>
    tpu.vector_store %arg5[%swap3A_35, %swap3A_36], %broadcast_in_dim3A_34 {strides = array<i32>} : memref<1024x8xf32, #tpu.memory_space<vmem>>, vector<1024x8xf32>,
    return
  }
  func.func @transform_0(%arg0: i32) -> (i32, i32) {
    %c0_i32 = arith.constant 0 : i32
    %c0_i32_0 = arith.constant 0 : i32
    return %arg0, %c0_i32 : i32, i32
  }
  func.func @transform_1(%arg0: i32) -> (i32, i32) {
    %c0_i32 = arith.constant 0 : i32
    %c0_i32_0 = arith.constant 0 : i32
    %c0_i32_1 = arith.constant 0 : i32
    return %c0_i32, %c0_i32_0 : i32, i32
  }
  func.func @transform_2(%arg0: i32) -> (i32, i32, i32) {
    %c0_i32 = arith.constant 0 : i32
    %c0_i32_0 = arith.constant 0 : i32
    %c0_i32_1 = arith.constant 0 : i32
    return %c0_i32, %arg0, %c0_i32_0 : i32, i32, i32
  }
  func.func @transform_3(%arg0: i32) -> (i32, i32, i32) {
    %c0_i32 = arith.constant 0 : i32
    %c0_i32_0 = arith.constant 0 : i32
    %c0_i32_1 = arith.constant 0 : i32
    return %c0_i32, %arg0, %c0_i32_0 : i32, i32, i32
  }
  func.func @transform_4(%arg0: i32) -> (i32, i32) {
    %c0_i32 = arith.constant 0 : i32
    %c0_i32_0 = arith.constant 0 : i32
    return %arg0, %c0_i32 : i32, i32
  }
}

module attributes {stable_mosaic.version = 14 : i64} {
  func.func @_final_body(%arg0: i32, %arg1: memref<2000x128xf32, #tpu.memory_space<vmem>>, %arg2: memref<2x2000x64xf32, #tpu.memory_space<vmem>>, %arg3: memref<2000x8xf32, #tpu.memory_space<vmem>>, %arg4: memref<8x128xf32, #tpu.memory_space<vmem>>, %arg5: memref<2000x128xf32, #tpu.memory_space<vmem>>) attributes {dimension_semantics = [#tpu.dimension_semantics<arbitrary>], iteration_bounds = array<i64: 5>, scalar_prefetch = 0 : i64, scratch_operands = 0 : i64, tpu.core_type = #tpu.core_type<tc>, window_params = [{transform_indices = @transform_0, window_bounds = array<i64: 2000, 128>}, {transform_indices = @transform_1, window_bounds = array<i64: 2, 2000, 64>}, {transform_indices = @transform_2, window_bounds = array<i64: 2000, 8>}, {pipeline_mode = #tpu.pipeline_mode<synchronous>, transform_indices = @transform_3, window_bounds = array<i64: 8, 128>}, {transform_indices = @transform_4, window_bounds = array<i64: 2000, 128>}]} {
    %get3A = arith.constant 0 : index
    %get3A_0 = arith.constant 0 : index
    %get3A_1 = vector.load %arg3[%get3A, %get3A_0] : memref<2000x8xf32, #tpu.memory_space<vmem>>, vector<2000x1xf32>
    %get3A_2 = arith.constant 0 : index
    %get3A_3 = arith.constant 0 : index
    %get3A_4 = vector.load %arg1[%get3A_2, %get3A_3] : memref<2000x128xf32, #tpu.memory_space<vmem>>, vector<2000x64xf32>
    %get3A_5 = arith.constant 0 : index
    %get3A_6 = arith.constant 0 : index
    %get3A_7 = arith.constant 0 : index
    %get3A_8 = vector.load %arg2[%get3A_5, %get3A_6, %get3A_7] : memref<2x2000x64xf32, #tpu.memory_space<vmem>>, vector<1x2000x64xf32>
    %get3A_9 = vector.shape_cast %get3A_8 : vector<1x2000x64xf32> to vector<2000x64xf32>
    %add3A = arith.addf %get3A_4, %get3A_9 : vector<2000x64xf32>
    %get3A_10 = arith.constant 0 : index
    %get3A_11 = arith.constant 64 : index
    %get3A_12 = vector.load %arg1[%get3A_10, %get3A_11] : memref<2000x128xf32, #tpu.memory_space<vmem>>, vector<2000x64xf32>
    %get3A_13 = arith.constant 1 : index
    %get3A_14 = arith.constant 0 : index
    %get3A_15 = arith.constant 0 : index
    %get3A_16 = vector.load %arg2[%get3A_13, %get3A_14, %get3A_15] : memref<2x2000x64xf32, #tpu.memory_space<vmem>>, vector<1x2000x64xf32>
    %get3A_17 = vector.shape_cast %get3A_16 : vector<1x2000x64xf32> to vector<2000x64xf32>
    %add3A_18 = arith.addf %get3A_12, %get3A_17 : vector<2000x64xf32>
    %concatenate3A = tpu.concatenate %add3A, %add3A_18 in 1 : vector<2000x64xf32>, vector<2000x64xf32> -> vector<2000x128xf32>
    %mul3A = vector.broadcast %get3A_1 : vector<2000x1xf32> to vector<2000x128xf32>
    %mul3A_19 = arith.mulf %concatenate3A, %mul3A : vector<2000x128xf32>
    %get3A_20 = arith.constant 0 : index
    %get3A_21 = arith.constant 0 : index
    %get3A_22 = vector.load %arg4[%get3A_20, %get3A_21] : memref<8x128xf32, #tpu.memory_space<vmem>>, vector<1x128xf32>
    %add3A_23 = vector.broadcast %get3A_22 : vector<1x128xf32> to vector<2000x128xf32>
    %add3A_24 = arith.addf %mul3A_19, %add3A_23 : vector<2000x128xf32>
    %max3A = arith.constant 0.000000e+00 : f32
    %max3A_25 = vector.broadcast %max3A : f32 to vector<2000x128xf32>
    %max3A_26 = arith.maximumf %add3A_24, %max3A_25 : vector<2000x128xf32>
    %swap3A = arith.constant 0 : index
    %swap3A_27 = arith.constant 0 : index
    %swap3A_28 = vector.load %arg5[%swap3A, %swap3A_27] : memref<2000x128xf32, #tpu.memory_space<vmem>>, vector<2000x128xf32>
    tpu.vector_store %arg5[%swap3A, %swap3A_27], %max3A_26 {strides = array<i32>} : memref<2000x128xf32, #tpu.memory_space<vmem>>, vector<2000x128xf32>,
    return
  }
  func.func @transform_0(%arg0: i32) -> (i32, i32) {
    %c0_i32 = arith.constant 0 : i32
    %c0_i32_0 = arith.constant 0 : i32
    return %arg0, %c0_i32 : i32, i32
  }
  func.func @transform_1(%arg0: i32) -> (i32, i32, i32) {
    %c0_i32 = arith.constant 0 : i32
    %c0_i32_0 = arith.constant 0 : i32
    %c0_i32_1 = arith.constant 0 : i32
    return %c0_i32, %arg0, %c0_i32_0 : i32, i32, i32
  }
  func.func @transform_2(%arg0: i32) -> (i32, i32) {
    %c0_i32 = arith.constant 0 : i32
    %c0_i32_0 = arith.constant 0 : i32
    return %arg0, %c0_i32 : i32, i32
  }
  func.func @transform_3(%arg0: i32) -> (i32, i32) {
    %c0_i32 = arith.constant 0 : i32
    %c0_i32_0 = arith.constant 0 : i32
    %c0_i32_1 = arith.constant 0 : i32
    return %c0_i32, %c0_i32_0 : i32, i32
  }
  func.func @transform_4(%arg0: i32) -> (i32, i32) {
    %c0_i32 = arith.constant 0 : i32
    %c0_i32_0 = arith.constant 0 : i32
    return %arg0, %c0_i32 : i32, i32
  }
}

</mosaic_0001>

<sc_bundles>
// kernel: kernel.6.cloned.1.call-start
scs
__scs_entry_jumppad:
0x0: {  	(pc) =	sbr.rel $0x88, $3  }
0x1: {  	(tag) =	ssettag $0x0;
	lr =	simm.s32 $0x1  }
0x2: {  	[smem:$0x3F9D] =	sst lr;
	_ =	strace $0xD0000000  }
0x3: {  	_ = 	snop  }
0x4: {  	_ = 	snop  }
0x5: {  	_ = 	snop  }
0x6: {  	_ = 	snop  }
0x7: {  	_ = 	snop  }
__scs_overlays_trampoline_lowered:
0x8: {  	[smem:$0x3FAC] =	sst s0  }
0x9: {  	[smem:$0x3FAD] =	sst s1  }
0xa: {  	[smem:$0x3FAE] =	sst s2  }
0xb: {  	[smem:$0x3FAF] =	sst s3  }
0xc: {  	[smem:$0x3FB0] =	sst s4  }
0xd: {  	[smem:$0x3FB1] =	sst s5  }
0xe: {  	[smem:$0x3FB2] =	sst s6  }
0xf: {  	[smem:$0x3FB3] =	sst s7  }
0x10: {  	[smem:$0x3FB4] =	sst s8  }
0x11: {  	[smem:$0x3FB5] =	sst s9;
	s0 =	simm.s32 @!p0 $0x0  }
0x12: {  	s1 =	sld [smem:$0x3F9B];
	s0 =	simm.s32 @p0 $0x1  }
0x13: {  	[smem:$0x3FB6] =	sst s0;
	s0 =	simm.s32 @!p1 $0x0  }
0x14: {  	s2 =	sld [smem:$0x3F9A];
	s0 =	simm.s32 @p1 $0x1  }
0x15: {  	[smem:$0x3FB7] =	sst s0;
	s0 =	simm.s32 @!p2 $0x0  }
0x16: {  	s3 =	sld [smem:$0x3FDB];
	s0 =	simm.s32 @p2 $0x1  }
0x17: {  	s4 =	simm.s32 $0x1BF5;
	[smem:$0x3FB9] =	sst s0  }
0x18: {  	s0 =	sld [smem:$0x3F9C];
	_ =	swait.ge [sflag:s4], $0x0  }
0x19: {  	s7 =	sld [smem:$0x3F9D]  }
0x1a: {  	s8 =	sadd.s32 $0xFFFFE003, lr  }
0x1b: {  	s9 =	sadd.s32 $0xFFFFFEF7, lr;
	s5 =	simm.s32 $0xFFFFFFFF;
	p2 =	slt.u32 s8, $0xFFFFF086  }
0x1c: {  	p1 =	slt.u32 s9, $0xF7A;
	s5 =	simm.s32 @!p2 $0x0  }
0x1d: {  	s5 =	simm.s32 @p1 $0x1;
	p0 =	seq.s32 s7, s2  }
0x1e: {  	s7 =	smul.u32 @!p0 $0xF7A, s2;
	p2 =	seq.s32 @!p0 s5, $0x0  }
0x1f: {  	s9 =	smul.u32 $0xF7A, s1;
	s8 =	simm.s32 @!p0 $0x1BF5;
	p2 =	por !p2, p0  }
0x20: {  	[sflag:s8] =	ssyncset.s32 @!p0 $0xFFFFF086;
	s6 =	sadd.s32 @!p0 s3, s7;
	s7 =	simm.s32 @!p0 $0x108  }
0x21: {  	s3 =	sadd.s32 s3, s9;
	s6 =	sadd.s32 @!p0 $0x88, s6;
	s7 =	simm.s32 @p2 $0x1082  }
0x22: {  	[simem:s7], [sflag:s8] =	dma.local @!p0 [hbm:s6], $0xF7A  }
0x23: {  	s9 =	sor.u32 $0xD0000000, s2;
	s6 =	simm.s32 $0x108;
	_ =	swait.ge @!p0 [sflag:s8], $0x0  }
0x24: {  	s3 =	sadd.s32 $0x88, s3;
	s6 =	simm.s32 @!p1 $0x1082;
	[sflag:s4] =	ssyncset.s32 $0xFFFFF086  }
0x25: {  	[simem:s6], [sflag:s4] =	dma.local [hbm:s3], $0xF7A  }
0x26: {  	[smem:$0x3F9D] =	sst s1;
	(tag) =	ssettag s2;
	_ =	strace s9  }
0x27: {  	s1 =	sld [smem:$0x3FAD]  }
0x28: {  	s2 =	sld [smem:$0x3FAE]  }
0x29: {  	s4 =	sld [smem:$0x3FB0]  }
0x2a: {  	p0 =	seq.s32 s5, $0x0;
	s5 =	sld [smem:$0x3FB1]  }
0x2b: {  	s6 =	sld [smem:$0x3FB2]  }
0x2c: {  	s7 =	sld [smem:$0x3FB3]  }
0x2d: {  	s3 =	simm.s32 $0x108;
	s8 =	sld [smem:$0x3FB4]  }
0x2e: {  	s3 =	simm.s32 @!p0 $0x1082;
	s9 =	sld [smem:$0x3FB5]  }
0x2f: {  	lr =	sadd.s32 s0, s3;
	s0 =	sld [smem:$0x3FAC]  }
0x30: {  	s3 =	sld [smem:$0x3FAF]  }
0x31: {  	[smem:$0x3FB8] =	sst s10  }
0x32: {  	s10 =	sld [smem:$0x3FB6];
	_ =	sdelay $0x3  }
0x33: {  	p0 =	seq.s32 s10, $0x1;
	s10 =	sld [smem:$0x3FB8];
	_ =	sdelay $0x3  }
0x34: {  	[smem:$0x3FB8] =	sst s10  }
0x35: {  	s10 =	sld [smem:$0x3FB7];
	_ =	sdelay $0x3  }
0x36: {  	p1 =	seq.s32 s10, $0x1;
	s10 =	sld [smem:$0x3FB8];
	_ =	sdelay $0x3  }
0x37: {  	[smem:$0x3FB8] =	sst s10  }
0x38: {  	s10 =	sld [smem:$0x3FB9]  }
0x39: {  	_ = 	snop;
	(pc) =	sbr.ind lr, $3  }
0x3a: {  	_ = 	snop  }
0x3b: {  	_ = 	snop  }
0x3c: {  	p2 =	seq.s32 s10, $0x1;
	s10 =	sld [smem:$0x3FB8]  }
0x3d: {  	_ =	shalt  }
0x3e: {  	_ =	shalt  }
0x3f: {  	_ =	shalt  }
0x40: {  	_ =	shalt  }
0x41: {  	_ =	shalt  }
0x42: {  	_ =	shalt  }
0x43: {  	_ =	shalt  }
0x44: {  	_ =	shalt  }
0x45: {  	_ =	shalt  }
0x46: {  	_ =	shalt  }
0x47: {  	_ =	shalt  }
0x48: {  	_ =	shalt  }
0x49: {  	_ =	shalt  }
0x4a: {  	_ =	shalt  }
0x4b: {  	_ =	shalt  }
0x4c: {  	_ =	shalt  }
0x4d: {  	_ =	shalt  }
0x4e: {  	_ =	shalt  }
0x4f: {  	_ =	shalt  }
0x50: {  	_ =	shalt  }
0x51: {  	_ =	shalt  }
0x52: {  	_ =	shalt  }
0x53: {  	_ =	shalt  }
0x54: {  	_ =	shalt  }
0x55: {  	_ =	shalt  }
0x56: {  	_ =	shalt  }
0x57: {  	_ =	shalt  }
0x58: {  	_ =	shalt  }
0x59: {  	_ =	shalt  }
0x5a: {  	_ =	shalt  }
0x5b: {  	_ =	shalt  }
0x5c: {  	_ =	shalt  }
0x5d: {  	_ =	shalt  }
0x5e: {  	_ =	shalt  }
0x5f: {  	_ =	shalt  }
0x60: {  	_ =	shalt  }
0x61: {  	_ =	shalt  }
0x62: {  	_ =	shalt  }
0x63: {  	_ =	shalt  }
0x64: {  	_ =	shalt  }
0x65: {  	_ =	shalt  }
0x66: {  	_ =	shalt  }
0x67: {  	_ =	shalt  }
0x68: {  	_ =	shalt  }
0x69: {  	_ =	shalt  }
0x6a: {  	_ =	shalt  }
0x6b: {  	_ =	shalt  }
0x6c: {  	_ =	shalt  }
0x6d: {  	_ =	shalt  }
0x6e: {  	_ =	shalt  }
0x6f: {  	_ =	shalt  }
0x70: {  	_ =	shalt  }
0x71: {  	_ =	shalt  }
0x72: {  	_ =	shalt  }
0x73: {  	_ =	shalt  }
0x74: {  	_ =	shalt  }
0x75: {  	_ =	shalt  }
0x76: {  	_ =	shalt  }
0x77: {  	_ =	shalt  }
0x78: {  	_ =	shalt  }
0x79: {  	_ =	shalt  }
0x7a: {  	_ =	shalt  }
0x7b: {  	_ =	shalt  }
0x7c: {  	_ =	shalt  }
0x7d: {  	_ =	shalt  }
0x7e: {  	_ =	shalt  }
0x7f: {  	_ =	shalt  }
0x80: {  	_ =	shalt  }
0x81: {  	_ =	shalt  }
0x82: {  	_ =	shalt  }
0x83: {  	_ =	shalt  }
0x84: {  	_ =	shalt  }
0x85: {  	_ =	shalt  }
0x86: {  	_ =	shalt  }
0x87: {  	_ =	shalt  }
.Lfunc_end0:
.L_simem_size_0:
called_computation_lowered:
.L_overlay_start_0:
0x88: {  	s2 =	sld [smem:$0x3FD9]  }
0x89: {  	s3 =	sld [smem:$0x3FFE];
	_ =	sdelay $0x1  }
0x8a: {  	s1 =	srdreg.scid  }
0x8b: {  	s0 =	sand.u32 $0x1, s1  }
0x8c: {  	s17 =	sshll.u32 s0, $0xA;
	s2 =	sadd.s32 s3, s2  }
0x8d: {  	s2 =	sadd.s32 s2, s17  }
0x8e: {  	[smem:$0x3FC4] =	sst s2  }
0x8f: {  	_ = 	snop  }
0x90: {  	s2 =	sld [smem:$0x3FD0];
	(tm) =	ssettm $0x1  }
0x91: {  	s18 =	sld [smem:$0x3FFB];
	_ =	sdelay $0x3  }
0x92: {  	_ =	strace s18  }
0x93: {  	s3 =	sld [smem:$0x3FFC];
	_ =	sdelay $0x3  }
0x94: {  	_ =	strace s3  }
0x95: {  	s3 =	sld [smem:$0x3FFD];
	_ =	sdelay $0x3  }
0x96: {  	_ =	strace s3  }
0x97: {  	_ =	strace $0x8FFFFFFF  }
0x98: {  	s19 =	sld [smem:$0x3FDB];
	_ =	sdelay $0x1  }
0x99: {  	s4 =	simm.s32 $_scs_section_size  }
0x9a: {  	s5 =	simm.s32 $_size__tile_overlayer_lowered;
	s6 =	simm.s32 $_tile_overlayer_lowered  }
0x9b: {  	s22 =	simm.s32 $0x1BFF;
	s21 =	sshll.u32 s6, $0x1;
	s3 =	sadd.s32 s4, s19  }
0x9c: {  	s7 =	simm.s32 $0x0;
	s20 =	sshll.u32 s5, $0x1;
	s5 =	sadd.s32 s21, s3  }
0x9d: {  	[timem:s7], [sflag:s22] =	dma.local [hbm:s5], s20  }
0x9e: {  	_ =	swait.ge [sflag:s22], s20  }
0x9f: {  	s4 =	ssub.s32 $0x0, s20;
	[sflag:s22] =	ssyncset.done $0x0  }
0xa0: {  	[sflag:s22] =	ssyncadd.s32 s4;
	_ =	sdelay $0x1  }
0xa1: {  	s23 =	simm.s32 $0x1B8B  }
0xa2: {  	_ =	swait.ge [sflag:s23], $0x1  }
0xa3: {  	[sflag:s23] =	ssyncset.done $0x0  }
0xa4: {  	s25 =	simm.s32 $0x1B8E;
	s24 =	sld [smem:$0x3FFE];
	[sflag:s23] =	ssyncadd.s32 $0xFFFFFFFF  }
0xa5: {  	s26 =	simm.s32 $execute0_lowered;
	[smem:$0x3FD2] =	sst s25  }
0xa6: {  	s5 =	sshll.u32 s26, $0x1;
	_ =	strace $0x80000046;
	[dreg:$0x1] =	wrdreg $0xFFFFFFFF  }
0xa7: {  	s28 =	simm.s32 $_size_execute0_lowered;
	s3 =	sadd.s32 s3, s5;
	[dreg:$0x0] =	wrdreg $0x0  }
0xa8: {  	s5 =	sshll.u32 s28, $0x1;
	[dreg:$0x2] =	wrdreg s3  }
0xa9: {  	[dreg:$0x3] =	wrdreg s5  }
0xaa: {  	[dreg:$0x4] =	wrdreg $0xC0  }
0xab: {  	_ =	task [dreg:s7], $0x5FFFF  }
0xac: {  	[dreg:$0x1] =	wrdreg $0xFFFFFFFF  }
0xad: {  	[dreg:$0x0] =	wrdreg $0x60  }
0xae: {  	[dreg:$0x2] =	wrdreg s2  }
0xaf: {  	[dreg:$0x3] =	wrdreg s24  }
0xb0: {  	[dreg:$0x4] =	wrdreg $0x2B800  }
0xb1: {  	[dreg:$0x5] =	wrdreg $0x9  }
0xb2: {  	_ =	task.clear_ibuf [dreg:s7], $0x6FFFF;
	_ =	strace $0x90000046  }
0xb3: {  	s29 =	simm.s32 $0x9;
	_ =	strace $0x80000048  }
0xb4: {  	_ =	swait.ge [sflag:s29], $0x1  }
0xb5: {  	[sflag:s29] =	ssyncadd.s32 $0xFFFFFFFF  }
0xb6: {  	_ =	strace $0x90000048  }
0xb7: {  	_ =	sfence  }
0xb8: {  	s30 =	sld [smem:$0x0];
	_ =	sdelay $0x2  }
0xb9: {  	s31 =	sshll.u32 s1, $0xD;
	s1 =	sshrl.u32 s1, $0x2  }
0xba: {  	s3 =	sand.u32 $0x4000, s31;
	s1 =	sadd.s32 s1, s30  }
0xbb: {  	s0 =	sor.u32 s3, s0;
	s1 =	sshll.u32 s1, $0x11  }
0xbc: {  	s0 =	sor.u32 s1, s0  }
0xbd: {  	s0 =	sadd.s32 $0x8F2B, s0  }
0xbe: {  	[sflag:s0] =	ssyncadd.remote.s32 $0x1  }
0xbf: {  	_ =	sfence.sel $0xFFFF  }
0xc0: {  	[dreg:$0x0] =	wrdreg $0xFFFFFFFF;
	(pc) =	sbr.abs _section_cstart, $3  }
0xc1: {  	[dreg:$0x1] =	wrdreg $0xFFFFFFFF  }
0xc2: {  	_ =	task.clear_ibuf [dreg:s7], $0x2FFFF;
	_ =	strace $0x9FFFFFFF  }
0xc3: {  	(tm) =	ssettm $0x7FFFFFFF  }
tec
execute0_lowered:
.L_overlay_start_1:
0x0: {  	(tag) =	ssettag $0x1  }
0x1: {  	s7 =	rddreg [dreg:$0x0]  }
0x2: {  	s6 =	rddreg [dreg:$0x1];
	s1 =	srdreg.scid  }
0x3: {  	s0 =	stileid.u32;
	s2 =	rddreg [dreg:$0x2]  }
0x4: {  	s3 =	simm.s32 $0x0;
	s15 =	simm.s32 $0x80;
	s16 =	simm.s32 $0x1  }
0x5: {  	s8 =	sand.u32 $0x1, s1;
	s9 =	smul.u32 $0x1400, s0;
	s1 =	rddreg [dreg:$0x3]  }
0x6: {  	s17 =	simm.s32 $0x0;
	[smem:$0x7FF] =	sst s3;
	s12 =	smul.u32 $0x4E, s0  }
0x7: {  	s4 =	sadd.s32 $0x1C00, s6;
	s5 =	sadd.s32 $0x1800, s6;
	s28 =	smin.u32 s0, $0x2  }
0x8: {  	p0 =	slt.u32 s0, $0x2;
	s31 =	sshll.u32 s0, $0x6;
	s10 =	smul.u32 $0x14000, s8  }
0x9: {  	s11 =	smul.u32 $0x4E2, s8;
	_ =	strace $0x80000047;
	s8 =	ssub.s32 $0x2, s8  }
0xa: {  	s13 =	sshrl.u32 s8, $0x1;
	s14 =	sadd.s32 s9, s2;
	s10 =	sadd.s32 s9, s10  }
0xb: {  	s11 =	sadd.s32 s12, s11;
	s29 =	ssub.s32 s8, s13;
	s12 =	simm.s32 $0x2  }
0xc: {  	s13 =	sor.u32 $0x1C02, s31;
	s10 =	sshrl.u32 s10, $0x3;
	s11 =	sadd.s32 s28, s11  }
0xd: {  	s14 =	sshrl.u32 s14, $0x3;
	s10 =	sadd.s32 s10, s6;
	s30 =	sshll.u32 s11, $0x4  }
0xe: {  	s6 =	simm.s32 $0x7;
	s11 =	simm.s32 $0x2780;
	s8 =	sadd.s32 s7, s30  }
0xf: {  	s6 =	simm.s32 @!p0 $0x6;
	s9 =	sadd.s32 $0x1E00, s10;
	s10 =	smax.u32 s29, $0x1  }
0x10: {  	p0 =	sgt.u32 s0, $0x1;
	s7 =	sadd.s32 $0x9C40, s8;
	s8 =	sadd.s32 $0xA120, s8  }
.LBB2_1:
0x11: {  	[tilespmem:s11], [sflag:$0x2] =	stream.linear.gather [hbm4b:s4+s3], $0x400, $0x38;
	[tilespmem:$0x3F80] =	vst v63  }
0x12: {  	_ =	swait.ge [sflag:s12], $0x400  }
0x13: {  	[sflag:s12] =	ssyncset.done $0x0  }
0x14: {  	[sflag:s12] =	ssyncadd.s32 $0xFFFFFC00  }
0x15: {  	[spmem:s14], [sflag:s13] =	dma.local [hbm:s5], $0x280  }
0x16: {  	_ =	swait.ge [sflag:s12], $0x280  }
0x17: {  	[sflag:s12] =	ssyncset.done $0x0  }
0x18: {  	[sflag:s12] =	ssyncadd.s32 $0xFFFFFD80  }
0x19: {  	[bflag:$0x0] =	sbarrier.arrive $0xFFFF  }
0x1a: {  	[tilespmem:s3], [sflag:$0x2] =	stream.linear.gather [hbm4b:s7+s3], $0x2700, $0x38;
	[tilespmem:$0x3F80] =	vst v63  }
0x1b: {  	_ =	swait.ge [sflag:s12], $0x2700  }
0x1c: {  	[sflag:s12] =	ssyncset.done $0x0  }
0x1d: {  	s18 =	simm.s32 @!p0 $0x0;
	s19 =	simm.s32 @!p0 $0x2700;
	[sflag:s12] =	ssyncadd.s32 $0xFFFFD900  }
0x1e: {  	[tilespmem:s19], [sflag:$0x2] =	stream.linear.gather @!p0 [hbm4b:s8+s18], $0x80, $0x38;
	[tilespmem:$0x3F80] =	vst v63  }
0x1f: {  	s18 =	simm.s32 @!p0 $0x2  }
0x20: {  	_ =	swait.ge @!p0 [sflag:s18], $0x80  }
0x21: {  	[sflag:s18] =	ssyncset.done @!p0 $0x0  }
0x22: {  	s23 =	simm.s32 $0x0;
	[sflag:s18] =	ssyncadd.s32 @!p0 $0xFFFFFF80  }
0x23: {  	[spmem:s2] =	stream.indirect.scatter.add.f32 [tilespmem:s11], [sflag:$0x1], $0x8, s23, s15, $0xb8;
	[tilespmem:$0x3F80] =	vst v63  }
0x24: {  	s24 =	simm.s32 $0x80  }
0x25: {  	[spmem:s2] =	stream.indirect.scatter.add.f32 [tilespmem:s11], [sflag:$0x1], $0x8, s24, s15, $0xb8;
	[tilespmem:$0x3F80] =	vst v63  }
0x26: {  	s25 =	simm.s32 $0x100  }
0x27: {  	[spmem:s2] =	stream.indirect.scatter.add.f32 [tilespmem:s11], [sflag:$0x1], $0x8, s25, s15, $0xb8;
	[tilespmem:$0x3F80] =	vst v63  }
0x28: {  	s26 =	simm.s32 $0x180  }
0x29: {  	[spmem:s2] =	stream.indirect.scatter.add.f32 [tilespmem:s11], [sflag:$0x1], $0x8, s26, s15, $0xb8;
	[tilespmem:$0x3F80] =	vst v63  }
0x2a: {  	s28 =	simm.s32 $0x200  }
0x2b: {  	[spmem:s2] =	stream.indirect.scatter.add.f32 [tilespmem:s11], [sflag:$0x1], $0x8, s28, s15, $0xb8;
	[tilespmem:$0x3F80] =	vst v63  }
0x2c: {  	s29 =	simm.s32 $0x280  }
0x2d: {  	[spmem:s2] =	stream.indirect.scatter.add.f32 [tilespmem:s11], [sflag:$0x1], $0x8, s29, s15, $0xb8;
	[tilespmem:$0x3F80] =	vst v63  }
0x2e: {  	s30 =	simm.s32 $0x300  }
0x2f: {  	[spmem:s2] =	stream.indirect.scatter.add.f32 [tilespmem:s11], [sflag:$0x1], $0x8, s30, s15, $0xb8;
	[tilespmem:$0x3F80] =	vst v63  }
0x30: {  	s31 =	simm.s32 $0x380  }
0x31: {  	[spmem:s2] =	stream.indirect.scatter.add.f32 [tilespmem:s11], [sflag:$0x1], $0x8, s31, s15, $0xb8;
	[tilespmem:$0x3F80] =	vst v63  }
0x32: {  	_ =	swait.ge [sflag:s16], $0x400  }
0x33: {  	[sflag:s16] =	ssyncset.done $0x0  }
0x34: {  	[sflag:s16] =	ssyncadd.s32 $0xFFFFFC00  }
0x35: {  	_ =	swait.ge [sflag:s16], $0x400  }
0x36: {  	[sflag:s16] =	ssyncset.done $0x0  }
0x37: {  	[sflag:s16] =	ssyncadd.s32 $0xFFFFFC00  }
0x38: {  	_ =	swait.ge [sflag:s16], $0x400  }
0x39: {  	[sflag:s16] =	ssyncset.done $0x0  }
0x3a: {  	[sflag:s16] =	ssyncadd.s32 $0xFFFFFC00  }
0x3b: {  	_ =	swait.ge [sflag:s16], $0x400  }
0x3c: {  	[sflag:s16] =	ssyncset.done $0x0  }
0x3d: {  	[sflag:s16] =	ssyncadd.s32 $0xFFFFFC00  }
0x3e: {  	_ =	swait.ge [sflag:s16], $0x400  }
0x3f: {  	[sflag:s16] =	ssyncset.done $0x0  }
0x40: {  	[sflag:s16] =	ssyncadd.s32 $0xFFFFFC00  }
0x41: {  	_ =	swait.ge [sflag:s16], $0x400  }
0x42: {  	[sflag:s16] =	ssyncset.done $0x0  }
0x43: {  	[sflag:s16] =	ssyncadd.s32 $0xFFFFFC00  }
0x44: {  	_ =	swait.ge [sflag:s16], $0x400  }
0x45: {  	[sflag:s16] =	ssyncset.done $0x0  }
0x46: {  	[sflag:s16] =	ssyncadd.s32 $0xFFFFFC00  }
0x47: {  	_ =	swait.ge [sflag:s16], $0x400  }
0x48: {  	s20 =	simm.s32 $0x2000;
	s18 =	simm.s32 $0x1000;
	[sflag:s16] =	ssyncset.done $0x0  }
.LBB2_2:
0x49: {  	s21 =	sshra.s32 s18, $0x2  }
0x4a: {  	[sflag:s16] =	ssyncadd.s32 $0xFFFFFC00;
	s18 =	smov.u32 s20;
	s19 =	sadd.s32 $0x1000, s20  }
0x4b: {  	[spmem:s2] =	stream.indirect.scatter.add.f32 [tilespmem:s11], [sflag:$0x1], $0x8, s21, s15, $0xb8;
	[tilespmem:$0x3F80] =	vst v63  }
0x4c: {  	p1 =	sne.s32 s20, $0x8000;
	s20 =	sadd.s32 $0x80, s21  }
0x4d: {  	[spmem:s2] =	stream.indirect.scatter.add.f32 [tilespmem:s11], [sflag:$0x1], $0x8, s20, s15, $0xb8;
	[tilespmem:$0x3F80] =	vst v63  }
0x4e: {  	s20 =	sadd.s32 $0x100, s21  }
0x4f: {  	[spmem:s2] =	stream.indirect.scatter.add.f32 [tilespmem:s11], [sflag:$0x1], $0x8, s20, s15, $0xb8;
	[tilespmem:$0x3F80] =	vst v63  }
0x50: {  	s20 =	sadd.s32 $0x180, s21  }
0x51: {  	[spmem:s2] =	stream.indirect.scatter.add.f32 [tilespmem:s11], [sflag:$0x1], $0x8, s20, s15, $0xb8;
	[tilespmem:$0x3F80] =	vst v63  }
0x52: {  	s20 =	sadd.s32 $0x200, s21  }
0x53: {  	[spmem:s2] =	stream.indirect.scatter.add.f32 [tilespmem:s11], [sflag:$0x1], $0x8, s20, s15, $0xb8;
	[tilespmem:$0x3F80] =	vst v63  }
0x54: {  	s20 =	sadd.s32 $0x280, s21  }
0x55: {  	[spmem:s2] =	stream.indirect.scatter.add.f32 [tilespmem:s11], [sflag:$0x1], $0x8, s20, s15, $0xb8;
	[tilespmem:$0x3F80] =	vst v63  }
0x56: {  	s20 =	sadd.s32 $0x300, s21  }
0x57: {  	[spmem:s2] =	stream.indirect.scatter.add.f32 [tilespmem:s11], [sflag:$0x1], $0x8, s20, s15, $0xb8;
	[tilespmem:$0x3F80] =	vst v63  }
0x58: {  	s20 =	sadd.s32 $0x380, s21  }
0x59: {  	[spmem:s2] =	stream.indirect.scatter.add.f32 [tilespmem:s11], [sflag:$0x1], $0x8, s20, s15, $0xb8;
	[tilespmem:$0x3F80] =	vst v63  }
0x5a: {  	_ =	swait.ge [sflag:s16], $0x400  }
0x5b: {  	[sflag:s16] =	ssyncset.done $0x0  }
0x5c: {  	[sflag:s16] =	ssyncadd.s32 $0xFFFFFC00  }
0x5d: {  	_ =	swait.ge [sflag:s16], $0x400  }
0x5e: {  	[sflag:s16] =	ssyncset.done $0x0  }
0x5f: {  	[sflag:s16] =	ssyncadd.s32 $0xFFFFFC00  }
0x60: {  	_ =	swait.ge [sflag:s16], $0x400  }
0x61: {  	[sflag:s16] =	ssyncset.done $0x0  }
0x62: {  	[sflag:s16] =	ssyncadd.s32 $0xFFFFFC00  }
0x63: {  	_ =	swait.ge [sflag:s16], $0x400  }
0x64: {  	[sflag:s16] =	ssyncset.done $0x0  }
0x65: {  	[sflag:s16] =	ssyncadd.s32 $0xFFFFFC00  }
0x66: {  	_ =	swait.ge [sflag:s16], $0x400  }
0x67: {  	[sflag:s16] =	ssyncset.done $0x0  }
0x68: {  	[sflag:s16] =	ssyncadd.s32 $0xFFFFFC00  }
0x69: {  	_ =	swait.ge [sflag:s16], $0x400  }
0x6a: {  	[sflag:s16] =	ssyncset.done $0x0  }
0x6b: {  	[sflag:s16] =	ssyncadd.s32 $0xFFFFFC00  }
.Ltmp0:
0x6c: {  	_ =	swait.ge [sflag:s16], $0x400;
	(pc) =	sbr.rel @p1 .LBB2_2-.Ltmp0, $4  }
0x6d: {  	[sflag:s16] =	ssyncset.done $0x0  }
0x6e: {  	[sflag:s16] =	ssyncadd.s32 $0xFFFFFC00  }
0x6f: {  	_ =	swait.ge [sflag:s16], $0x400  }
0x70: {  	s20 =	smov.u32 s19;
	[sflag:s16] =	ssyncset.done $0x0  }
0x71: {  	s18 =	sshra.s32 s18, $0x2;
	[sflag:s16] =	ssyncadd.s32 $0xFFFFFC00  }
0x72: {  	[spmem:s2] =	stream.indirect.scatter.add.f32 [tilespmem:s11], [sflag:$0x1], $0x8, s18, s15, $0xb8;
	[tilespmem:$0x3F80] =	vst v63  }
0x73: {  	s19 =	sadd.s32 $0x80, s18  }
0x74: {  	[spmem:s2] =	stream.indirect.scatter.add.f32 [tilespmem:s11], [sflag:$0x1], $0x8, s19, s15, $0xb8;
	[tilespmem:$0x3F80] =	vst v63  }
0x75: {  	s26 =	sadd.s32 $0x100, s18  }
0x76: {  	[spmem:s2] =	stream.indirect.scatter.add.f32 [tilespmem:s11], [sflag:$0x1], $0x8, s26, s15, $0xb8;
	[tilespmem:$0x3F80] =	vst v63  }
0x77: {  	s28 =	sadd.s32 $0x180, s18  }
0x78: {  	[spmem:s2] =	stream.indirect.scatter.add.f32 [tilespmem:s11], [sflag:$0x1], $0x8, s28, s15, $0xb8;
	[tilespmem:$0x3F80] =	vst v63  }
0x79: {  	s29 =	sadd.s32 $0x200, s18  }
0x7a: {  	[spmem:s2] =	stream.indirect.scatter.add.f32 [tilespmem:s11], [sflag:$0x1], $0x8, s29, s15, $0xb8;
	[tilespmem:$0x3F80] =	vst v63  }
0x7b: {  	s30 =	sadd.s32 $0x280, s18  }
0x7c: {  	[spmem:s2] =	stream.indirect.scatter.add.f32 [tilespmem:s11], [sflag:$0x1], $0x8, s30, s15, $0xb8;
	[tilespmem:$0x3F80] =	vst v63  }
0x7d: {  	s31 =	sadd.s32 $0x300, s18  }
0x7e: {  	[spmem:s2] =	stream.indirect.scatter.add.f32 [tilespmem:s11], [sflag:$0x1], $0x8, s31, s15, $0xb8;
	[tilespmem:$0x3F80] =	vst v63  }
0x7f: {  	s18 =	sadd.s32 $0x380, s18  }
0x80: {  	[spmem:s2] =	stream.indirect.scatter.add.f32 [tilespmem:s11], [sflag:$0x1], $0x8, s18, s15, $0xb8;
	[tilespmem:$0x3F80] =	vst v63  }
0x81: {  	_ =	swait.ge [sflag:s16], $0x400  }
0x82: {  	[sflag:s16] =	ssyncset.done $0x0  }
0x83: {  	[sflag:s16] =	ssyncadd.s32 $0xFFFFFC00  }
0x84: {  	_ =	swait.ge [sflag:s16], $0x400  }
0x85: {  	[sflag:s16] =	ssyncset.done $0x0  }
0x86: {  	[sflag:s16] =	ssyncadd.s32 $0xFFFFFC00  }
0x87: {  	_ =	swait.ge [sflag:s16], $0x400  }
0x88: {  	[sflag:s16] =	ssyncset.done $0x0  }
0x89: {  	[sflag:s16] =	ssyncadd.s32 $0xFFFFFC00  }
0x8a: {  	_ =	swait.ge [sflag:s16], $0x400  }
0x8b: {  	[sflag:s16] =	ssyncset.done $0x0  }
0x8c: {  	[sflag:s16] =	ssyncadd.s32 $0xFFFFFC00  }
0x8d: {  	_ =	swait.ge [sflag:s16], $0x400  }
0x8e: {  	[sflag:s16] =	ssyncset.done $0x0  }
0x8f: {  	[sflag:s16] =	ssyncadd.s32 $0xFFFFFC00  }
0x90: {  	_ =	swait.ge [sflag:s16], $0x400  }
0x91: {  	[sflag:s16] =	ssyncset.done $0x0  }
0x92: {  	[sflag:s16] =	ssyncadd.s32 $0xFFFFFC00  }
0x93: {  	_ =	swait.ge [sflag:s16], $0x400  }
0x94: {  	[sflag:s16] =	ssyncset.done $0x0  }
0x95: {  	[sflag:s16] =	ssyncadd.s32 $0xFFFFFC00  }
0x96: {  	p1 =	sne.s32 s6, $0x1;
	_ =	swait.ge [sflag:s16], $0x400  }
.Ltmp1:
0x97: {  	[sflag:s16] =	ssyncset.done $0x0;
	(pc) =	sbr.rel @!p1 .LBB2_5-.Ltmp1, $4  }
0x98: {  	s18 =	simm.s32 $0x2400;
	[sflag:s16] =	ssyncadd.s32 $0xFFFFFC00  }
0x99: {  	[spmem:s2] =	stream.indirect.scatter.add.f32 [tilespmem:s11], [sflag:$0x2], $0x8, s18, s15, $0xb8;
	[tilespmem:$0x3F80] =	vst v63  }
0x9a: {  	_ =	swait.ge [sflag:s12], $0x400  }
0x9b: {  	s19 =	sadd.s32 $0xFFFFFFFF, s6;
	[sflag:s12] =	ssyncset.done $0x0  }
.LBB2_4:
0x9c: {  	p1 =	sne.s32 s19, $0x1;
	[sflag:s12] =	ssyncadd.s32 $0xFFFFFC00;
	s18 =	sadd.s32 $0x80, s18  }
.Ltmp2:
0x9d: {  	s19 =	sadd.s32 $0xFFFFFFFF, s19;
	(pc) =	sbr.rel @p1 .LBB2_4-.Ltmp2, $4  }
0x9e: {  	_ = 	snop  }
0x9f: {  	[spmem:s2] =	stream.indirect.scatter.add.f32 [tilespmem:s11], [sflag:$0x2], $0x8, s18, s15, $0xb8;
	[tilespmem:$0x3F80] =	vst v63  }
0xa0: {  	_ =	swait.ge [sflag:s12], $0x400  }
0xa1: {  	[sflag:s12] =	ssyncset.done $0x0  }
.LBB2_5:
0xa2: {  	s17 =	sadd.s32 $0x1, s17  }
0xa3: {  	[sflag:s12] =	ssyncadd.s32 $0xFFFFFC00;
	p1 =	sne.s32 s17, s10  }
.Ltmp3:
0xa4: {  	[bflag:$0x0] =	sbarrier.arrive $0xFFFF;
	(pc) =	sbr.rel @p1 .LBB2_1-.Ltmp3, $4  }
0xa5: {  	[hbm:s9], [sflag:s13] =	dma.local [spmem:s14], $0x280  }
0xa6: {  	_ =	swait.ge [sflag:s12], $0x280  }
0xa7: {  	[sflag:s12] =	ssyncset.done $0x0  }
0xa8: {  	[sflag:s12] =	ssyncadd.s32 $0xFFFFFD80  }
0xa9: {  	_ =	sfence.sel $0x180000  }
0xaa: {  	[bflag:$0x0] =	sbarrier.arrive $0xFFFF  }
0xab: {  	p0 =	sne.s32 s0, $0x0;
	_ =	strace $0x90000047  }
0xac: {  	s0 =	sadd.s32 @!p0 $0x100000, s1;
	[bflag:$0x2] =	sbarrier.arrive $0xFFFF  }
0xad: {  	[sflag:s0] =	ssyncadd.tile.s32 @!p0 $0x1;
	_ =	shalt  }
.Lfunc_end2:
_tile_overlayer_lowered:
.L_overlay_start_2:
0xae: {  	(tag) =	ssettag $0x2  }
0xaf: {  	s0 =	rddreg [dreg:$0x0];
	s2 =	stileid.u32  }
0xb0: {  	s1 =	rddreg [dreg:$0x1];
	p0 =	sne.s32 s2, $0x0  }
0xb1: {  	s3 =	rddreg [dreg:$0x2];
	[bflag:$0x3] =	sbarrier.arrive $0xFFFF;
	s2 =	simm.s32 @!p0 $0x1C02  }
0xb2: {  	[timem:s3], [sflag:s2] =	dma.local @!p0 [hbm:s0], s1  }
0xb3: {  	s0 =	simm.s32 @!p0 $0x2  }
0xb4: {  	_ =	swait.ge @!p0 [sflag:s0], s1  }
0xb5: {  	s1 =	ssub.s32 @!p0 $0x0, s1;
	[sflag:s0] =	ssyncset.done @!p0 $0x0  }
0xb6: {  	[sflag:s0] =	ssyncadd.s32 @!p0 s1  }
0xb7: {  	[bflag:$0x3] =	sbarrier.arrive $0xFFFF  }
0xb8: {  	_ =	shalt  }

// kernel: kernel.9.cloned.1.call-start
scs
__scs_entry_jumppad:
0x0: {  	(pc) =	sbr.rel $0x88, $3  }
0x1: {  	(tag) =	ssettag $0x0;
	lr =	simm.s32 $0x1  }
0x2: {  	[smem:$0x3F9D] =	sst lr;
	_ =	strace $0xD0000000  }
0x3: {  	_ = 	snop  }
0x4: {  	_ = 	snop  }
0x5: {  	_ = 	snop  }
0x6: {  	_ = 	snop  }
0x7: {  	_ = 	snop  }
__scs_overlays_trampoline_lowered:
0x8: {  	[smem:$0x3FAC] =	sst s0  }
0x9: {  	[smem:$0x3FAD] =	sst s1  }
0xa: {  	[smem:$0x3FAE] =	sst s2  }
0xb: {  	[smem:$0x3FAF] =	sst s3  }
0xc: {  	[smem:$0x3FB0] =	sst s4  }
0xd: {  	[smem:$0x3FB1] =	sst s5  }
0xe: {  	[smem:$0x3FB2] =	sst s6  }
0xf: {  	[smem:$0x3FB3] =	sst s7  }
0x10: {  	[smem:$0x3FB4] =	sst s8  }
0x11: {  	[smem:$0x3FB5] =	sst s9;
	s0 =	simm.s32 @!p0 $0x0  }
0x12: {  	s1 =	sld [smem:$0x3F9B];
	s0 =	simm.s32 @p0 $0x1  }
0x13: {  	[smem:$0x3FB6] =	sst s0;
	s0 =	simm.s32 @!p1 $0x0  }
0x14: {  	s2 =	sld [smem:$0x3F9A];
	s0 =	simm.s32 @p1 $0x1  }
0x15: {  	[smem:$0x3FB7] =	sst s0;
	s0 =	simm.s32 @!p2 $0x0  }
0x16: {  	s3 =	sld [smem:$0x3FDB];
	s0 =	simm.s32 @p2 $0x1  }
0x17: {  	s4 =	simm.s32 $0x1BF5;
	[smem:$0x3FB9] =	sst s0  }
0x18: {  	s0 =	sld [smem:$0x3F9C];
	_ =	swait.ge [sflag:s4], $0x0  }
0x19: {  	s7 =	sld [smem:$0x3F9D]  }
0x1a: {  	s8 =	sadd.s32 $0xFFFFE003, lr  }
0x1b: {  	s9 =	sadd.s32 $0xFFFFFEF7, lr;
	s5 =	simm.s32 $0xFFFFFFFF;
	p2 =	slt.u32 s8, $0xFFFFF086  }
0x1c: {  	p1 =	slt.u32 s9, $0xF7A;
	s5 =	simm.s32 @!p2 $0x0  }
0x1d: {  	s5 =	simm.s32 @p1 $0x1;
	p0 =	seq.s32 s7, s2  }
0x1e: {  	s7 =	smul.u32 @!p0 $0xF7A, s2;
	p2 =	seq.s32 @!p0 s5, $0x0  }
0x1f: {  	s9 =	smul.u32 $0xF7A, s1;
	s8 =	simm.s32 @!p0 $0x1BF5;
	p2 =	por !p2, p0  }
0x20: {  	[sflag:s8] =	ssyncset.s32 @!p0 $0xFFFFF086;
	s6 =	sadd.s32 @!p0 s3, s7;
	s7 =	simm.s32 @!p0 $0x108  }
0x21: {  	s3 =	sadd.s32 s3, s9;
	s6 =	sadd.s32 @!p0 $0x88, s6;
	s7 =	simm.s32 @p2 $0x1082  }
0x22: {  	[simem:s7], [sflag:s8] =	dma.local @!p0 [hbm:s6], $0xF7A  }
0x23: {  	s9 =	sor.u32 $0xD0000000, s2;
	s6 =	simm.s32 $0x108;
	_ =	swait.ge @!p0 [sflag:s8], $0x0  }
0x24: {  	s3 =	sadd.s32 $0x88, s3;
	s6 =	simm.s32 @!p1 $0x1082;
	[sflag:s4] =	ssyncset.s32 $0xFFFFF086  }
0x25: {  	[simem:s6], [sflag:s4] =	dma.local [hbm:s3], $0xF7A  }
0x26: {  	[smem:$0x3F9D] =	sst s1;
	(tag) =	ssettag s2;
	_ =	strace s9  }
0x27: {  	s1 =	sld [smem:$0x3FAD]  }
0x28: {  	s2 =	sld [smem:$0x3FAE]  }
0x29: {  	s4 =	sld [smem:$0x3FB0]  }
0x2a: {  	p0 =	seq.s32 s5, $0x0;
	s5 =	sld [smem:$0x3FB1]  }
0x2b: {  	s6 =	sld [smem:$0x3FB2]  }
0x2c: {  	s7 =	sld [smem:$0x3FB3]  }
0x2d: {  	s3 =	simm.s32 $0x108;
	s8 =	sld [smem:$0x3FB4]  }
0x2e: {  	s3 =	simm.s32 @!p0 $0x1082;
	s9 =	sld [smem:$0x3FB5]  }
0x2f: {  	lr =	sadd.s32 s0, s3;
	s0 =	sld [smem:$0x3FAC]  }
0x30: {  	s3 =	sld [smem:$0x3FAF]  }
0x31: {  	[smem:$0x3FB8] =	sst s10  }
0x32: {  	s10 =	sld [smem:$0x3FB6];
	_ =	sdelay $0x3  }
0x33: {  	p0 =	seq.s32 s10, $0x1;
	s10 =	sld [smem:$0x3FB8];
	_ =	sdelay $0x3  }
0x34: {  	[smem:$0x3FB8] =	sst s10  }
0x35: {  	s10 =	sld [smem:$0x3FB7];
	_ =	sdelay $0x3  }
0x36: {  	p1 =	seq.s32 s10, $0x1;
	s10 =	sld [smem:$0x3FB8];
	_ =	sdelay $0x3  }
0x37: {  	[smem:$0x3FB8] =	sst s10  }
0x38: {  	s10 =	sld [smem:$0x3FB9]  }
0x39: {  	_ = 	snop;
	(pc) =	sbr.ind lr, $3  }
0x3a: {  	_ = 	snop  }
0x3b: {  	_ = 	snop  }
0x3c: {  	p2 =	seq.s32 s10, $0x1;
	s10 =	sld [smem:$0x3FB8]  }
0x3d: {  	_ =	shalt  }
0x3e: {  	_ =	shalt  }
0x3f: {  	_ =	shalt  }
0x40: {  	_ =	shalt  }
0x41: {  	_ =	shalt  }
0x42: {  	_ =	shalt  }
0x43: {  	_ =	shalt  }
0x44: {  	_ =	shalt  }
0x45: {  	_ =	shalt  }
0x46: {  	_ =	shalt  }
0x47: {  	_ =	shalt  }
0x48: {  	_ =	shalt  }
0x49: {  	_ =	shalt  }
0x4a: {  	_ =	shalt  }
0x4b: {  	_ =	shalt  }
0x4c: {  	_ =	shalt  }
0x4d: {  	_ =	shalt  }
0x4e: {  	_ =	shalt  }
0x4f: {  	_ =	shalt  }
0x50: {  	_ =	shalt  }
0x51: {  	_ =	shalt  }
0x52: {  	_ =	shalt  }
0x53: {  	_ =	shalt  }
0x54: {  	_ =	shalt  }
0x55: {  	_ =	shalt  }
0x56: {  	_ =	shalt  }
0x57: {  	_ =	shalt  }
0x58: {  	_ =	shalt  }
0x59: {  	_ =	shalt  }
0x5a: {  	_ =	shalt  }
0x5b: {  	_ =	shalt  }
0x5c: {  	_ =	shalt  }
0x5d: {  	_ =	shalt  }
0x5e: {  	_ =	shalt  }
0x5f: {  	_ =	shalt  }
0x60: {  	_ =	shalt  }
0x61: {  	_ =	shalt  }
0x62: {  	_ =	shalt  }
0x63: {  	_ =	shalt  }
0x64: {  	_ =	shalt  }
0x65: {  	_ =	shalt  }
0x66: {  	_ =	shalt  }
0x67: {  	_ =	shalt  }
0x68: {  	_ =	shalt  }
0x69: {  	_ =	shalt  }
0x6a: {  	_ =	shalt  }
0x6b: {  	_ =	shalt  }
0x6c: {  	_ =	shalt  }
0x6d: {  	_ =	shalt  }
0x6e: {  	_ =	shalt  }
0x6f: {  	_ =	shalt  }
0x70: {  	_ =	shalt  }
0x71: {  	_ =	shalt  }
0x72: {  	_ =	shalt  }
0x73: {  	_ =	shalt  }
0x74: {  	_ =	shalt  }
0x75: {  	_ =	shalt  }
0x76: {  	_ =	shalt  }
0x77: {  	_ =	shalt  }
0x78: {  	_ =	shalt  }
0x79: {  	_ =	shalt  }
0x7a: {  	_ =	shalt  }
0x7b: {  	_ =	shalt  }
0x7c: {  	_ =	shalt  }
0x7d: {  	_ =	shalt  }
0x7e: {  	_ =	shalt  }
0x7f: {  	_ =	shalt  }
0x80: {  	_ =	shalt  }
0x81: {  	_ =	shalt  }
0x82: {  	_ =	shalt  }
0x83: {  	_ =	shalt  }
0x84: {  	_ =	shalt  }
0x85: {  	_ =	shalt  }
0x86: {  	_ =	shalt  }
0x87: {  	_ =	shalt  }
.Lfunc_end0:
.L_simem_size_0:
called_computation.1_lowered:
.L_overlay_start_0:
0x88: {  	s2 =	sld [smem:$0x3FD9]  }
0x89: {  	s3 =	sld [smem:$0x3FFE];
	_ =	sdelay $0x1  }
0x8a: {  	s1 =	srdreg.scid  }
0x8b: {  	s0 =	sand.u32 $0x1, s1  }
0x8c: {  	s17 =	sshll.u32 s0, $0xA;
	s2 =	sadd.s32 s3, s2  }
0x8d: {  	s2 =	sadd.s32 s2, s17  }
0x8e: {  	[smem:$0x3FC4] =	sst s2  }
0x8f: {  	_ = 	snop  }
0x90: {  	s2 =	sld [smem:$0x3FD0];
	(tm) =	ssettm $0x1  }
0x91: {  	s18 =	sld [smem:$0x3FFB];
	_ =	sdelay $0x3  }
0x92: {  	_ =	strace s18  }
0x93: {  	s3 =	sld [smem:$0x3FFC];
	_ =	sdelay $0x3  }
0x94: {  	_ =	strace s3  }
0x95: {  	s3 =	sld [smem:$0x3FFD];
	_ =	sdelay $0x3  }
0x96: {  	_ =	strace s3  }
0x97: {  	_ =	strace $0x8FFFFFFF  }
0x98: {  	s19 =	sld [smem:$0x3FDB];
	_ =	sdelay $0x1  }
0x99: {  	s4 =	simm.s32 $_scs_section_size  }
0x9a: {  	s5 =	simm.s32 $_size__tile_overlayer_lowered;
	s6 =	simm.s32 $_tile_overlayer_lowered  }
0x9b: {  	s22 =	simm.s32 $0x1BFF;
	s21 =	sshll.u32 s6, $0x1;
	s3 =	sadd.s32 s4, s19  }
0x9c: {  	s7 =	simm.s32 $0x0;
	s20 =	sshll.u32 s5, $0x1;
	s5 =	sadd.s32 s21, s3  }
0x9d: {  	[timem:s7], [sflag:s22] =	dma.local [hbm:s5], s20  }
0x9e: {  	_ =	swait.ge [sflag:s22], s20  }
0x9f: {  	s4 =	ssub.s32 $0x0, s20;
	[sflag:s22] =	ssyncset.done $0x0  }
0xa0: {  	[sflag:s22] =	ssyncadd.s32 s4;
	_ =	sdelay $0x1  }
0xa1: {  	s23 =	simm.s32 $0x1B8B  }
0xa2: {  	_ =	swait.ge [sflag:s23], $0x1  }
0xa3: {  	[sflag:s23] =	ssyncset.done $0x0  }
0xa4: {  	s25 =	simm.s32 $0x1B8E;
	s24 =	sld [smem:$0x3FFE];
	[sflag:s23] =	ssyncadd.s32 $0xFFFFFFFF  }
0xa5: {  	s26 =	simm.s32 $execute0_lowered;
	[smem:$0x3FD2] =	sst s25  }
0xa6: {  	s5 =	sshll.u32 s26, $0x1;
	_ =	strace $0x80000049;
	[dreg:$0x1] =	wrdreg $0xFFFFFFFF  }
0xa7: {  	s28 =	simm.s32 $_size_execute0_lowered;
	s3 =	sadd.s32 s3, s5;
	[dreg:$0x0] =	wrdreg $0x0  }
0xa8: {  	s5 =	sshll.u32 s28, $0x1;
	[dreg:$0x2] =	wrdreg s3  }
0xa9: {  	[dreg:$0x3] =	wrdreg s5  }
0xaa: {  	[dreg:$0x4] =	wrdreg $0xC0  }
0xab: {  	_ =	task [dreg:s7], $0x5FFFF  }
0xac: {  	[dreg:$0x1] =	wrdreg $0xFFFFFFFF  }
0xad: {  	[dreg:$0x0] =	wrdreg $0x60  }
0xae: {  	[dreg:$0x2] =	wrdreg s24  }
0xaf: {  	[dreg:$0x3] =	wrdreg s2  }
0xb0: {  	[dreg:$0x4] =	wrdreg $0x11D000  }
0xb1: {  	[dreg:$0x5] =	wrdreg $0x9  }
0xb2: {  	_ =	task.clear_ibuf [dreg:s7], $0x6FFFF;
	_ =	strace $0x90000049  }
0xb3: {  	s29 =	simm.s32 $0x9;
	_ =	strace $0x8000004B  }
0xb4: {  	_ =	swait.ge [sflag:s29], $0x1  }
0xb5: {  	[sflag:s29] =	ssyncadd.s32 $0xFFFFFFFF  }
0xb6: {  	_ =	strace $0x9000004B  }
0xb7: {  	_ =	sfence  }
0xb8: {  	s30 =	sld [smem:$0x0];
	_ =	sdelay $0x2  }
0xb9: {  	s31 =	sshll.u32 s1, $0xD;
	s1 =	sshrl.u32 s1, $0x2  }
0xba: {  	s3 =	sand.u32 $0x4000, s31;
	s1 =	sadd.s32 s1, s30  }
0xbb: {  	s0 =	sor.u32 s3, s0;
	s1 =	sshll.u32 s1, $0x11  }
0xbc: {  	s0 =	sor.u32 s1, s0  }
0xbd: {  	s0 =	sadd.s32 $0x8F2B, s0  }
0xbe: {  	[sflag:s0] =	ssyncadd.remote.s32 $0x1  }
0xbf: {  	_ =	sfence.sel $0xFFFF  }
0xc0: {  	[dreg:$0x0] =	wrdreg $0xFFFFFFFF;
	(pc) =	sbr.abs _section_cstart, $3  }
0xc1: {  	[dreg:$0x1] =	wrdreg $0xFFFFFFFF  }
0xc2: {  	_ =	task.clear_ibuf [dreg:s7], $0x2FFFF;
	_ =	strace $0x9FFFFFFF  }
0xc3: {  	(tm) =	ssettm $0x7FFFFFFF  }
tec
execute0_lowered:
.L_overlay_start_1:
0x0: {  	(tag) =	ssettag $0x1  }
0x1: {  	s0 =	rddreg [dreg:$0x0]  }
0x2: {  	s1 =	rddreg [dreg:$0x1]  }
0x3: {  	s2 =	rddreg [dreg:$0x2]  }
0x4: {  	s4 =	srdreg.scid;
	s3 =	stileid.u32  }
0x5: {  	s6 =	simm.s32 $0x0;
	s16 =	simm.s32 $0x9D00;
	s17 =	simm.s32 $0x9  }
0x6: {  	s19 =	simm.s32 $0x80;
	s20 =	simm.s32 $0xBD00;
	s28 =	simm.s32 $0x3  }
0x7: {  	s29 =	simm.s32 $0x4;
	s30 =	simm.s32 $0x5;
	s5 =	smul.u32 $0x14000, s3  }
0x8: {  	s31 =	simm.s32 $0x6;
	s18 =	simm.s32 $0x8;
	s23 =	smul.u32 $0x28000, s3  }
0x9: {  	s4 =	sand.u32 $0x1, s4;
	[smem:$0x7FF] =	sst s6;
	s24 =	smul.u32 $0x9C, s3  }
0xa: {  	s8 =	smin.u32 s3, $0x4;
	p0 =	sgt.u32 s3, $0x3;
	s22 =	smul.u32 $0x14000, s4  }
0xb: {  	s7 =	sshll.u32 s4, $0x6;
	_ =	strace $0x8000004A;
	s4 =	ssub.s32 $0x2, s4  }
0xc: {  	s5 =	sor.u32 s7, s5;
	s25 =	sshrl.u32 s4, $0x1;
	s6 =	sshrl.u32 s23, $0x2  }
0xd: {  	s26 =	sadd.s32 s8, s24;
	s24 =	simm.s32 $0xFD00;
	s13 =	sadd.s32 s22, s0  }
0xe: {  	s5 =	sshrl.u32 s5, $0x3;
	s15 =	ssub.s32 s4, s25;
	s4 =	sadd.s32 s6, s2  }
0xf: {  	s9 =	sshll.u32 s26, $0x4;
	s22 =	simm.s32 $0xDD00;
	s25 =	simm.s32 $0x1  }
0x10: {  	s26 =	simm.s32 $0x2;
	s0 =	sadd.s32 s5, s0;
	s5 =	sadd.s32 $0x2000, s4  }
0x11: {  	s6 =	sadd.s32 $0x4000, s4;
	s7 =	sadd.s32 $0x6000, s4;
	s8 =	sadd.s32 $0x8000, s4  }
0x12: {  	s9 =	sadd.s32 s1, s9;
	s13 =	sadd.s32 $0x1800, s13;
	s15 =	smax.u32 s15, $0x1  }
0x13: {  	s1 =	simm.s32 $0x0;
	s10 =	sadd.s32 $0x9C40, s9;
	s11 =	sadd.s32 $0x9C0, s9  }
0x14: {  	v0 =	vimm.f32 $0.0e+00;
	s12 =	sadd.s32 $0xA600, s9;
	s14 =	sadd.s32 $0x29800, s0;
	s0 =	simm.s32 $0x7  }
.LBB2_1:
0x15: {  	s23 =	simm.s32 $0x100;
	s21 =	simm.s32 $0x0  }
.LBB2_2:
0x16: {  	p1 =	sne.s32 s23, $0x7F00;
	[tilespmem:s21+$0x9D30] =	vst v0;
	s3 =	smov.u32 s23;
	s23 =	sadd.s32 $0x100, s23  }
.Ltmp0:
0x17: {  	[tilespmem:s21+$0x9D20] =	vst v0;
	(pc) =	sbr.rel @p1 .LBB2_2-.Ltmp0, $3  }
0x18: {  	[tilespmem:s21+$0x9D00] =	vst v0  }
0x19: {  	[tilespmem:s21+$0x9D10] =	vst v0;
	_ =	sdelay $0x1  }
0x1a: {  	s21 =	sshra.s32 s3, $0x2  }
0x1b: {  	[tilespmem:s21+$0x9D30] =	vst v0  }
0x1c: {  	[tilespmem:s21+$0x9D20] =	vst v0  }
0x1d: {  	[tilespmem:s21+$0x9D00] =	vst v0  }
0x1e: {  	[tilespmem:s21+$0x9D10] =	vst v0  }
0x1f: {  	[spmem:s4] =	stream.linear.scatter [tilespmem:s16], [sflag:$0x9], $0x2000, $0x38;
	[tilespmem:$0x1BD00] =	vst v63  }
0x20: {  	_ =	swait.ge [sflag:s17], $0x2000  }
0x21: {  	[sflag:s17] =	ssyncset.done $0x0  }
0x22: {  	[sflag:s17] =	ssyncadd.s32 $0xFFFFE000  }
0x23: {  	[spmem:s5] =	stream.linear.scatter [tilespmem:s16], [sflag:$0x9], $0x2000, $0x38;
	[tilespmem:$0x1BD00] =	vst v63  }
0x24: {  	_ =	swait.ge [sflag:s17], $0x2000  }
0x25: {  	[sflag:s17] =	ssyncset.done $0x0  }
0x26: {  	[sflag:s17] =	ssyncadd.s32 $0xFFFFE000  }
0x27: {  	[spmem:s6] =	stream.linear.scatter [tilespmem:s16], [sflag:$0x9], $0x2000, $0x38;
	[tilespmem:$0x1BD00] =	vst v63  }
0x28: {  	_ =	swait.ge [sflag:s17], $0x2000  }
0x29: {  	[sflag:s17] =	ssyncset.done $0x0  }
0x2a: {  	[sflag:s17] =	ssyncadd.s32 $0xFFFFE000  }
0x2b: {  	[spmem:s7] =	stream.linear.scatter [tilespmem:s16], [sflag:$0x9], $0x2000, $0x38;
	[tilespmem:$0x1BD00] =	vst v63  }
0x2c: {  	_ =	swait.ge [sflag:s17], $0x2000  }
0x2d: {  	[sflag:s17] =	ssyncset.done $0x0  }
0x2e: {  	[sflag:s17] =	ssyncadd.s32 $0xFFFFE000  }
0x2f: {  	[spmem:s8] =	stream.linear.scatter [tilespmem:s16], [sflag:$0x9], $0x2000, $0x38;
	[tilespmem:$0x1BD00] =	vst v63  }
0x30: {  	_ =	swait.ge [sflag:s17], $0x2000  }
0x31: {  	[sflag:s17] =	ssyncset.done $0x0  }
0x32: {  	[sflag:s17] =	ssyncadd.s32 $0xFFFFE000  }
0x33: {  	s3 =	simm.s32 $0x0;
	[bflag:$0x0] =	sbarrier.arrive $0xFFFF  }
0x34: {  	[tilespmem:s3], [sflag:$0x9] =	stream.linear.gather [hbm4b:s9+s3], $0x4E00, $0x38;
	[tilespmem:$0x1BD00] =	vst v63  }
0x35: {  	_ =	swait.ge [sflag:s17], $0x4E00  }
0x36: {  	[sflag:s17] =	ssyncset.done $0x0  }
0x37: {  	s23 =	simm.s32 $0x4E80;
	[sflag:s17] =	ssyncadd.s32 $0xFFFFB200  }
0x38: {  	[tilespmem:s23], [sflag:$0x9] =	stream.linear.gather [hbm4b:s10+s3], $0x4E00, $0x38;
	[tilespmem:$0x1BD00] =	vst v63  }
0x39: {  	_ =	swait.ge [sflag:s17], $0x4E00  }
0x3a: {  	[sflag:s17] =	ssyncset.done $0x0  }
0x3b: {  	s21 =	simm.s32 @!p0 $0x4E00;
	s3 =	simm.s32 @!p0 $0x0;
	[sflag:s17] =	ssyncadd.s32 $0xFFFFB200  }
0x3c: {  	[tilespmem:s21], [sflag:$0x9] =	stream.linear.gather @!p0 [hbm4b:s11+s3], $0x80, $0x38;
	[tilespmem:$0x1BD00] =	vst v63  }
0x3d: {  	s21 =	simm.s32 @!p0 $0x9  }
0x3e: {  	_ =	swait.ge @!p0 [sflag:s21], $0x80  }
0x3f: {  	[sflag:s21] =	ssyncset.done @!p0 $0x0  }
0x40: {  	s23 =	simm.s32 @!p0 $0x9C80;
	[sflag:s21] =	ssyncadd.s32 @!p0 $0xFFFFFF80  }
0x41: {  	[tilespmem:s23], [sflag:$0x9] =	stream.linear.gather @!p0 [hbm4b:s12+s3], $0x80, $0x38;
	[tilespmem:$0x1BD00] =	vst v63  }
0x42: {  	_ =	swait.ge @!p0 [sflag:s21], $0x80  }
0x43: {  	[sflag:s21] =	ssyncset.done @!p0 $0x0  }
0x44: {  	[sflag:s21] =	ssyncadd.s32 @!p0 $0xFFFFFF80;
	s21 =	simm.s32 $0x0  }
0x45: {  	[tilespmem:s16], [sflag:$0x1] =	stream.indirect.gather [hbm4b:s13+s19], $0x40, s21, s19, $0xb8;
	[tilespmem:$0x1BD00] =	vst v63  }
0x46: {  	_ = 	snop  }
0x47: {  	[tilespmem:s20], [sflag:$0x2] =	stream.indirect.gather [hbm4b:s13+s19], $0x40, s19, s19, $0xb8;
	[tilespmem:$0x1BD00] =	vst v63  }
0x48: {  	s23 =	simm.s32 $0x100  }
0x49: {  	[tilespmem:s22], [sflag:$0x3] =	stream.indirect.gather [hbm4b:s13+s19], $0x40, s23, s19, $0xb8;
	[tilespmem:$0x1BD00] =	vst v63  }
0x4a: {  	s21 =	simm.s32 $0x180  }
0x4b: {  	[tilespmem:s24], [sflag:$0x4] =	stream.indirect.gather [hbm4b:s13+s19], $0x40, s21, s19, $0xb8;
	[tilespmem:$0x1BD00] =	vst v63  }
0x4c: {  	_ =	swait.ge [sflag:s25], $0x2000  }
0x4d: {  	[sflag:s25] =	ssyncset.done $0x0  }
0x4e: {  	s23 =	simm.s32 $0x4E80;
	[sflag:s25] =	ssyncadd.s32 $0xFFFFE000  }
0x4f: {  	[spmem:s2] =	stream.indirect.scatter.add.f32 [tilespmem:s16], [sflag:$0x5], $0x40, s23, s19, $0xb8;
	[tilespmem:$0x1BD00] =	vst v63  }
0x50: {  	_ =	swait.ge [sflag:s26], $0x2000  }
0x51: {  	[sflag:s26] =	ssyncset.done $0x0  }
0x52: {  	s21 =	simm.s32 $0x4F00;
	[sflag:s26] =	ssyncadd.s32 $0xFFFFE000  }
0x53: {  	[spmem:s2] =	stream.indirect.scatter.add.f32 [tilespmem:s20], [sflag:$0x6], $0x40, s21, s19, $0xb8;
	[tilespmem:$0x1BD00] =	vst v63  }
0x54: {  	_ =	swait.ge [sflag:s28], $0x2000  }
0x55: {  	[sflag:s28] =	ssyncset.done $0x0  }
0x56: {  	s23 =	simm.s32 $0x4F80;
	[sflag:s28] =	ssyncadd.s32 $0xFFFFE000  }
0x57: {  	[spmem:s2] =	stream.indirect.scatter.add.f32 [tilespmem:s22], [sflag:$0x7], $0x40, s23, s19, $0xb8;
	[tilespmem:$0x1BD00] =	vst v63  }
0x58: {  	_ =	swait.ge [sflag:s29], $0x2000  }
0x59: {  	[sflag:s29] =	ssyncset.done $0x0  }
0x5a: {  	s21 =	simm.s32 $0x5000;
	[sflag:s29] =	ssyncadd.s32 $0xFFFFE000  }
0x5b: {  	[spmem:s2] =	stream.indirect.scatter.add.f32 [tilespmem:s24], [sflag:$0x8], $0x40, s21, s19, $0xb8;
	[tilespmem:$0x1BD00] =	vst v63  }
0x5c: {  	_ =	swait.ge [sflag:s30], $0x2000  }
0x5d: {  	[sflag:s30] =	ssyncset.done $0x0  }
0x5e: {  	s23 =	simm.s32 $0x200;
	[sflag:s30] =	ssyncadd.s32 $0xFFFFE000  }
0x5f: {  	[tilespmem:s16], [sflag:$0x1] =	stream.indirect.gather [hbm4b:s13+s19], $0x40, s23, s19, $0xb8;
	[tilespmem:$0x1BD00] =	vst v63  }
0x60: {  	_ =	swait.ge [sflag:s31], $0x2000  }
0x61: {  	[sflag:s31] =	ssyncset.done $0x0  }
0x62: {  	s21 =	simm.s32 $0x280;
	[sflag:s31] =	ssyncadd.s32 $0xFFFFE000  }
0x63: {  	[tilespmem:s20], [sflag:$0x2] =	stream.indirect.gather [hbm4b:s13+s19], $0x40, s21, s19, $0xb8;
	[tilespmem:$0x1BD00] =	vst v63  }
0x64: {  	_ =	swait.ge [sflag:s0], $0x2000  }
0x65: {  	[sflag:s0] =	ssyncset.done $0x0  }
0x66: {  	s23 =	simm.s32 $0x300;
	[sflag:s0] =	ssyncadd.s32 $0xFFFFE000  }
0x67: {  	[tilespmem:s22], [sflag:$0x3] =	stream.indirect.gather [hbm4b:s13+s19], $0x40, s23, s19, $0xb8;
	[tilespmem:$0x1BD00] =	vst v63  }
0x68: {  	_ =	swait.ge [sflag:s18], $0x2000  }
0x69: {  	[sflag:s18] =	ssyncset.done $0x0  }
0x6a: {  	s21 =	simm.s32 $0x800;
	s23 =	simm.s32 $0x380;
	[sflag:s18] =	ssyncadd.s32 $0xFFFFE000  }
.LBB2_4:
0x6b: {  	[tilespmem:s24], [sflag:$0x4] =	stream.indirect.gather [hbm4b:s13+s19], $0x40, s23, s19, $0xb8;
	[tilespmem:$0x1BD00] =	vst v63  }
0x6c: {  	s3 =	smov.u32 s21  }
0x6d: {  	p1 =	sne.s32 s21, $0x12800;
	s21 =	sadd.s32 $0x800, s21;
	_ =	swait.ge [sflag:s25], $0x2000  }
0x6e: {  	s23 =	sshra.s32 s3, $0x2;
	[sflag:s25] =	ssyncset.done $0x0  }
0x6f: {  	s3 =	sadd.s32 $0x4E80, s23;
	[sflag:s25] =	ssyncadd.s32 $0xFFFFE000  }
0x70: {  	[spmem:s2] =	stream.indirect.scatter.add.f32 [tilespmem:s16], [sflag:$0x5], $0x40, s3, s19, $0xb8;
	[tilespmem:$0x1BD00] =	vst v63  }
0x71: {  	_ =	swait.ge [sflag:s26], $0x2000  }
0x72: {  	[sflag:s26] =	ssyncset.done $0x0  }
0x73: {  	s3 =	sadd.s32 $0x4F00, s23;
	[sflag:s26] =	ssyncadd.s32 $0xFFFFE000  }
0x74: {  	[spmem:s2] =	stream.indirect.scatter.add.f32 [tilespmem:s20], [sflag:$0x6], $0x40, s3, s19, $0xb8;
	[tilespmem:$0x1BD00] =	vst v63  }
0x75: {  	_ =	swait.ge [sflag:s28], $0x2000  }
0x76: {  	[sflag:s28] =	ssyncset.done $0x0  }
0x77: {  	s3 =	sadd.s32 $0x4F80, s23;
	[sflag:s28] =	ssyncadd.s32 $0xFFFFE000  }
0x78: {  	[spmem:s2] =	stream.indirect.scatter.add.f32 [tilespmem:s22], [sflag:$0x7], $0x40, s3, s19, $0xb8;
	[tilespmem:$0x1BD00] =	vst v63  }
0x79: {  	_ =	swait.ge [sflag:s29], $0x2000  }
0x7a: {  	[sflag:s29] =	ssyncset.done $0x0  }
0x7b: {  	s3 =	sadd.s32 $0x5000, s23;
	[sflag:s29] =	ssyncadd.s32 $0xFFFFE000  }
0x7c: {  	[spmem:s2] =	stream.indirect.scatter.add.f32 [tilespmem:s24], [sflag:$0x8], $0x40, s3, s19, $0xb8;
	[tilespmem:$0x1BD00] =	vst v63  }
0x7d: {  	_ =	swait.ge [sflag:s30], $0x2000  }
0x7e: {  	[sflag:s30] =	ssyncset.done $0x0  }
0x7f: {  	s3 =	sadd.s32 $0x200, s23;
	[sflag:s30] =	ssyncadd.s32 $0xFFFFE000  }
0x80: {  	[tilespmem:s16], [sflag:$0x1] =	stream.indirect.gather [hbm4b:s13+s19], $0x40, s3, s19, $0xb8;
	[tilespmem:$0x1BD00] =	vst v63  }
0x81: {  	_ =	swait.ge [sflag:s31], $0x2000  }
0x82: {  	[sflag:s31] =	ssyncset.done $0x0  }
0x83: {  	s3 =	sadd.s32 $0x280, s23;
	[sflag:s31] =	ssyncadd.s32 $0xFFFFE000  }
0x84: {  	[tilespmem:s20], [sflag:$0x2] =	stream.indirect.gather [hbm4b:s13+s19], $0x40, s3, s19, $0xb8;
	[tilespmem:$0x1BD00] =	vst v63  }
0x85: {  	_ =	swait.ge [sflag:s0], $0x2000  }
0x86: {  	[sflag:s0] =	ssyncset.done $0x0  }
.Ltmp1:
0x87: {  	s3 =	sadd.s32 $0x300, s23;
	[sflag:s0] =	ssyncadd.s32 $0xFFFFE000;
	(pc) =	sbr.rel @p1 .LBB2_4-.Ltmp1, $4  }
0x88: {  	[tilespmem:s22], [sflag:$0x3] =	stream.indirect.gather [hbm4b:s13+s19], $0x40, s3, s19, $0xb8;
	[tilespmem:$0x1BD00] =	vst v63  }
0x89: {  	_ =	swait.ge [sflag:s18], $0x2000  }
0x8a: {  	[sflag:s18] =	ssyncset.done $0x0  }
0x8b: {  	s23 =	sadd.s32 $0x380, s23;
	[sflag:s18] =	ssyncadd.s32 $0xFFFFE000  }
0x8c: {  	[tilespmem:s24], [sflag:$0x4] =	stream.indirect.gather [hbm4b:s13+s19], $0x40, s23, s19, $0xb8;
	[tilespmem:$0x1BD00] =	vst v63  }
0x8d: {  	_ =	swait.ge [sflag:s25], $0x2000  }
0x8e: {  	[sflag:s25] =	ssyncset.done $0x0  }
0x8f: {  	s3 =	simm.s32 $0x9A80;
	[sflag:s25] =	ssyncadd.s32 $0xFFFFE000  }
0x90: {  	[spmem:s2] =	stream.indirect.scatter.add.f32 [tilespmem:s16], [sflag:$0x5], $0x40, s3, s19, $0xb8;
	[tilespmem:$0x1BD00] =	vst v63  }
0x91: {  	_ =	swait.ge [sflag:s26], $0x2000  }
0x92: {  	[sflag:s26] =	ssyncset.done $0x0  }
0x93: {  	s21 =	simm.s32 $0x9B00;
	[sflag:s26] =	ssyncadd.s32 $0xFFFFE000  }
0x94: {  	[spmem:s2] =	stream.indirect.scatter.add.f32 [tilespmem:s20], [sflag:$0x6], $0x40, s21, s19, $0xb8;
	[tilespmem:$0x1BD00] =	vst v63  }
0x95: {  	_ =	swait.ge [sflag:s28], $0x2000  }
0x96: {  	[sflag:s28] =	ssyncset.done $0x0  }
0x97: {  	s23 =	simm.s32 $0x9B80;
	[sflag:s28] =	ssyncadd.s32 $0xFFFFE000  }
0x98: {  	[spmem:s2] =	stream.indirect.scatter.add.f32 [tilespmem:s22], [sflag:$0x7], $0x40, s23, s19, $0xb8;
	[tilespmem:$0x1BD00] =	vst v63  }
0x99: {  	_ =	swait.ge [sflag:s29], $0x2000  }
0x9a: {  	[sflag:s29] =	ssyncset.done $0x0  }
0x9b: {  	s21 =	simm.s32 $0x9C00;
	[sflag:s29] =	ssyncadd.s32 $0xFFFFE000  }
0x9c: {  	[spmem:s2] =	stream.indirect.scatter.add.f32 [tilespmem:s24], [sflag:$0x8], $0x40, s21, s19, $0xb8;
	[tilespmem:$0x1BD00] =	vst v63  }
0x9d: {  	_ =	swait.ge [sflag:s30], $0x2000  }
0x9e: {  	[sflag:s30] =	ssyncset.done $0x0  }
0x9f: {  	[sflag:s30] =	ssyncadd.s32 $0xFFFFE000  }
0xa0: {  	_ =	swait.ge [sflag:s31], $0x2000  }
0xa1: {  	[sflag:s31] =	ssyncset.done $0x0  }
0xa2: {  	[sflag:s31] =	ssyncadd.s32 $0xFFFFE000  }
0xa3: {  	_ =	swait.ge [sflag:s0], $0x2000  }
0xa4: {  	[sflag:s0] =	ssyncset.done $0x0  }
0xa5: {  	[sflag:s0] =	ssyncadd.s32 $0xFFFFE000  }
0xa6: {  	_ =	swait.ge [sflag:s18], $0x2000  }
0xa7: {  	s3 =	simm.s32 @!p0 $0x80;
	[sflag:s18] =	ssyncset.done $0x0  }
0xa8: {  	s23 =	simm.s32 @!p0 $0x9D00;
	s21 =	simm.s32 @!p0 $0x4E00;
	[sflag:s18] =	ssyncadd.s32 $0xFFFFE000  }
0xa9: {  	[tilespmem:s23], [sflag:$0x1] =	stream.indirect.gather @!p0 [hbm4b:s13+s3], $0x40, s21, s3, $0xb8;
	[tilespmem:$0x1BD00] =	vst v63  }
0xaa: {  	s21 =	simm.s32 @!p0 $0x1  }
0xab: {  	_ =	swait.ge @!p0 [sflag:s21], $0x2000  }
0xac: {  	[sflag:s21] =	ssyncset.done @!p0 $0x0  }
0xad: {  	[sflag:s21] =	ssyncadd.s32 @!p0 $0xFFFFE000;
	s21 =	simm.s32 @!p0 $0x9C80  }
0xae: {  	[spmem:s2] =	stream.indirect.scatter.add.f32 @!p0 [tilespmem:s23], [sflag:$0x9], $0x40, s21, s3, $0xb8;
	[tilespmem:$0x1BD00] =	vst v63  }
0xaf: {  	s1 =	sadd.s32 $0x1, s1;
	s3 =	simm.s32 @!p0 $0x9  }
0xb0: {  	p1 =	sne.s32 s1, s15;
	_ =	swait.ge @!p0 [sflag:s3], $0x2000  }
0xb1: {  	s23 =	stileid.u32;
	s21 =	sshrl.u32 s4, $0x3;
	[sflag:s3] =	ssyncset.done @!p0 $0x0  }
0xb2: {  	[sflag:s3] =	ssyncadd.s32 @!p0 $0xFFFFE000;
	s3 =	sshll.u32 s23, $0x6;
	s23 =	simm.s32 $0x10  }
.Ltmp2:
0xb3: {  	[bflag:$0x0] =	sbarrier.arrive $0xFFFF;
	s3 =	sor.u32 $0x1C09, s3;
	(pc) =	sbr.rel @p1 .LBB2_1-.Ltmp2, $4  }
0xb4: {  	[hbm:s14@s23], [sflag:s3] =	dma.strided [spmem:s21@s18], $0x1400, s25, $0x8   }
0xb5: {  	_ =	swait.ge [sflag:s17], $0x1400  }
0xb6: {  	[sflag:s17] =	ssyncset.done $0x0  }
0xb7: {  	[sflag:s17] =	ssyncadd.s32 $0xFFFFEC00  }
0xb8: {  	_ =	sfence.sel $0x180000  }
0xb9: {  	[bflag:$0x0] =	sbarrier.arrive $0xFFFF  }
0xba: {  	_ =	strace $0x9000004A  }
0xbb: {  	s0 =	stileid.u32;
	[bflag:$0x2] =	sbarrier.arrive $0xFFFF  }
0xbc: {  	p0 =	sne.s32 s0, $0x0;
	s0 =	rddreg [dreg:$0x3]  }
0xbd: {  	s0 =	sadd.s32 @!p0 $0x100000, s0  }
0xbe: {  	[sflag:s0] =	ssyncadd.tile.s32 @!p0 $0x1;
	_ =	shalt  }
.Lfunc_end2:
_tile_overlayer_lowered:
.L_overlay_start_2:
0xbf: {  	(tag) =	ssettag $0x2  }
0xc0: {  	s0 =	rddreg [dreg:$0x0];
	s2 =	stileid.u32  }
0xc1: {  	s1 =	rddreg [dreg:$0x1];
	p0 =	sne.s32 s2, $0x0  }
0xc2: {  	s3 =	rddreg [dreg:$0x2];
	[bflag:$0x3] =	sbarrier.arrive $0xFFFF;
	s2 =	simm.s32 @!p0 $0x1C09  }
0xc3: {  	[timem:s3], [sflag:s2] =	dma.local @!p0 [hbm:s0], s1  }
0xc4: {  	s0 =	simm.s32 @!p0 $0x9  }
0xc5: {  	_ =	swait.ge @!p0 [sflag:s0], s1  }
0xc6: {  	s1 =	ssub.s32 @!p0 $0x0, s1;
	[sflag:s0] =	ssyncset.done @!p0 $0x0  }
0xc7: {  	[sflag:s0] =	ssyncadd.s32 @!p0 s1  }
0xc8: {  	[bflag:$0x3] =	sbarrier.arrive $0xFFFF  }
0xc9: {  	_ =	shalt  }

</sc_bundles>
